<compile_context>
chip_gen: v7x
topology: tpu7x:2x2x1
jax: 0.10.2.dev20260603
libtpu: 0.0.44.dev20260713+nightly
codegen_flags: <defaults>
</compile_context>

<pallas_src>
import functools

import jax
import jax.numpy as jnp
from jax import lax
from jax.experimental import pallas as pl
from jax.experimental.pallas import tpu as pltpu
from jax.experimental.pallas import tpu_sc as plsc


def kernel(joints, joint_maps):
    N, J, C = joints.shape
    (K,) = joint_maps.shape
    maps32 = joint_maps.astype(jnp.int32)
    planes = jnp.transpose(joints, (2, 0, 1))

    info = plsc.get_sparse_core_info()
    NC, NS, L = info.num_cores, info.num_subcores, info.num_lanes
    NW = NC * NS
    B_W = N // NW
    WB = 64
    N_ROUNDS = B_W // WB
    KV = K // L

    mesh = plsc.VectorSubcoreMesh(core_axis_name="c", subcore_axis_name="s")

    @functools.partial(
        pl.kernel,
        mesh=mesh,
        compiler_params=pltpu.CompilerParams(needs_layout_passes=False),
        out_type=jax.ShapeDtypeStruct((C, N, K), jnp.float32),
        scratch_types=[
            pltpu.VMEM((K,), jnp.int32),
            pltpu.VMEM((WB, J), jnp.float32),
            pltpu.VMEM((WB, J), jnp.float32),
            pltpu.VMEM((WB, J), jnp.float32),
            pltpu.VMEM((WB, K), jnp.float32),
            pltpu.VMEM((WB, K), jnp.float32),
            pltpu.SemaphoreType.DMA,
            pltpu.SemaphoreType.DMA,
            pltpu.SemaphoreType.DMA,
            pltpu.SemaphoreType.DMA,
            pltpu.SemaphoreType.DMA,
        ],
    )
    def gather_kernel(
        planes_hbm, maps_hbm, out_hbm, maps_v, win0, win1, win2, res0, res1,
        isem0, isem1, isem2, osem0, osem1,
    ):
        wid = lax.axis_index("s") * NC + lax.axis_index("c")
        base_b = wid * B_W
        wins = (win0, win1, win2)
        ress = (res0, res1)
        isems = (isem0, isem1, isem2)
        osems = (osem0, osem1)

        pltpu.sync_copy(maps_hbm, maps_v)
        mvecs = [maps_v[pl.ds(v * L, L)] for v in range(KV)]

        T_ROUNDS = C * N_ROUNDS

        def in_src(t):
            r = t // N_ROUNDS
            rnd = t - r * N_ROUNDS
            return planes_hbm.at[r, pl.ds(base_b + rnd * WB, WB), :]

        def out_dst(t):
            r = t // N_ROUNDS
            rnd = t - r * N_ROUNDS
            return out_hbm.at[r, pl.ds(base_b + rnd * WB, WB), :]

        pltpu.async_copy(in_src(0), win0, isem0)
        pltpu.async_copy(in_src(1), win1, isem1)

        def round_six(t6, carry):
            for dt in range(6):
                t = t6 * 6 + dt
                w3 = dt % 3
                d2 = dt % 2
                win, res = wins[w3], ress[d2]

                @pl.when(t + 2 < T_ROUNDS)
                def _():
                    pltpu.async_copy(
                        in_src(t + 2), wins[(w3 + 2) % 3], isems[(w3 + 2) % 3]
                    )

                pltpu.make_async_copy(in_src(t), win, isems[w3]).wait()

                @pl.when(t >= 2)
                def _():
                    pltpu.make_async_copy(res, out_dst(t - 2), osems[d2]).wait()

                @plsc.parallel_loop(0, WB, unroll=4)
                def _(bb):
                    bvec = jnp.full((L,), bb, dtype=jnp.int32)
                    for v in range(KV):
                        res[bb, pl.ds(v * L, L)] = plsc.load_gather(
                            win, [bvec, mvecs[v]]
                        )

                pltpu.async_copy(res, out_dst(t), osems[d2])
            return carry

        lax.fori_loop(0, T_ROUNDS // 6, round_six, 0)
        pltpu.make_async_copy(res0, out_dst(T_ROUNDS - 2), osem0).wait()
        pltpu.make_async_copy(res1, out_dst(T_ROUNDS - 1), osem1).wait()

    out = gather_kernel(planes, maps32)
    return jnp.transpose(out, (1, 2, 0))

# --- scband reference (transcript-rebuilt; emitter-appended) ---
"""Pipeline reference for scband-joint-mapper-3100966387733 (READ-ONLY COPY).

The authoritative reference and input builder live on the scoring server;
editing this copy changes nothing except your own understanding.
"""

import jax, jax.numpy as jnp
import numpy as np


def setup_inputs(seed: int = 0) -> dict:
    key = jax.random.key(seed)
    k1, = jax.random.split(key, 1)
    joints = jax.random.normal(k1, (16384, 512, 3), dtype=jnp.float32)
    joint_maps = jnp.asarray([i * 4 for i in range(128)], dtype=jnp.int64)
    return {"joints": joints, "joint_maps": joint_maps}


def reference(joints, joint_maps):
    # torch.index_select(joints, 1, joint_maps)
    return jnp.take(joints, joint_maps, axis=1)

if __name__ == "__main__":
    import jax
    _d = setup_inputs()
    print(jax.jit(kernel)(*tuple(_d.values())))

</pallas_src>

<mosaic_0001>
#map = affine_map<(d0, d1) -> (0, 0, 0)>
#map1 = affine_map<(d0, d1) -> (0)>
module attributes {stable_mosaic.version = 14 : i64} {
  func.func @gather_kernel(%arg0: i32, %arg1: i32, %arg2: memref<3x16384x512xf32, #tpu.memory_space<hbm>>, %arg3: memref<128xi32, #tpu.memory_space<hbm>>, %arg4: memref<3x16384x128xf32, #tpu.memory_space<hbm>>, %arg5: memref<128xi32, #tpu.memory_space<vmem>>, %arg6: memref<64x512xf32, #tpu.memory_space<vmem>>, %arg7: memref<64x512xf32, #tpu.memory_space<vmem>>, %arg8: memref<64x512xf32, #tpu.memory_space<vmem>>, %arg9: memref<64x128xf32, #tpu.memory_space<vmem>>, %arg10: memref<64x128xf32, #tpu.memory_space<vmem>>, %arg11: memref<!tpu.dma_semaphore, #tpu.memory_space<semaphore_mem>>, %arg12: memref<!tpu.dma_semaphore, #tpu.memory_space<semaphore_mem>>, %arg13: memref<!tpu.dma_semaphore, #tpu.memory_space<semaphore_mem>>, %arg14: memref<!tpu.dma_semaphore, #tpu.memory_space<semaphore_mem>>, %arg15: memref<!tpu.dma_semaphore, #tpu.memory_space<semaphore_mem>>) attributes {dimension_semantics = [#tpu.dimension_semantics<core_parallel>, #tpu.dimension_semantics<subcore_parallel>], iteration_bounds = array<i64: 2, 16>, scalar_prefetch = 0 : i64, scratch_operands = 11 : i64, tpu.core_type = #tpu.core_type<sc_vector_subcore>, window_params = [{transform_indices = #map}, {transform_indices = #map1}, {transform_indices = #map}]} {
    %mul3A = arith.constant 2 : i32
    %mul3A_0 = arith.muli %arg1, %mul3A : i32
    %add3A = arith.addi %mul3A_0, %arg0 : i32
    %mul3A_1 = arith.constant 512 : i32
    %mul3A_2 = arith.muli %add3A, %mul3A_1 : i32
    "tpu.region"() ({
      %run_scoped3A = tpu.sem_alloc : memref<!tpu.dma_semaphore, #tpu.memory_space<semaphore_mem>>
      tpu.enqueue_dma source(%arg3 : memref<128xi32, #tpu.memory_space<hbm>>) target(%arg5 : memref<128xi32, #tpu.memory_space<vmem>>) target_semaphore(%run_scoped3A : memref<!tpu.dma_semaphore, #tpu.memory_space<semaphore_mem>>)
      tpu.wait_dma2 semaphore(%run_scoped3A : memref<!tpu.dma_semaphore, #tpu.memory_space<semaphore_mem>>) src(%arg3 : memref<128xi32, #tpu.memory_space<hbm>>) dst(%arg5 : memref<128xi32, #tpu.memory_space<vmem>>)
      tpu.yield
    }) : () -> ()
    %get3A = arith.constant 0 : index
    %get3A_3 = tpu.vector_load %arg5[%get3A] {strides = array<i32>} : memref<128xi32, #tpu.memory_space<vmem>>, vector<16xi32>,
    %get3A_4 = arith.constant 16 : index
    %get3A_5 = tpu.vector_load %arg5[%get3A_4] {strides = array<i32>} : memref<128xi32, #tpu.memory_space<vmem>>, vector<16xi32>,
    %get3A_6 = arith.constant 32 : index
    %get3A_7 = tpu.vector_load %arg5[%get3A_6] {strides = array<i32>} : memref<128xi32, #tpu.memory_space<vmem>>, vector<16xi32>,
    %get3A_8 = arith.constant 48 : index
    %get3A_9 = tpu.vector_load %arg5[%get3A_8] {strides = array<i32>} : memref<128xi32, #tpu.memory_space<vmem>>, vector<16xi32>,
    %get3A_10 = arith.constant 64 : index
    %get3A_11 = tpu.vector_load %arg5[%get3A_10] {strides = array<i32>} : memref<128xi32, #tpu.memory_space<vmem>>, vector<16xi32>,
    %get3A_12 = arith.constant 80 : index
    %get3A_13 = tpu.vector_load %arg5[%get3A_12] {strides = array<i32>} : memref<128xi32, #tpu.memory_space<vmem>>, vector<16xi32>,
    %get3A_14 = arith.constant 96 : index
    %get3A_15 = tpu.vector_load %arg5[%get3A_14] {strides = array<i32>} : memref<128xi32, #tpu.memory_space<vmem>>, vector<16xi32>,
    %get3A_16 = arith.constant 112 : index
    %get3A_17 = tpu.vector_load %arg5[%get3A_16] {strides = array<i32>} : memref<128xi32, #tpu.memory_space<vmem>>, vector<16xi32>,
    %add3A_18 = arith.constant 0 : i32
    %add3A_19 = arith.addi %mul3A_2, %add3A_18 : i32
    %dma_start3A = arith.constant 0 : i32
    %dma_start3A_20 = arith.constant 0 : i32
    %dma_start3A_21 = tpu.memref_slice %arg2[%dma_start3A, %add3A_19, %dma_start3A_20] : memref<3x16384x512xf32, #tpu.memory_space<hbm>> -> memref<1x64x512xf32, #tpu.memory_space<hbm>>
    %dma_start3A_22 = tpu.memref_squeeze %dma_start3A_21 : memref<1x64x512xf32, #tpu.memory_space<hbm>> -> memref<64x512xf32, #tpu.memory_space<hbm>>
    %dma_start3A_23 = arith.constant 0 : i32
    %dma_start3A_24 = tpu.memref_slice %arg2[%dma_start3A, %add3A_19, %dma_start3A_23] : memref<3x16384x512xf32, #tpu.memory_space<hbm>> -> memref<1x64x512xf32, #tpu.memory_space<hbm>>
    %dma_start3A_25 = tpu.memref_squeeze %dma_start3A_24 : memref<1x64x512xf32, #tpu.memory_space<hbm>> -> memref<64x512xf32, #tpu.memory_space<hbm>>
    tpu.enqueue_dma source(%dma_start3A_25 : memref<64x512xf32, #tpu.memory_space<hbm>>) target(%arg6 : memref<64x512xf32, #tpu.memory_space<vmem>>) target_semaphore(%arg11 : memref<!tpu.dma_semaphore, #tpu.memory_space<semaphore_mem>>)
    %add3A_26 = arith.constant 64 : i32
    %add3A_27 = arith.addi %mul3A_2, %add3A_26 : i32
    %dma_start3A_28 = arith.constant 0 : i32
    %dma_start3A_29 = arith.constant 0 : i32
    %dma_start3A_30 = tpu.memref_slice %arg2[%dma_start3A_28, %add3A_27, %dma_start3A_29] : memref<3x16384x512xf32, #tpu.memory_space<hbm>> -> memref<1x64x512xf32, #tpu.memory_space<hbm>>
    %dma_start3A_31 = tpu.memref_squeeze %dma_start3A_30 : memref<1x64x512xf32, #tpu.memory_space<hbm>> -> memref<64x512xf32, #tpu.memory_space<hbm>>
    %dma_start3A_32 = arith.constant 0 : i32
    %dma_start3A_33 = tpu.memref_slice %arg2[%dma_start3A_28, %add3A_27, %dma_start3A_32] : memref<3x16384x512xf32, #tpu.memory_space<hbm>> -> memref<1x64x512xf32, #tpu.memory_space<hbm>>
    %dma_start3A_34 = tpu.memref_squeeze %dma_start3A_33 : memref<1x64x512xf32, #tpu.memory_space<hbm>> -> memref<64x512xf32, #tpu.memory_space<hbm>>
    tpu.enqueue_dma source(%dma_start3A_34 : memref<64x512xf32, #tpu.memory_space<hbm>>) target(%arg7 : memref<64x512xf32, #tpu.memory_space<vmem>>) target_semaphore(%arg12 : memref<!tpu.dma_semaphore, #tpu.memory_space<semaphore_mem>>)
    %scan3A = arith.constant 0 : i32
    %scan3A_35 = arith.constant 0 : i32
    %scan3A_36 = arith.constant 4 : i32
    %scan3A_37 = arith.addi %scan3A_35, %scan3A_36 : i32
    %scan3A_38 = arith.constant 1 : i32
    scf.for %scan3A_57 = %scan3A_35 to %scan3A_37 step %scan3A_38  : i32 {
      %mul3A_58 = arith.constant 6 : i32
      %mul3A_59 = arith.muli %scan3A_57, %mul3A_58 : i32
      %add3A_60 = arith.constant 0 : i32
      %add3A_61 = arith.addi %mul3A_59, %add3A_60 : i32
      %add3A_62 = arith.constant 2 : i32
      %add3A_63 = arith.addi %add3A_61, %add3A_62 : i32
      %lt3A = arith.constant 24 : i32
      %lt3A_64 = arith.cmpi slt, %add3A_63, %lt3A : i32
      %convert_element_type3A = arith.extui %lt3A_64 : i1 to i32
      %cond3A = arith.constant 0 : i32
      %cond3A_65 = arith.cmpi ne, %convert_element_type3A, %cond3A : i32
      scf.if %cond3A_65 {
        %add3A_591 = arith.constant 2 : i32
        %add3A_592 = arith.addi %add3A_61, %add3A_591 : i32
        %jit3A_593 = arith.constant 8 : i32
        %div3A_594 = arith.divsi %add3A_592, %jit3A_593 : i32
        %sign3A_595 = arith.constant 0 : i32
        %sign3A_596 = arith.cmpi sgt, %add3A_592, %sign3A_595 : i32
        %sign3A_597 = arith.extui %sign3A_596 : i1 to i32
        %sign3A_598 = arith.constant 0 : i32
        %sign3A_599 = arith.cmpi slt, %add3A_592, %sign3A_598 : i32
        %sign3A_600 = arith.extui %sign3A_599 : i1 to i32
        %sign3A_601 = arith.subi %sign3A_597, %sign3A_600 : i32
        %sign3A_602 = arith.constant 0 : i32
        %sign3A_603 = arith.cmpi sgt, %jit3A_593, %sign3A_602 : i32
        %sign3A_604 = arith.extui %sign3A_603 : i1 to i32
        %sign3A_605 = arith.constant 0 : i32
        %sign3A_606 = arith.cmpi slt, %jit3A_593, %sign3A_605 : i32
        %sign3A_607 = arith.extui %sign3A_606 : i1 to i32
        %sign3A_608 = arith.subi %sign3A_604, %sign3A_607 : i32
        %ne3A_609 = arith.cmpi ne, %sign3A_601, %sign3A_608 : i32
        %rem3A_610 = arith.remsi %add3A_592, %jit3A_593 : i32
        %ne3A_611 = arith.constant 0 : i32
        %ne3A_612 = arith.cmpi ne, %rem3A_610, %ne3A_611 : i32
        %and3A_613 = arith.andi %ne3A_609, %ne3A_612 : i1
        %sub3A_614 = arith.constant 1 : i32
        %sub3A_615 = arith.subi %div3A_594, %sub3A_614 : i32
        %select_n3A_616 = arith.select %and3A_613, %sub3A_615, %div3A_594 : i32
        %mul3A_617 = arith.constant 8 : i32
        %mul3A_618 = arith.muli %select_n3A_616, %mul3A_617 : i32
        %sub3A_619 = arith.subi %add3A_592, %mul3A_618 : i32
        %mul3A_620 = arith.constant 64 : i32
        %mul3A_621 = arith.muli %sub3A_619, %mul3A_620 : i32
        %add3A_622 = arith.addi %mul3A_2, %mul3A_621 : i32
        %dma_start3A_623 = arith.constant 0 : i32
        %dma_start3A_624 = tpu.memref_slice %arg2[%select_n3A_616, %add3A_622, %dma_start3A_623] : memref<3x16384x512xf32, #tpu.memory_space<hbm>> -> memref<1x64x512xf32, #tpu.memory_space<hbm>>
        %dma_start3A_625 = tpu.memref_squeeze %dma_start3A_624 : memref<1x64x512xf32, #tpu.memory_space<hbm>> -> memref<64x512xf32, #tpu.memory_space<hbm>>
        %dma_start3A_626 = arith.constant 0 : i32
        %dma_start3A_627 = tpu.memref_slice %arg2[%select_n3A_616, %add3A_622, %dma_start3A_626] : memref<3x16384x512xf32, #tpu.memory_space<hbm>> -> memref<1x64x512xf32, #tpu.memory_space<hbm>>
        %dma_start3A_628 = tpu.memref_squeeze %dma_start3A_627 : memref<1x64x512xf32, #tpu.memory_space<hbm>> -> memref<64x512xf32, #tpu.memory_space<hbm>>
        tpu.enqueue_dma source(%dma_start3A_628 : memref<64x512xf32, #tpu.memory_space<hbm>>) target(%arg8 : memref<64x512xf32, #tpu.memory_space<vmem>>) target_semaphore(%arg13 : memref<!tpu.dma_semaphore, #tpu.memory_space<semaphore_mem>>)
      } else {
      }
      %jit3A = arith.constant 8 : i32
      %div3A = arith.divsi %add3A_61, %jit3A : i32
      %sign3A = arith.constant 0 : i32
      %sign3A_66 = arith.cmpi sgt, %add3A_61, %sign3A : i32
      %sign3A_67 = arith.extui %sign3A_66 : i1 to i32
      %sign3A_68 = arith.constant 0 : i32
      %sign3A_69 = arith.cmpi slt, %add3A_61, %sign3A_68 : i32
      %sign3A_70 = arith.extui %sign3A_69 : i1 to i32
      %sign3A_71 = arith.subi %sign3A_67, %sign3A_70 : i32
      %sign3A_72 = arith.constant 0 : i32
      %sign3A_73 = arith.cmpi sgt, %jit3A, %sign3A_72 : i32
      %sign3A_74 = arith.extui %sign3A_73 : i1 to i32
      %sign3A_75 = arith.constant 0 : i32
      %sign3A_76 = arith.cmpi slt, %jit3A, %sign3A_75 : i32
      %sign3A_77 = arith.extui %sign3A_76 : i1 to i32
      %sign3A_78 = arith.subi %sign3A_74, %sign3A_77 : i32
      %ne3A = arith.cmpi ne, %sign3A_71, %sign3A_78 : i32
      %rem3A = arith.remsi %add3A_61, %jit3A : i32
      %ne3A_79 = arith.constant 0 : i32
      %ne3A_80 = arith.cmpi ne, %rem3A, %ne3A_79 : i32
      %and3A = arith.andi %ne3A, %ne3A_80 : i1
      %sub3A = arith.constant 1 : i32
      %sub3A_81 = arith.subi %div3A, %sub3A : i32
      %select_n3A = arith.select %and3A, %sub3A_81, %div3A : i32
      %mul3A_82 = arith.constant 8 : i32
      %mul3A_83 = arith.muli %select_n3A, %mul3A_82 : i32
      %sub3A_84 = arith.subi %add3A_61, %mul3A_83 : i32
      %mul3A_85 = arith.constant 64 : i32
      %mul3A_86 = arith.muli %sub3A_84, %mul3A_85 : i32
      %add3A_87 = arith.addi %mul3A_2, %mul3A_86 : i32
      %dma_wait3A_88 = arith.constant 0 : i32
      %dma_wait3A_89 = tpu.memref_slice %arg2[%select_n3A, %add3A_87, %dma_wait3A_88] : memref<3x16384x512xf32, #tpu.memory_space<hbm>> -> memref<1x64x512xf32, #tpu.memory_space<hbm>>
      %dma_wait3A_90 = tpu.memref_squeeze %dma_wait3A_89 : memref<1x64x512xf32, #tpu.memory_space<hbm>> -> memref<64x512xf32, #tpu.memory_space<hbm>>
      %dma_wait3A_91 = arith.constant 0 : i32
      %dma_wait3A_92 = tpu.memref_slice %arg2[%select_n3A, %add3A_87, %dma_wait3A_91] : memref<3x16384x512xf32, #tpu.memory_space<hbm>> -> memref<1x64x512xf32, #tpu.memory_space<hbm>>
      %dma_wait3A_93 = tpu.memref_squeeze %dma_wait3A_92 : memref<1x64x512xf32, #tpu.memory_space<hbm>> -> memref<64x512xf32, #tpu.memory_space<hbm>>
      tpu.wait_dma2 semaphore(%arg11 : memref<!tpu.dma_semaphore, #tpu.memory_space<semaphore_mem>>) src(%dma_wait3A_93 : memref<64x512xf32, #tpu.memory_space<hbm>>) dst(%arg6 : memref<64x512xf32, #tpu.memory_space<vmem>>)
      %ge3A = arith.constant 2 : i32
      %ge3A_94 = arith.cmpi sge, %add3A_61, %ge3A : i32
      %convert_element_type3A_95 = arith.extui %ge3A_94 : i1 to i32
      %cond3A_96 = arith.constant 0 : i32
      %cond3A_97 = arith.cmpi ne, %convert_element_type3A_95, %cond3A_96 : i32
      scf.if %cond3A_97 {
        %sub3A_591 = arith.constant 2 : i32
        %sub3A_592 = arith.subi %add3A_61, %sub3A_591 : i32
        %jit3A_593 = arith.constant 8 : i32
        %div3A_594 = arith.divsi %sub3A_592, %jit3A_593 : i32
        %sign3A_595 = arith.constant 0 : i32
        %sign3A_596 = arith.cmpi sgt, %sub3A_592, %sign3A_595 : i32
        %sign3A_597 = arith.extui %sign3A_596 : i1 to i32
        %sign3A_598 = arith.constant 0 : i32
        %sign3A_599 = arith.cmpi slt, %sub3A_592, %sign3A_598 : i32
        %sign3A_600 = arith.extui %sign3A_599 : i1 to i32
        %sign3A_601 = arith.subi %sign3A_597, %sign3A_600 : i32
        %sign3A_602 = arith.constant 0 : i32
        %sign3A_603 = arith.cmpi sgt, %jit3A_593, %sign3A_602 : i32
        %sign3A_604 = arith.extui %sign3A_603 : i1 to i32
        %sign3A_605 = arith.constant 0 : i32
        %sign3A_606 = arith.cmpi slt, %jit3A_593, %sign3A_605 : i32
        %sign3A_607 = arith.extui %sign3A_606 : i1 to i32
        %sign3A_608 = arith.subi %sign3A_604, %sign3A_607 : i32
        %ne3A_609 = arith.cmpi ne, %sign3A_601, %sign3A_608 : i32
        %rem3A_610 = arith.remsi %sub3A_592, %jit3A_593 : i32
        %ne3A_611 = arith.constant 0 : i32
        %ne3A_612 = arith.cmpi ne, %rem3A_610, %ne3A_611 : i32
        %and3A_613 = arith.andi %ne3A_609, %ne3A_612 : i1
        %sub3A_614 = arith.constant 1 : i32
        %sub3A_615 = arith.subi %div3A_594, %sub3A_614 : i32
        %select_n3A_616 = arith.select %and3A_613, %sub3A_615, %div3A_594 : i32
        %mul3A_617 = arith.constant 8 : i32
        %mul3A_618 = arith.muli %select_n3A_616, %mul3A_617 : i32
        %sub3A_619 = arith.subi %sub3A_592, %mul3A_618 : i32
        %mul3A_620 = arith.constant 64 : i32
        %mul3A_621 = arith.muli %sub3A_619, %mul3A_620 : i32
        %add3A_622 = arith.addi %mul3A_2, %mul3A_621 : i32
        %dma_wait3A_623 = arith.constant 0 : i32
        %dma_wait3A_624 = tpu.memref_slice %arg4[%select_n3A_616, %add3A_622, %dma_wait3A_623] : memref<3x16384x128xf32, #tpu.memory_space<hbm>> -> memref<1x64x128xf32, #tpu.memory_space<hbm>>
        %dma_wait3A_625 = tpu.memref_squeeze %dma_wait3A_624 : memref<1x64x128xf32, #tpu.memory_space<hbm>> -> memref<64x128xf32, #tpu.memory_space<hbm>>
        %dma_wait3A_626 = arith.constant 0 : i32
        %dma_wait3A_627 = tpu.memref_slice %arg4[%select_n3A_616, %add3A_622, %dma_wait3A_626] : memref<3x16384x128xf32, #tpu.memory_space<hbm>> -> memref<1x64x128xf32, #tpu.memory_space<hbm>>
        %dma_wait3A_628 = tpu.memref_squeeze %dma_wait3A_627 : memref<1x64x128xf32, #tpu.memory_space<hbm>> -> memref<64x128xf32, #tpu.memory_space<hbm>>
        tpu.wait_dma2 semaphore(%arg14 : memref<!tpu.dma_semaphore, #tpu.memory_space<semaphore_mem>>) src(%arg9 : memref<64x128xf32, #tpu.memory_space<vmem>>) dst(%dma_wait3A_628 : memref<64x128xf32, #tpu.memory_space<hbm>>)
      } else {
      }
      %parallel_loop3A = arith.constant 0 : i32
      %parallel_loop3A_98 = arith.constant 64 : i32
      %parallel_loop3A_99 = arith.constant 1 : i32
      scf.for %parallel_loop3A_591 = %parallel_loop3A to %parallel_loop3A_98 step %parallel_loop3A_99  : i32 {
        %parallel_loop3A_592 = vector.broadcast %parallel_loop3A_591 : i32 to vector<16xi32>
        %parallel_loop3A_593 = tpu.vector_load_idx %arg6[%parallel_loop3A_592, %get3A_3] : memref<64x512xf32, #tpu.memory_space<vmem>>[vector<16xi32>, vector<16xi32>], vector<16xf32>,
        %parallel_loop3A_594 = arith.index_cast %parallel_loop3A_591 : i32 to index
        %parallel_loop3A_595 = arith.constant 0 : index
        %parallel_loop3A_596 = tpu.vector_load %arg9[%parallel_loop3A_594, %parallel_loop3A_595] {strides = array<i32>} : memref<64x128xf32, #tpu.memory_space<vmem>>, vector<16xf32>,
        tpu.vector_store %arg9[%parallel_loop3A_594, %parallel_loop3A_595], %parallel_loop3A_593 {strides = array<i32>} : memref<64x128xf32, #tpu.memory_space<vmem>>, vector<16xf32>,
        %parallel_loop3A_597 = tpu.vector_load_idx %arg6[%parallel_loop3A_592, %get3A_5] : memref<64x512xf32, #tpu.memory_space<vmem>>[vector<16xi32>, vector<16xi32>], vector<16xf32>,
        %parallel_loop3A_598 = arith.index_cast %parallel_loop3A_591 : i32 to index
        %parallel_loop3A_599 = arith.constant 16 : index
        %parallel_loop3A_600 = tpu.vector_load %arg9[%parallel_loop3A_598, %parallel_loop3A_599] {strides = array<i32>} : memref<64x128xf32, #tpu.memory_space<vmem>>, vector<16xf32>,
        tpu.vector_store %arg9[%parallel_loop3A_598, %parallel_loop3A_599], %parallel_loop3A_597 {strides = array<i32>} : memref<64x128xf32, #tpu.memory_space<vmem>>, vector<16xf32>,
        %parallel_loop3A_601 = tpu.vector_load_idx %arg6[%parallel_loop3A_592, %get3A_7] : memref<64x512xf32, #tpu.memory_space<vmem>>[vector<16xi32>, vector<16xi32>], vector<16xf32>,
        %parallel_loop3A_602 = arith.index_cast %parallel_loop3A_591 : i32 to index
        %parallel_loop3A_603 = arith.constant 32 : index
        %parallel_loop3A_604 = tpu.vector_load %arg9[%parallel_loop3A_602, %parallel_loop3A_603] {strides = array<i32>} : memref<64x128xf32, #tpu.memory_space<vmem>>, vector<16xf32>,
        tpu.vector_store %arg9[%parallel_loop3A_602, %parallel_loop3A_603], %parallel_loop3A_601 {strides = array<i32>} : memref<64x128xf32, #tpu.memory_space<vmem>>, vector<16xf32>,
        %parallel_loop3A_605 = tpu.vector_load_idx %arg6[%parallel_loop3A_592, %get3A_9] : memref<64x512xf32, #tpu.memory_space<vmem>>[vector<16xi32>, vector<16xi32>], vector<16xf32>,
        %parallel_loop3A_606 = arith.index_cast %parallel_loop3A_591 : i32 to index
        %parallel_loop3A_607 = arith.constant 48 : index
        %parallel_loop3A_608 = tpu.vector_load %arg9[%parallel_loop3A_606, %parallel_loop3A_607] {strides = array<i32>} : memref<64x128xf32, #tpu.memory_space<vmem>>, vector<16xf32>,
        tpu.vector_store %arg9[%parallel_loop3A_606, %parallel_loop3A_607], %parallel_loop3A_605 {strides = array<i32>} : memref<64x128xf32, #tpu.memory_space<vmem>>, vector<16xf32>,
        %parallel_loop3A_609 = tpu.vector_load_idx %arg6[%parallel_loop3A_592, %get3A_11] : memref<64x512xf32, #tpu.memory_space<vmem>>[vector<16xi32>, vector<16xi32>], vector<16xf32>,
        %parallel_loop3A_610 = arith.index_cast %parallel_loop3A_591 : i32 to index
        %parallel_loop3A_611 = arith.constant 64 : index
        %parallel_loop3A_612 = tpu.vector_load %arg9[%parallel_loop3A_610, %parallel_loop3A_611] {strides = array<i32>} : memref<64x128xf32, #tpu.memory_space<vmem>>, vector<16xf32>,
        tpu.vector_store %arg9[%parallel_loop3A_610, %parallel_loop3A_611], %parallel_loop3A_609 {strides = array<i32>} : memref<64x128xf32, #tpu.memory_space<vmem>>, vector<16xf32>,
        %parallel_loop3A_613 = tpu.vector_load_idx %arg6[%parallel_loop3A_592, %get3A_13] : memref<64x512xf32, #tpu.memory_space<vmem>>[vector<16xi32>, vector<16xi32>], vector<16xf32>,
        %parallel_loop3A_614 = arith.index_cast %parallel_loop3A_591 : i32 to index
        %parallel_loop3A_615 = arith.constant 80 : index
        %parallel_loop3A_616 = tpu.vector_load %arg9[%parallel_loop3A_614, %parallel_loop3A_615] {strides = array<i32>} : memref<64x128xf32, #tpu.memory_space<vmem>>, vector<16xf32>,
        tpu.vector_store %arg9[%parallel_loop3A_614, %parallel_loop3A_615], %parallel_loop3A_613 {strides = array<i32>} : memref<64x128xf32, #tpu.memory_space<vmem>>, vector<16xf32>,
        %parallel_loop3A_617 = tpu.vector_load_idx %arg6[%parallel_loop3A_592, %get3A_15] : memref<64x512xf32, #tpu.memory_space<vmem>>[vector<16xi32>, vector<16xi32>], vector<16xf32>,
        %parallel_loop3A_618 = arith.index_cast %parallel_loop3A_591 : i32 to index
        %parallel_loop3A_619 = arith.constant 96 : index
        %parallel_loop3A_620 = tpu.vector_load %arg9[%parallel_loop3A_618, %parallel_loop3A_619] {strides = array<i32>} : memref<64x128xf32, #tpu.memory_space<vmem>>, vector<16xf32>,
        tpu.vector_store %arg9[%parallel_loop3A_618, %parallel_loop3A_619], %parallel_loop3A_617 {strides = array<i32>} : memref<64x128xf32, #tpu.memory_space<vmem>>, vector<16xf32>,
        %parallel_loop3A_621 = tpu.vector_load_idx %arg6[%parallel_loop3A_592, %get3A_17] : memref<64x512xf32, #tpu.memory_space<vmem>>[vector<16xi32>, vector<16xi32>], vector<16xf32>,
        %parallel_loop3A_622 = arith.index_cast %parallel_loop3A_591 : i32 to index
        %parallel_loop3A_623 = arith.constant 112 : index
        %parallel_loop3A_624 = tpu.vector_load %arg9[%parallel_loop3A_622, %parallel_loop3A_623] {strides = array<i32>} : memref<64x128xf32, #tpu.memory_space<vmem>>, vector<16xf32>,
        tpu.vector_store %arg9[%parallel_loop3A_622, %parallel_loop3A_623], %parallel_loop3A_621 {strides = array<i32>} : memref<64x128xf32, #tpu.memory_space<vmem>>, vector<16xf32>,
      } {sc.loop_unroll_factor = 4 : i64, sc.parallel_access}
      %jit3A_100 = arith.constant 8 : i32
      %div3A_101 = arith.divsi %add3A_61, %jit3A_100 : i32
      %sign3A_102 = arith.constant 0 : i32
      %sign3A_103 = arith.cmpi sgt, %add3A_61, %sign3A_102 : i32
      %sign3A_104 = arith.extui %sign3A_103 : i1 to i32
      %sign3A_105 = arith.constant 0 : i32
      %sign3A_106 = arith.cmpi slt, %add3A_61, %sign3A_105 : i32
      %sign3A_107 = arith.extui %sign3A_106 : i1 to i32
      %sign3A_108 = arith.subi %sign3A_104, %sign3A_107 : i32
      %sign3A_109 = arith.constant 0 : i32
      %sign3A_110 = arith.cmpi sgt, %jit3A_100, %sign3A_109 : i32
      %sign3A_111 = arith.extui %sign3A_110 : i1 to i32
      %sign3A_112 = arith.constant 0 : i32
      %sign3A_113 = arith.cmpi slt, %jit3A_100, %sign3A_112 : i32
      %sign3A_114 = arith.extui %sign3A_113 : i1 to i32
      %sign3A_115 = arith.subi %sign3A_111, %sign3A_114 : i32
      %ne3A_116 = arith.cmpi ne, %sign3A_108, %sign3A_115 : i32
      %rem3A_117 = arith.remsi %add3A_61, %jit3A_100 : i32
      %ne3A_118 = arith.constant 0 : i32
      %ne3A_119 = arith.cmpi ne, %rem3A_117, %ne3A_118 : i32
      %and3A_120 = arith.andi %ne3A_116, %ne3A_119 : i1
      %sub3A_121 = arith.constant 1 : i32
      %sub3A_122 = arith.subi %div3A_101, %sub3A_121 : i32
      %select_n3A_123 = arith.select %and3A_120, %sub3A_122, %div3A_101 : i32
      %mul3A_124 = arith.constant 8 : i32
      %mul3A_125 = arith.muli %select_n3A_123, %mul3A_124 : i32
      %sub3A_126 = arith.subi %add3A_61, %mul3A_125 : i32
      %mul3A_127 = arith.constant 64 : i32
      %mul3A_128 = arith.muli %sub3A_126, %mul3A_127 : i32
      %add3A_129 = arith.addi %mul3A_2, %mul3A_128 : i32
      %dma_start3A_130 = arith.constant 0 : i32
      %dma_start3A_131 = tpu.memref_slice %arg4[%select_n3A_123, %add3A_129, %dma_start3A_130] : memref<3x16384x128xf32, #tpu.memory_space<hbm>> -> memref<1x64x128xf32, #tpu.memory_space<hbm>>
      %dma_start3A_132 = tpu.memref_squeeze %dma_start3A_131 : memref<1x64x128xf32, #tpu.memory_space<hbm>> -> memref<64x128xf32, #tpu.memory_space<hbm>>
      %dma_start3A_133 = arith.constant 0 : i32
      %dma_start3A_134 = tpu.memref_slice %arg4[%select_n3A_123, %add3A_129, %dma_start3A_133] : memref<3x16384x128xf32, #tpu.memory_space<hbm>> -> memref<1x64x128xf32, #tpu.memory_space<hbm>>
      %dma_start3A_135 = tpu.memref_squeeze %dma_start3A_134 : memref<1x64x128xf32, #tpu.memory_space<hbm>> -> memref<64x128xf32, #tpu.memory_space<hbm>>
      tpu.enqueue_dma source(%arg9 : memref<64x128xf32, #tpu.memory_space<vmem>>) target(%dma_start3A_135 : memref<64x128xf32, #tpu.memory_space<hbm>>) target_semaphore(%arg14 : memref<!tpu.dma_semaphore, #tpu.memory_space<semaphore_mem>>)
      %mul3A_136 = arith.constant 6 : i32
      %mul3A_137 = arith.muli %scan3A_57, %mul3A_136 : i32
      %add3A_138 = arith.constant 1 : i32
      %add3A_139 = arith.addi %mul3A_137, %add3A_138 : i32
      %add3A_140 = arith.constant 2 : i32
      %add3A_141 = arith.addi %add3A_139, %add3A_140 : i32
      %lt3A_142 = arith.constant 24 : i32
      %lt3A_143 = arith.cmpi slt, %add3A_141, %lt3A_142 : i32
      %convert_element_type3A_144 = arith.extui %lt3A_143 : i1 to i32
      %cond3A_145 = arith.constant 0 : i32
      %cond3A_146 = arith.cmpi ne, %convert_element_type3A_144, %cond3A_145 : i32
      scf.if %cond3A_146 {
        %add3A_591 = arith.constant 2 : i32
        %add3A_592 = arith.addi %add3A_139, %add3A_591 : i32
        %jit3A_593 = arith.constant 8 : i32
        %div3A_594 = arith.divsi %add3A_592, %jit3A_593 : i32
        %sign3A_595 = arith.constant 0 : i32
        %sign3A_596 = arith.cmpi sgt, %add3A_592, %sign3A_595 : i32
        %sign3A_597 = arith.extui %sign3A_596 : i1 to i32
        %sign3A_598 = arith.constant 0 : i32
        %sign3A_599 = arith.cmpi slt, %add3A_592, %sign3A_598 : i32
        %sign3A_600 = arith.extui %sign3A_599 : i1 to i32
        %sign3A_601 = arith.subi %sign3A_597, %sign3A_600 : i32
        %sign3A_602 = arith.constant 0 : i32
        %sign3A_603 = arith.cmpi sgt, %jit3A_593, %sign3A_602 : i32
        %sign3A_604 = arith.extui %sign3A_603 : i1 to i32
        %sign3A_605 = arith.constant 0 : i32
        %sign3A_606 = arith.cmpi slt, %jit3A_593, %sign3A_605 : i32
        %sign3A_607 = arith.extui %sign3A_606 : i1 to i32
        %sign3A_608 = arith.subi %sign3A_604, %sign3A_607 : i32
        %ne3A_609 = arith.cmpi ne, %sign3A_601, %sign3A_608 : i32
        %rem3A_610 = arith.remsi %add3A_592, %jit3A_593 : i32
        %ne3A_611 = arith.constant 0 : i32
        %ne3A_612 = arith.cmpi ne, %rem3A_610, %ne3A_611 : i32
        %and3A_613 = arith.andi %ne3A_609, %ne3A_612 : i1
        %sub3A_614 = arith.constant 1 : i32
        %sub3A_615 = arith.subi %div3A_594, %sub3A_614 : i32
        %select_n3A_616 = arith.select %and3A_613, %sub3A_615, %div3A_594 : i32
        %mul3A_617 = arith.constant 8 : i32
        %mul3A_618 = arith.muli %select_n3A_616, %mul3A_617 : i32
        %sub3A_619 = arith.subi %add3A_592, %mul3A_618 : i32
        %mul3A_620 = arith.constant 64 : i32
        %mul3A_621 = arith.muli %sub3A_619, %mul3A_620 : i32
        %add3A_622 = arith.addi %mul3A_2, %mul3A_621 : i32
        %dma_start3A_623 = arith.constant 0 : i32
        %dma_start3A_624 = tpu.memref_slice %arg2[%select_n3A_616, %add3A_622, %dma_start3A_623] : memref<3x16384x512xf32, #tpu.memory_space<hbm>> -> memref<1x64x512xf32, #tpu.memory_space<hbm>>
        %dma_start3A_625 = tpu.memref_squeeze %dma_start3A_624 : memref<1x64x512xf32, #tpu.memory_space<hbm>> -> memref<64x512xf32, #tpu.memory_space<hbm>>
        %dma_start3A_626 = arith.constant 0 : i32
        %dma_start3A_627 = tpu.memref_slice %arg2[%select_n3A_616, %add3A_622, %dma_start3A_626] : memref<3x16384x512xf32, #tpu.memory_space<hbm>> -> memref<1x64x512xf32, #tpu.memory_space<hbm>>
        %dma_start3A_628 = tpu.memref_squeeze %dma_start3A_627 : memref<1x64x512xf32, #tpu.memory_space<hbm>> -> memref<64x512xf32, #tpu.memory_space<hbm>>
        tpu.enqueue_dma source(%dma_start3A_628 : memref<64x512xf32, #tpu.memory_space<hbm>>) target(%arg6 : memref<64x512xf32, #tpu.memory_space<vmem>>) target_semaphore(%arg11 : memref<!tpu.dma_semaphore, #tpu.memory_space<semaphore_mem>>)
      } else {
      }
      %jit3A_147 = arith.constant 8 : i32
      %div3A_148 = arith.divsi %add3A_139, %jit3A_147 : i32
      %sign3A_149 = arith.constant 0 : i32
      %sign3A_150 = arith.cmpi sgt, %add3A_139, %sign3A_149 : i32
      %sign3A_151 = arith.extui %sign3A_150 : i1 to i32
      %sign3A_152 = arith.constant 0 : i32
      %sign3A_153 = arith.cmpi slt, %add3A_139, %sign3A_152 : i32
      %sign3A_154 = arith.extui %sign3A_153 : i1 to i32
      %sign3A_155 = arith.subi %sign3A_151, %sign3A_154 : i32
      %sign3A_156 = arith.constant 0 : i32
      %sign3A_157 = arith.cmpi sgt, %jit3A_147, %sign3A_156 : i32
      %sign3A_158 = arith.extui %sign3A_157 : i1 to i32
      %sign3A_159 = arith.constant 0 : i32
      %sign3A_160 = arith.cmpi slt, %jit3A_147, %sign3A_159 : i32
      %sign3A_161 = arith.extui %sign3A_160 : i1 to i32
      %sign3A_162 = arith.subi %sign3A_158, %sign3A_161 : i32
      %ne3A_163 = arith.cmpi ne, %sign3A_155, %sign3A_162 : i32
      %rem3A_164 = arith.remsi %add3A_139, %jit3A_147 : i32
      %ne3A_165 = arith.constant 0 : i32
      %ne3A_166 = arith.cmpi ne, %rem3A_164, %ne3A_165 : i32
      %and3A_167 = arith.andi %ne3A_163, %ne3A_166 : i1
      %sub3A_168 = arith.constant 1 : i32
      %sub3A_169 = arith.subi %div3A_148, %sub3A_168 : i32
      %select_n3A_170 = arith.select %and3A_167, %sub3A_169, %div3A_148 : i32
      %mul3A_171 = arith.constant 8 : i32
      %mul3A_172 = arith.muli %select_n3A_170, %mul3A_171 : i32
      %sub3A_173 = arith.subi %add3A_139, %mul3A_172 : i32
      %mul3A_174 = arith.constant 64 : i32
      %mul3A_175 = arith.muli %sub3A_173, %mul3A_174 : i32
      %add3A_176 = arith.addi %mul3A_2, %mul3A_175 : i32
      %dma_wait3A_177 = arith.constant 0 : i32
      %dma_wait3A_178 = tpu.memref_slice %arg2[%select_n3A_170, %add3A_176, %dma_wait3A_177] : memref<3x16384x512xf32, #tpu.memory_space<hbm>> -> memref<1x64x512xf32, #tpu.memory_space<hbm>>
      %dma_wait3A_179 = tpu.memref_squeeze %dma_wait3A_178 : memref<1x64x512xf32, #tpu.memory_space<hbm>> -> memref<64x512xf32, #tpu.memory_space<hbm>>
      %dma_wait3A_180 = arith.constant 0 : i32
      %dma_wait3A_181 = tpu.memref_slice %arg2[%select_n3A_170, %add3A_176, %dma_wait3A_180] : memref<3x16384x512xf32, #tpu.memory_space<hbm>> -> memref<1x64x512xf32, #tpu.memory_space<hbm>>
      %dma_wait3A_182 = tpu.memref_squeeze %dma_wait3A_181 : memref<1x64x512xf32, #tpu.memory_space<hbm>> -> memref<64x512xf32, #tpu.memory_space<hbm>>
      tpu.wait_dma2 semaphore(%arg12 : memref<!tpu.dma_semaphore, #tpu.memory_space<semaphore_mem>>) src(%dma_wait3A_182 : memref<64x512xf32, #tpu.memory_space<hbm>>) dst(%arg7 : memref<64x512xf32, #tpu.memory_space<vmem>>)
      %ge3A_183 = arith.constant 2 : i32
      %ge3A_184 = arith.cmpi sge, %add3A_139, %ge3A_183 : i32
      %convert_element_type3A_185 = arith.extui %ge3A_184 : i1 to i32
      %cond3A_186 = arith.constant 0 : i32
      %cond3A_187 = arith.cmpi ne, %convert_element_type3A_185, %cond3A_186 : i32
      scf.if %cond3A_187 {
        %sub3A_591 = arith.constant 2 : i32
        %sub3A_592 = arith.subi %add3A_139, %sub3A_591 : i32
        %jit3A_593 = arith.constant 8 : i32
        %div3A_594 = arith.divsi %sub3A_592, %jit3A_593 : i32
        %sign3A_595 = arith.constant 0 : i32
        %sign3A_596 = arith.cmpi sgt, %sub3A_592, %sign3A_595 : i32
        %sign3A_597 = arith.extui %sign3A_596 : i1 to i32
        %sign3A_598 = arith.constant 0 : i32
        %sign3A_599 = arith.cmpi slt, %sub3A_592, %sign3A_598 : i32
        %sign3A_600 = arith.extui %sign3A_599 : i1 to i32
        %sign3A_601 = arith.subi %sign3A_597, %sign3A_600 : i32
        %sign3A_602 = arith.constant 0 : i32
        %sign3A_603 = arith.cmpi sgt, %jit3A_593, %sign3A_602 : i32
        %sign3A_604 = arith.extui %sign3A_603 : i1 to i32
        %sign3A_605 = arith.constant 0 : i32
        %sign3A_606 = arith.cmpi slt, %jit3A_593, %sign3A_605 : i32
        %sign3A_607 = arith.extui %sign3A_606 : i1 to i32
        %sign3A_608 = arith.subi %sign3A_604, %sign3A_607 : i32
        %ne3A_609 = arith.cmpi ne, %sign3A_601, %sign3A_608 : i32
        %rem3A_610 = arith.remsi %sub3A_592, %jit3A_593 : i32
        %ne3A_611 = arith.constant 0 : i32
        %ne3A_612 = arith.cmpi ne, %rem3A_610, %ne3A_611 : i32
        %and3A_613 = arith.andi %ne3A_609, %ne3A_612 : i1
        %sub3A_614 = arith.constant 1 : i32
        %sub3A_615 = arith.subi %div3A_594, %sub3A_614 : i32
        %select_n3A_616 = arith.select %and3A_613, %sub3A_615, %div3A_594 : i32
        %mul3A_617 = arith.constant 8 : i32
        %mul3A_618 = arith.muli %select_n3A_616, %mul3A_617 : i32
        %sub3A_619 = arith.subi %sub3A_592, %mul3A_618 : i32
        %mul3A_620 = arith.constant 64 : i32
        %mul3A_621 = arith.muli %sub3A_619, %mul3A_620 : i32
        %add3A_622 = arith.addi %mul3A_2, %mul3A_621 : i32
        %dma_wait3A_623 = arith.constant 0 : i32
        %dma_wait3A_624 = tpu.memref_slice %arg4[%select_n3A_616, %add3A_622, %dma_wait3A_623] : memref<3x16384x128xf32, #tpu.memory_space<hbm>> -> memref<1x64x128xf32, #tpu.memory_space<hbm>>
        %dma_wait3A_625 = tpu.memref_squeeze %dma_wait3A_624 : memref<1x64x128xf32, #tpu.memory_space<hbm>> -> memref<64x128xf32, #tpu.memory_space<hbm>>
        %dma_wait3A_626 = arith.constant 0 : i32
        %dma_wait3A_627 = tpu.memref_slice %arg4[%select_n3A_616, %add3A_622, %dma_wait3A_626] : memref<3x16384x128xf32, #tpu.memory_space<hbm>> -> memref<1x64x128xf32, #tpu.memory_space<hbm>>
        %dma_wait3A_628 = tpu.memref_squeeze %dma_wait3A_627 : memref<1x64x128xf32, #tpu.memory_space<hbm>> -> memref<64x128xf32, #tpu.memory_space<hbm>>
        tpu.wait_dma2 semaphore(%arg15 : memref<!tpu.dma_semaphore, #tpu.memory_space<semaphore_mem>>) src(%arg10 : memref<64x128xf32, #tpu.memory_space<vmem>>) dst(%dma_wait3A_628 : memref<64x128xf32, #tpu.memory_space<hbm>>)
      } else {
      }
      %parallel_loop3A_188 = arith.constant 0 : i32
      %parallel_loop3A_189 = arith.constant 64 : i32
      %parallel_loop3A_190 = arith.constant 1 : i32
      scf.for %parallel_loop3A_591 = %parallel_loop3A_188 to %parallel_loop3A_189 step %parallel_loop3A_190  : i32 {
        %parallel_loop3A_592 = vector.broadcast %parallel_loop3A_591 : i32 to vector<16xi32>
        %parallel_loop3A_593 = tpu.vector_load_idx %arg7[%parallel_loop3A_592, %get3A_3] : memref<64x512xf32, #tpu.memory_space<vmem>>[vector<16xi32>, vector<16xi32>], vector<16xf32>,
        %parallel_loop3A_594 = arith.index_cast %parallel_loop3A_591 : i32 to index
        %parallel_loop3A_595 = arith.constant 0 : index
        %parallel_loop3A_596 = tpu.vector_load %arg10[%parallel_loop3A_594, %parallel_loop3A_595] {strides = array<i32>} : memref<64x128xf32, #tpu.memory_space<vmem>>, vector<16xf32>,
        tpu.vector_store %arg10[%parallel_loop3A_594, %parallel_loop3A_595], %parallel_loop3A_593 {strides = array<i32>} : memref<64x128xf32, #tpu.memory_space<vmem>>, vector<16xf32>,
        %parallel_loop3A_597 = tpu.vector_load_idx %arg7[%parallel_loop3A_592, %get3A_5] : memref<64x512xf32, #tpu.memory_space<vmem>>[vector<16xi32>, vector<16xi32>], vector<16xf32>,
        %parallel_loop3A_598 = arith.index_cast %parallel_loop3A_591 : i32 to index
        %parallel_loop3A_599 = arith.constant 16 : index
        %parallel_loop3A_600 = tpu.vector_load %arg10[%parallel_loop3A_598, %parallel_loop3A_599] {strides = array<i32>} : memref<64x128xf32, #tpu.memory_space<vmem>>, vector<16xf32>,
        tpu.vector_store %arg10[%parallel_loop3A_598, %parallel_loop3A_599], %parallel_loop3A_597 {strides = array<i32>} : memref<64x128xf32, #tpu.memory_space<vmem>>, vector<16xf32>,
        %parallel_loop3A_601 = tpu.vector_load_idx %arg7[%parallel_loop3A_592, %get3A_7] : memref<64x512xf32, #tpu.memory_space<vmem>>[vector<16xi32>, vector<16xi32>], vector<16xf32>,
        %parallel_loop3A_602 = arith.index_cast %parallel_loop3A_591 : i32 to index
        %parallel_loop3A_603 = arith.constant 32 : index
        %parallel_loop3A_604 = tpu.vector_load %arg10[%parallel_loop3A_602, %parallel_loop3A_603] {strides = array<i32>} : memref<64x128xf32, #tpu.memory_space<vmem>>, vector<16xf32>,
        tpu.vector_store %arg10[%parallel_loop3A_602, %parallel_loop3A_603], %parallel_loop3A_601 {strides = array<i32>} : memref<64x128xf32, #tpu.memory_space<vmem>>, vector<16xf32>,
        %parallel_loop3A_605 = tpu.vector_load_idx %arg7[%parallel_loop3A_592, %get3A_9] : memref<64x512xf32, #tpu.memory_space<vmem>>[vector<16xi32>, vector<16xi32>], vector<16xf32>,
        %parallel_loop3A_606 = arith.index_cast %parallel_loop3A_591 : i32 to index
        %parallel_loop3A_607 = arith.constant 48 : index
        %parallel_loop3A_608 = tpu.vector_load %arg10[%parallel_loop3A_606, %parallel_loop3A_607] {strides = array<i32>} : memref<64x128xf32, #tpu.memory_space<vmem>>, vector<16xf32>,
        tpu.vector_store %arg10[%parallel_loop3A_606, %parallel_loop3A_607], %parallel_loop3A_605 {strides = array<i32>} : memref<64x128xf32, #tpu.memory_space<vmem>>, vector<16xf32>,
        %parallel_loop3A_609 = tpu.vector_load_idx %arg7[%parallel_loop3A_592, %get3A_11] : memref<64x512xf32, #tpu.memory_space<vmem>>[vector<16xi32>, vector<16xi32>], vector<16xf32>,
        %parallel_loop3A_610 = arith.index_cast %parallel_loop3A_591 : i32 to index
        %parallel_loop3A_611 = arith.constant 64 : index
        %parallel_loop3A_612 = tpu.vector_load %arg10[%parallel_loop3A_610, %parallel_loop3A_611] {strides = array<i32>} : memref<64x128xf32, #tpu.memory_space<vmem>>, vector<16xf32>,
        tpu.vector_store %arg10[%parallel_loop3A_610, %parallel_loop3A_611], %parallel_loop3A_609 {strides = array<i32>} : memref<64x128xf32, #tpu.memory_space<vmem>>, vector<16xf32>,
        %parallel_loop3A_613 = tpu.vector_load_idx %arg7[%parallel_loop3A_592, %get3A_13] : memref<64x512xf32, #tpu.memory_space<vmem>>[vector<16xi32>, vector<16xi32>], vector<16xf32>,
        %parallel_loop3A_614 = arith.index_cast %parallel_loop3A_591 : i32 to index
        %parallel_loop3A_615 = arith.constant 80 : index
        %parallel_loop3A_616 = tpu.vector_load %arg10[%parallel_loop3A_614, %parallel_loop3A_615] {strides = array<i32>} : memref<64x128xf32, #tpu.memory_space<vmem>>, vector<16xf32>,
        tpu.vector_store %arg10[%parallel_loop3A_614, %parallel_loop3A_615], %parallel_loop3A_613 {strides = array<i32>} : memref<64x128xf32, #tpu.memory_space<vmem>>, vector<16xf32>,
        %parallel_loop3A_617 = tpu.vector_load_idx %arg7[%parallel_loop3A_592, %get3A_15] : memref<64x512xf32, #tpu.memory_space<vmem>>[vector<16xi32>, vector<16xi32>], vector<16xf32>,
        %parallel_loop3A_618 = arith.index_cast %parallel_loop3A_591 : i32 to index
        %parallel_loop3A_619 = arith.constant 96 : index
        %parallel_loop3A_620 = tpu.vector_load %arg10[%parallel_loop3A_618, %parallel_loop3A_619] {strides = array<i32>} : memref<64x128xf32, #tpu.memory_space<vmem>>, vector<16xf32>,
        tpu.vector_store %arg10[%parallel_loop3A_618, %parallel_loop3A_619], %parallel_loop3A_617 {strides = array<i32>} : memref<64x128xf32, #tpu.memory_space<vmem>>, vector<16xf32>,
        %parallel_loop3A_621 = tpu.vector_load_idx %arg7[%parallel_loop3A_592, %get3A_17] : memref<64x512xf32, #tpu.memory_space<vmem>>[vector<16xi32>, vector<16xi32>], vector<16xf32>,
        %parallel_loop3A_622 = arith.index_cast %parallel_loop3A_591 : i32 to index
        %parallel_loop3A_623 = arith.constant 112 : index
        %parallel_loop3A_624 = tpu.vector_load %arg10[%parallel_loop3A_622, %parallel_loop3A_623] {strides = array<i32>} : memref<64x128xf32, #tpu.memory_space<vmem>>, vector<16xf32>,
        tpu.vector_store %arg10[%parallel_loop3A_622, %parallel_loop3A_623], %parallel_loop3A_621 {strides = array<i32>} : memref<64x128xf32, #tpu.memory_space<vmem>>, vector<16xf32>,
      } {sc.loop_unroll_factor = 4 : i64, sc.parallel_access}
      %jit3A_191 = arith.constant 8 : i32
      %div3A_192 = arith.divsi %add3A_139, %jit3A_191 : i32
      %sign3A_193 = arith.constant 0 : i32
      %sign3A_194 = arith.cmpi sgt, %add3A_139, %sign3A_193 : i32
      %sign3A_195 = arith.extui %sign3A_194 : i1 to i32
      %sign3A_196 = arith.constant 0 : i32
      %sign3A_197 = arith.cmpi slt, %add3A_139, %sign3A_196 : i32
      %sign3A_198 = arith.extui %sign3A_197 : i1 to i32
      %sign3A_199 = arith.subi %sign3A_195, %sign3A_198 : i32
      %sign3A_200 = arith.constant 0 : i32
      %sign3A_201 = arith.cmpi sgt, %jit3A_191, %sign3A_200 : i32
      %sign3A_202 = arith.extui %sign3A_201 : i1 to i32
      %sign3A_203 = arith.constant 0 : i32
      %sign3A_204 = arith.cmpi slt, %jit3A_191, %sign3A_203 : i32
      %sign3A_205 = arith.extui %sign3A_204 : i1 to i32
      %sign3A_206 = arith.subi %sign3A_202, %sign3A_205 : i32
      %ne3A_207 = arith.cmpi ne, %sign3A_199, %sign3A_206 : i32
      %rem3A_208 = arith.remsi %add3A_139, %jit3A_191 : i32
      %ne3A_209 = arith.constant 0 : i32
      %ne3A_210 = arith.cmpi ne, %rem3A_208, %ne3A_209 : i32
      %and3A_211 = arith.andi %ne3A_207, %ne3A_210 : i1
      %sub3A_212 = arith.constant 1 : i32
      %sub3A_213 = arith.subi %div3A_192, %sub3A_212 : i32
      %select_n3A_214 = arith.select %and3A_211, %sub3A_213, %div3A_192 : i32
      %mul3A_215 = arith.constant 8 : i32
      %mul3A_216 = arith.muli %select_n3A_214, %mul3A_215 : i32
      %sub3A_217 = arith.subi %add3A_139, %mul3A_216 : i32
      %mul3A_218 = arith.constant 64 : i32
      %mul3A_219 = arith.muli %sub3A_217, %mul3A_218 : i32
      %add3A_220 = arith.addi %mul3A_2, %mul3A_219 : i32
      %dma_start3A_221 = arith.constant 0 : i32
      %dma_start3A_222 = tpu.memref_slice %arg4[%select_n3A_214, %add3A_220, %dma_start3A_221] : memref<3x16384x128xf32, #tpu.memory_space<hbm>> -> memref<1x64x128xf32, #tpu.memory_space<hbm>>
      %dma_start3A_223 = tpu.memref_squeeze %dma_start3A_222 : memref<1x64x128xf32, #tpu.memory_space<hbm>> -> memref<64x128xf32, #tpu.memory_space<hbm>>
      %dma_start3A_224 = arith.constant 0 : i32
      %dma_start3A_225 = tpu.memref_slice %arg4[%select_n3A_214, %add3A_220, %dma_start3A_224] : memref<3x16384x128xf32, #tpu.memory_space<hbm>> -> memref<1x64x128xf32, #tpu.memory_space<hbm>>
      %dma_start3A_226 = tpu.memref_squeeze %dma_start3A_225 : memref<1x64x128xf32, #tpu.memory_space<hbm>> -> memref<64x128xf32, #tpu.memory_space<hbm>>
      tpu.enqueue_dma source(%arg10 : memref<64x128xf32, #tpu.memory_space<vmem>>) target(%dma_start3A_226 : memref<64x128xf32, #tpu.memory_space<hbm>>) target_semaphore(%arg15 : memref<!tpu.dma_semaphore, #tpu.memory_space<semaphore_mem>>)
      %mul3A_227 = arith.constant 6 : i32
      %mul3A_228 = arith.muli %scan3A_57, %mul3A_227 : i32
      %add3A_229 = arith.constant 2 : i32
      %add3A_230 = arith.addi %mul3A_228, %add3A_229 : i32
      %add3A_231 = arith.constant 2 : i32
      %add3A_232 = arith.addi %add3A_230, %add3A_231 : i32
      %lt3A_233 = arith.constant 24 : i32
      %lt3A_234 = arith.cmpi slt, %add3A_232, %lt3A_233 : i32
      %convert_element_type3A_235 = arith.extui %lt3A_234 : i1 to i32
      %cond3A_236 = arith.constant 0 : i32
      %cond3A_237 = arith.cmpi ne, %convert_element_type3A_235, %cond3A_236 : i32
      scf.if %cond3A_237 {
        %add3A_591 = arith.constant 2 : i32
        %add3A_592 = arith.addi %add3A_230, %add3A_591 : i32
        %jit3A_593 = arith.constant 8 : i32
        %div3A_594 = arith.divsi %add3A_592, %jit3A_593 : i32
        %sign3A_595 = arith.constant 0 : i32
        %sign3A_596 = arith.cmpi sgt, %add3A_592, %sign3A_595 : i32
        %sign3A_597 = arith.extui %sign3A_596 : i1 to i32
        %sign3A_598 = arith.constant 0 : i32
        %sign3A_599 = arith.cmpi slt, %add3A_592, %sign3A_598 : i32
        %sign3A_600 = arith.extui %sign3A_599 : i1 to i32
        %sign3A_601 = arith.subi %sign3A_597, %sign3A_600 : i32
        %sign3A_602 = arith.constant 0 : i32
        %sign3A_603 = arith.cmpi sgt, %jit3A_593, %sign3A_602 : i32
        %sign3A_604 = arith.extui %sign3A_603 : i1 to i32
        %sign3A_605 = arith.constant 0 : i32
        %sign3A_606 = arith.cmpi slt, %jit3A_593, %sign3A_605 : i32
        %sign3A_607 = arith.extui %sign3A_606 : i1 to i32
        %sign3A_608 = arith.subi %sign3A_604, %sign3A_607 : i32
        %ne3A_609 = arith.cmpi ne, %sign3A_601, %sign3A_608 : i32
        %rem3A_610 = arith.remsi %add3A_592, %jit3A_593 : i32
        %ne3A_611 = arith.constant 0 : i32
        %ne3A_612 = arith.cmpi ne, %rem3A_610, %ne3A_611 : i32
        %and3A_613 = arith.andi %ne3A_609, %ne3A_612 : i1
        %sub3A_614 = arith.constant 1 : i32
        %sub3A_615 = arith.subi %div3A_594, %sub3A_614 : i32
        %select_n3A_616 = arith.select %and3A_613, %sub3A_615, %div3A_594 : i32
        %mul3A_617 = arith.constant 8 : i32
        %mul3A_618 = arith.muli %select_n3A_616, %mul3A_617 : i32
        %sub3A_619 = arith.subi %add3A_592, %mul3A_618 : i32
        %mul3A_620 = arith.constant 64 : i32
        %mul3A_621 = arith.muli %sub3A_619, %mul3A_620 : i32
        %add3A_622 = arith.addi %mul3A_2, %mul3A_621 : i32
        %dma_start3A_623 = arith.constant 0 : i32
        %dma_start3A_624 = tpu.memref_slice %arg2[%select_n3A_616, %add3A_622, %dma_start3A_623] : memref<3x16384x512xf32, #tpu.memory_space<hbm>> -> memref<1x64x512xf32, #tpu.memory_space<hbm>>
        %dma_start3A_625 = tpu.memref_squeeze %dma_start3A_624 : memref<1x64x512xf32, #tpu.memory_space<hbm>> -> memref<64x512xf32, #tpu.memory_space<hbm>>
        %dma_start3A_626 = arith.constant 0 : i32
        %dma_start3A_627 = tpu.memref_slice %arg2[%select_n3A_616, %add3A_622, %dma_start3A_626] : memref<3x16384x512xf32, #tpu.memory_space<hbm>> -> memref<1x64x512xf32, #tpu.memory_space<hbm>>
        %dma_start3A_628 = tpu.memref_squeeze %dma_start3A_627 : memref<1x64x512xf32, #tpu.memory_space<hbm>> -> memref<64x512xf32, #tpu.memory_space<hbm>>
        tpu.enqueue_dma source(%dma_start3A_628 : memref<64x512xf32, #tpu.memory_space<hbm>>) target(%arg7 : memref<64x512xf32, #tpu.memory_space<vmem>>) target_semaphore(%arg12 : memref<!tpu.dma_semaphore, #tpu.memory_space<semaphore_mem>>)
      } else {
      }
      %jit3A_238 = arith.constant 8 : i32
      %div3A_239 = arith.divsi %add3A_230, %jit3A_238 : i32
      %sign3A_240 = arith.constant 0 : i32
      %sign3A_241 = arith.cmpi sgt, %add3A_230, %sign3A_240 : i32
      %sign3A_242 = arith.extui %sign3A_241 : i1 to i32
      %sign3A_243 = arith.constant 0 : i32
      %sign3A_244 = arith.cmpi slt, %add3A_230, %sign3A_243 : i32
      %sign3A_245 = arith.extui %sign3A_244 : i1 to i32
      %sign3A_246 = arith.subi %sign3A_242, %sign3A_245 : i32
      %sign3A_247 = arith.constant 0 : i32
      %sign3A_248 = arith.cmpi sgt, %jit3A_238, %sign3A_247 : i32
      %sign3A_249 = arith.extui %sign3A_248 : i1 to i32
      %sign3A_250 = arith.constant 0 : i32
      %sign3A_251 = arith.cmpi slt, %jit3A_238, %sign3A_250 : i32
      %sign3A_252 = arith.extui %sign3A_251 : i1 to i32
      %sign3A_253 = arith.subi %sign3A_249, %sign3A_252 : i32
      %ne3A_254 = arith.cmpi ne, %sign3A_246, %sign3A_253 : i32
      %rem3A_255 = arith.remsi %add3A_230, %jit3A_238 : i32
      %ne3A_256 = arith.constant 0 : i32
      %ne3A_257 = arith.cmpi ne, %rem3A_255, %ne3A_256 : i32
      %and3A_258 = arith.andi %ne3A_254, %ne3A_257 : i1
      %sub3A_259 = arith.constant 1 : i32
      %sub3A_260 = arith.subi %div3A_239, %sub3A_259 : i32
      %select_n3A_261 = arith.select %and3A_258, %sub3A_260, %div3A_239 : i32
      %mul3A_262 = arith.constant 8 : i32
      %mul3A_263 = arith.muli %select_n3A_261, %mul3A_262 : i32
      %sub3A_264 = arith.subi %add3A_230, %mul3A_263 : i32
      %mul3A_265 = arith.constant 64 : i32
      %mul3A_266 = arith.muli %sub3A_264, %mul3A_265 : i32
      %add3A_267 = arith.addi %mul3A_2, %mul3A_266 : i32
      %dma_wait3A_268 = arith.constant 0 : i32
      %dma_wait3A_269 = tpu.memref_slice %arg2[%select_n3A_261, %add3A_267, %dma_wait3A_268] : memref<3x16384x512xf32, #tpu.memory_space<hbm>> -> memref<1x64x512xf32, #tpu.memory_space<hbm>>
      %dma_wait3A_270 = tpu.memref_squeeze %dma_wait3A_269 : memref<1x64x512xf32, #tpu.memory_space<hbm>> -> memref<64x512xf32, #tpu.memory_space<hbm>>
      %dma_wait3A_271 = arith.constant 0 : i32
      %dma_wait3A_272 = tpu.memref_slice %arg2[%select_n3A_261, %add3A_267, %dma_wait3A_271] : memref<3x16384x512xf32, #tpu.memory_space<hbm>> -> memref<1x64x512xf32, #tpu.memory_space<hbm>>
      %dma_wait3A_273 = tpu.memref_squeeze %dma_wait3A_272 : memref<1x64x512xf32, #tpu.memory_space<hbm>> -> memref<64x512xf32, #tpu.memory_space<hbm>>
      tpu.wait_dma2 semaphore(%arg13 : memref<!tpu.dma_semaphore, #tpu.memory_space<semaphore_mem>>) src(%dma_wait3A_273 : memref<64x512xf32, #tpu.memory_space<hbm>>) dst(%arg8 : memref<64x512xf32, #tpu.memory_space<vmem>>)
      %ge3A_274 = arith.constant 2 : i32
      %ge3A_275 = arith.cmpi sge, %add3A_230, %ge3A_274 : i32
      %convert_element_type3A_276 = arith.extui %ge3A_275 : i1 to i32
      %cond3A_277 = arith.constant 0 : i32
      %cond3A_278 = arith.cmpi ne, %convert_element_type3A_276, %cond3A_277 : i32
      scf.if %cond3A_278 {
        %sub3A_591 = arith.constant 2 : i32
        %sub3A_592 = arith.subi %add3A_230, %sub3A_591 : i32
        %jit3A_593 = arith.constant 8 : i32
        %div3A_594 = arith.divsi %sub3A_592, %jit3A_593 : i32
        %sign3A_595 = arith.constant 0 : i32
        %sign3A_596 = arith.cmpi sgt, %sub3A_592, %sign3A_595 : i32
        %sign3A_597 = arith.extui %sign3A_596 : i1 to i32
        %sign3A_598 = arith.constant 0 : i32
        %sign3A_599 = arith.cmpi slt, %sub3A_592, %sign3A_598 : i32
        %sign3A_600 = arith.extui %sign3A_599 : i1 to i32
        %sign3A_601 = arith.subi %sign3A_597, %sign3A_600 : i32
        %sign3A_602 = arith.constant 0 : i32
        %sign3A_603 = arith.cmpi sgt, %jit3A_593, %sign3A_602 : i32
        %sign3A_604 = arith.extui %sign3A_603 : i1 to i32
        %sign3A_605 = arith.constant 0 : i32
        %sign3A_606 = arith.cmpi slt, %jit3A_593, %sign3A_605 : i32
        %sign3A_607 = arith.extui %sign3A_606 : i1 to i32
        %sign3A_608 = arith.subi %sign3A_604, %sign3A_607 : i32
        %ne3A_609 = arith.cmpi ne, %sign3A_601, %sign3A_608 : i32
        %rem3A_610 = arith.remsi %sub3A_592, %jit3A_593 : i32
        %ne3A_611 = arith.constant 0 : i32
        %ne3A_612 = arith.cmpi ne, %rem3A_610, %ne3A_611 : i32
        %and3A_613 = arith.andi %ne3A_609, %ne3A_612 : i1
        %sub3A_614 = arith.constant 1 : i32
        %sub3A_615 = arith.subi %div3A_594, %sub3A_614 : i32
        %select_n3A_616 = arith.select %and3A_613, %sub3A_615, %div3A_594 : i32
        %mul3A_617 = arith.constant 8 : i32
        %mul3A_618 = arith.muli %select_n3A_616, %mul3A_617 : i32
        %sub3A_619 = arith.subi %sub3A_592, %mul3A_618 : i32
        %mul3A_620 = arith.constant 64 : i32
        %mul3A_621 = arith.muli %sub3A_619, %mul3A_620 : i32
        %add3A_622 = arith.addi %mul3A_2, %mul3A_621 : i32
        %dma_wait3A_623 = arith.constant 0 : i32
        %dma_wait3A_624 = tpu.memref_slice %arg4[%select_n3A_616, %add3A_622, %dma_wait3A_623] : memref<3x16384x128xf32, #tpu.memory_space<hbm>> -> memref<1x64x128xf32, #tpu.memory_space<hbm>>
        %dma_wait3A_625 = tpu.memref_squeeze %dma_wait3A_624 : memref<1x64x128xf32, #tpu.memory_space<hbm>> -> memref<64x128xf32, #tpu.memory_space<hbm>>
        %dma_wait3A_626 = arith.constant 0 : i32
        %dma_wait3A_627 = tpu.memref_slice %arg4[%select_n3A_616, %add3A_622, %dma_wait3A_626] : memref<3x16384x128xf32, #tpu.memory_space<hbm>> -> memref<1x64x128xf32, #tpu.memory_space<hbm>>
        %dma_wait3A_628 = tpu.memref_squeeze %dma_wait3A_627 : memref<1x64x128xf32, #tpu.memory_space<hbm>> -> memref<64x128xf32, #tpu.memory_space<hbm>>
        tpu.wait_dma2 semaphore(%arg14 : memref<!tpu.dma_semaphore, #tpu.memory_space<semaphore_mem>>) src(%arg9 : memref<64x128xf32, #tpu.memory_space<vmem>>) dst(%dma_wait3A_628 : memref<64x128xf32, #tpu.memory_space<hbm>>)
      } else {
      }
      %parallel_loop3A_279 = arith.constant 0 : i32
      %parallel_loop3A_280 = arith.constant 64 : i32
      %parallel_loop3A_281 = arith.constant 1 : i32
      scf.for %parallel_loop3A_591 = %parallel_loop3A_279 to %parallel_loop3A_280 step %parallel_loop3A_281  : i32 {
        %parallel_loop3A_592 = vector.broadcast %parallel_loop3A_591 : i32 to vector<16xi32>
        %parallel_loop3A_593 = tpu.vector_load_idx %arg8[%parallel_loop3A_592, %get3A_3] : memref<64x512xf32, #tpu.memory_space<vmem>>[vector<16xi32>, vector<16xi32>], vector<16xf32>,
        %parallel_loop3A_594 = arith.index_cast %parallel_loop3A_591 : i32 to index
        %parallel_loop3A_595 = arith.constant 0 : index
        %parallel_loop3A_596 = tpu.vector_load %arg9[%parallel_loop3A_594, %parallel_loop3A_595] {strides = array<i32>} : memref<64x128xf32, #tpu.memory_space<vmem>>, vector<16xf32>,
        tpu.vector_store %arg9[%parallel_loop3A_594, %parallel_loop3A_595], %parallel_loop3A_593 {strides = array<i32>} : memref<64x128xf32, #tpu.memory_space<vmem>>, vector<16xf32>,
        %parallel_loop3A_597 = tpu.vector_load_idx %arg8[%parallel_loop3A_592, %get3A_5] : memref<64x512xf32, #tpu.memory_space<vmem>>[vector<16xi32>, vector<16xi32>], vector<16xf32>,
        %parallel_loop3A_598 = arith.index_cast %parallel_loop3A_591 : i32 to index
        %parallel_loop3A_599 = arith.constant 16 : index
        %parallel_loop3A_600 = tpu.vector_load %arg9[%parallel_loop3A_598, %parallel_loop3A_599] {strides = array<i32>} : memref<64x128xf32, #tpu.memory_space<vmem>>, vector<16xf32>,
        tpu.vector_store %arg9[%parallel_loop3A_598, %parallel_loop3A_599], %parallel_loop3A_597 {strides = array<i32>} : memref<64x128xf32, #tpu.memory_space<vmem>>, vector<16xf32>,
        %parallel_loop3A_601 = tpu.vector_load_idx %arg8[%parallel_loop3A_592, %get3A_7] : memref<64x512xf32, #tpu.memory_space<vmem>>[vector<16xi32>, vector<16xi32>], vector<16xf32>,
        %parallel_loop3A_602 = arith.index_cast %parallel_loop3A_591 : i32 to index
        %parallel_loop3A_603 = arith.constant 32 : index
        %parallel_loop3A_604 = tpu.vector_load %arg9[%parallel_loop3A_602, %parallel_loop3A_603] {strides = array<i32>} : memref<64x128xf32, #tpu.memory_space<vmem>>, vector<16xf32>,
        tpu.vector_store %arg9[%parallel_loop3A_602, %parallel_loop3A_603], %parallel_loop3A_601 {strides = array<i32>} : memref<64x128xf32, #tpu.memory_space<vmem>>, vector<16xf32>,
        %parallel_loop3A_605 = tpu.vector_load_idx %arg8[%parallel_loop3A_592, %get3A_9] : memref<64x512xf32, #tpu.memory_space<vmem>>[vector<16xi32>, vector<16xi32>], vector<16xf32>,
        %parallel_loop3A_606 = arith.index_cast %parallel_loop3A_591 : i32 to index
        %parallel_loop3A_607 = arith.constant 48 : index
        %parallel_loop3A_608 = tpu.vector_load %arg9[%parallel_loop3A_606, %parallel_loop3A_607] {strides = array<i32>} : memref<64x128xf32, #tpu.memory_space<vmem>>, vector<16xf32>,
        tpu.vector_store %arg9[%parallel_loop3A_606, %parallel_loop3A_607], %parallel_loop3A_605 {strides = array<i32>} : memref<64x128xf32, #tpu.memory_space<vmem>>, vector<16xf32>,
        %parallel_loop3A_609 = tpu.vector_load_idx %arg8[%parallel_loop3A_592, %get3A_11] : memref<64x512xf32, #tpu.memory_space<vmem>>[vector<16xi32>, vector<16xi32>], vector<16xf32>,
        %parallel_loop3A_610 = arith.index_cast %parallel_loop3A_591 : i32 to index
        %parallel_loop3A_611 = arith.constant 64 : index
        %parallel_loop3A_612 = tpu.vector_load %arg9[%parallel_loop3A_610, %parallel_loop3A_611] {strides = array<i32>} : memref<64x128xf32, #tpu.memory_space<vmem>>, vector<16xf32>,
        tpu.vector_store %arg9[%parallel_loop3A_610, %parallel_loop3A_611], %parallel_loop3A_609 {strides = array<i32>} : memref<64x128xf32, #tpu.memory_space<vmem>>, vector<16xf32>,
        %parallel_loop3A_613 = tpu.vector_load_idx %arg8[%parallel_loop3A_592, %get3A_13] : memref<64x512xf32, #tpu.memory_space<vmem>>[vector<16xi32>, vector<16xi32>], vector<16xf32>,
        %parallel_loop3A_614 = arith.index_cast %parallel_loop3A_591 : i32 to index
        %parallel_loop3A_615 = arith.constant 80 : index
        %parallel_loop3A_616 = tpu.vector_load %arg9[%parallel_loop3A_614, %parallel_loop3A_615] {strides = array<i32>} : memref<64x128xf32, #tpu.memory_space<vmem>>, vector<16xf32>,
        tpu.vector_store %arg9[%parallel_loop3A_614, %parallel_loop3A_615], %parallel_loop3A_613 {strides = array<i32>} : memref<64x128xf32, #tpu.memory_space<vmem>>, vector<16xf32>,
        %parallel_loop3A_617 = tpu.vector_load_idx %arg8[%parallel_loop3A_592, %get3A_15] : memref<64x512xf32, #tpu.memory_space<vmem>>[vector<16xi32>, vector<16xi32>], vector<16xf32>,
        %parallel_loop3A_618 = arith.index_cast %parallel_loop3A_591 : i32 to index
        %parallel_loop3A_619 = arith.constant 96 : index
        %parallel_loop3A_620 = tpu.vector_load %arg9[%parallel_loop3A_618, %parallel_loop3A_619] {strides = array<i32>} : memref<64x128xf32, #tpu.memory_space<vmem>>, vector<16xf32>,
        tpu.vector_store %arg9[%parallel_loop3A_618, %parallel_loop3A_619], %parallel_loop3A_617 {strides = array<i32>} : memref<64x128xf32, #tpu.memory_space<vmem>>, vector<16xf32>,
        %parallel_loop3A_621 = tpu.vector_load_idx %arg8[%parallel_loop3A_592, %get3A_17] : memref<64x512xf32, #tpu.memory_space<vmem>>[vector<16xi32>, vector<16xi32>], vector<16xf32>,
        %parallel_loop3A_622 = arith.index_cast %parallel_loop3A_591 : i32 to index
        %parallel_loop3A_623 = arith.constant 112 : index
        %parallel_loop3A_624 = tpu.vector_load %arg9[%parallel_loop3A_622, %parallel_loop3A_623] {strides = array<i32>} : memref<64x128xf32, #tpu.memory_space<vmem>>, vector<16xf32>,
        tpu.vector_store %arg9[%parallel_loop3A_622, %parallel_loop3A_623], %parallel_loop3A_621 {strides = array<i32>} : memref<64x128xf32, #tpu.memory_space<vmem>>, vector<16xf32>,
      } {sc.loop_unroll_factor = 4 : i64, sc.parallel_access}
      %jit3A_282 = arith.constant 8 : i32
      %div3A_283 = arith.divsi %add3A_230, %jit3A_282 : i32
      %sign3A_284 = arith.constant 0 : i32
      %sign3A_285 = arith.cmpi sgt, %add3A_230, %sign3A_284 : i32
      %sign3A_286 = arith.extui %sign3A_285 : i1 to i32
      %sign3A_287 = arith.constant 0 : i32
      %sign3A_288 = arith.cmpi slt, %add3A_230, %sign3A_287 : i32
      %sign3A_289 = arith.extui %sign3A_288 : i1 to i32
      %sign3A_290 = arith.subi %sign3A_286, %sign3A_289 : i32
      %sign3A_291 = arith.constant 0 : i32
      %sign3A_292 = arith.cmpi sgt, %jit3A_282, %sign3A_291 : i32
      %sign3A_293 = arith.extui %sign3A_292 : i1 to i32
      %sign3A_294 = arith.constant 0 : i32
      %sign3A_295 = arith.cmpi slt, %jit3A_282, %sign3A_294 : i32
      %sign3A_296 = arith.extui %sign3A_295 : i1 to i32
      %sign3A_297 = arith.subi %sign3A_293, %sign3A_296 : i32
      %ne3A_298 = arith.cmpi ne, %sign3A_290, %sign3A_297 : i32
      %rem3A_299 = arith.remsi %add3A_230, %jit3A_282 : i32
      %ne3A_300 = arith.constant 0 : i32
      %ne3A_301 = arith.cmpi ne, %rem3A_299, %ne3A_300 : i32
      %and3A_302 = arith.andi %ne3A_298, %ne3A_301 : i1
      %sub3A_303 = arith.constant 1 : i32
      %sub3A_304 = arith.subi %div3A_283, %sub3A_303 : i32
      %select_n3A_305 = arith.select %and3A_302, %sub3A_304, %div3A_283 : i32
      %mul3A_306 = arith.constant 8 : i32
      %mul3A_307 = arith.muli %select_n3A_305, %mul3A_306 : i32
      %sub3A_308 = arith.subi %add3A_230, %mul3A_307 : i32
      %mul3A_309 = arith.constant 64 : i32
      %mul3A_310 = arith.muli %sub3A_308, %mul3A_309 : i32
      %add3A_311 = arith.addi %mul3A_2, %mul3A_310 : i32
      %dma_start3A_312 = arith.constant 0 : i32
      %dma_start3A_313 = tpu.memref_slice %arg4[%select_n3A_305, %add3A_311, %dma_start3A_312] : memref<3x16384x128xf32, #tpu.memory_space<hbm>> -> memref<1x64x128xf32, #tpu.memory_space<hbm>>
      %dma_start3A_314 = tpu.memref_squeeze %dma_start3A_313 : memref<1x64x128xf32, #tpu.memory_space<hbm>> -> memref<64x128xf32, #tpu.memory_space<hbm>>
      %dma_start3A_315 = arith.constant 0 : i32
      %dma_start3A_316 = tpu.memref_slice %arg4[%select_n3A_305, %add3A_311, %dma_start3A_315] : memref<3x16384x128xf32, #tpu.memory_space<hbm>> -> memref<1x64x128xf32, #tpu.memory_space<hbm>>
      %dma_start3A_317 = tpu.memref_squeeze %dma_start3A_316 : memref<1x64x128xf32, #tpu.memory_space<hbm>> -> memref<64x128xf32, #tpu.memory_space<hbm>>
      tpu.enqueue_dma source(%arg9 : memref<64x128xf32, #tpu.memory_space<vmem>>) target(%dma_start3A_317 : memref<64x128xf32, #tpu.memory_space<hbm>>) target_semaphore(%arg14 : memref<!tpu.dma_semaphore, #tpu.memory_space<semaphore_mem>>)
      %mul3A_318 = arith.constant 6 : i32
      %mul3A_319 = arith.muli %scan3A_57, %mul3A_318 : i32
      %add3A_320 = arith.constant 3 : i32
      %add3A_321 = arith.addi %mul3A_319, %add3A_320 : i32
      %add3A_322 = arith.constant 2 : i32
      %add3A_323 = arith.addi %add3A_321, %add3A_322 : i32
      %lt3A_324 = arith.constant 24 : i32
      %lt3A_325 = arith.cmpi slt, %add3A_323, %lt3A_324 : i32
      %convert_element_type3A_326 = arith.extui %lt3A_325 : i1 to i32
      %cond3A_327 = arith.constant 0 : i32
      %cond3A_328 = arith.cmpi ne, %convert_element_type3A_326, %cond3A_327 : i32
      scf.if %cond3A_328 {
        %add3A_591 = arith.constant 2 : i32
        %add3A_592 = arith.addi %add3A_321, %add3A_591 : i32
        %jit3A_593 = arith.constant 8 : i32
        %div3A_594 = arith.divsi %add3A_592, %jit3A_593 : i32
        %sign3A_595 = arith.constant 0 : i32
        %sign3A_596 = arith.cmpi sgt, %add3A_592, %sign3A_595 : i32
        %sign3A_597 = arith.extui %sign3A_596 : i1 to i32
        %sign3A_598 = arith.constant 0 : i32
        %sign3A_599 = arith.cmpi slt, %add3A_592, %sign3A_598 : i32
        %sign3A_600 = arith.extui %sign3A_599 : i1 to i32
        %sign3A_601 = arith.subi %sign3A_597, %sign3A_600 : i32
        %sign3A_602 = arith.constant 0 : i32
        %sign3A_603 = arith.cmpi sgt, %jit3A_593, %sign3A_602 : i32
        %sign3A_604 = arith.extui %sign3A_603 : i1 to i32
        %sign3A_605 = arith.constant 0 : i32
        %sign3A_606 = arith.cmpi slt, %jit3A_593, %sign3A_605 : i32
        %sign3A_607 = arith.extui %sign3A_606 : i1 to i32
        %sign3A_608 = arith.subi %sign3A_604, %sign3A_607 : i32
        %ne3A_609 = arith.cmpi ne, %sign3A_601, %sign3A_608 : i32
        %rem3A_610 = arith.remsi %add3A_592, %jit3A_593 : i32
        %ne3A_611 = arith.constant 0 : i32
        %ne3A_612 = arith.cmpi ne, %rem3A_610, %ne3A_611 : i32
        %and3A_613 = arith.andi %ne3A_609, %ne3A_612 : i1
        %sub3A_614 = arith.constant 1 : i32
        %sub3A_615 = arith.subi %div3A_594, %sub3A_614 : i32
        %select_n3A_616 = arith.select %and3A_613, %sub3A_615, %div3A_594 : i32
        %mul3A_617 = arith.constant 8 : i32
        %mul3A_618 = arith.muli %select_n3A_616, %mul3A_617 : i32
        %sub3A_619 = arith.subi %add3A_592, %mul3A_618 : i32
        %mul3A_620 = arith.constant 64 : i32
        %mul3A_621 = arith.muli %sub3A_619, %mul3A_620 : i32
        %add3A_622 = arith.addi %mul3A_2, %mul3A_621 : i32
        %dma_start3A_623 = arith.constant 0 : i32
        %dma_start3A_624 = tpu.memref_slice %arg2[%select_n3A_616, %add3A_622, %dma_start3A_623] : memref<3x16384x512xf32, #tpu.memory_space<hbm>> -> memref<1x64x512xf32, #tpu.memory_space<hbm>>
        %dma_start3A_625 = tpu.memref_squeeze %dma_start3A_624 : memref<1x64x512xf32, #tpu.memory_space<hbm>> -> memref<64x512xf32, #tpu.memory_space<hbm>>
        %dma_start3A_626 = arith.constant 0 : i32
        %dma_start3A_627 = tpu.memref_slice %arg2[%select_n3A_616, %add3A_622, %dma_start3A_626] : memref<3x16384x512xf32, #tpu.memory_space<hbm>> -> memref<1x64x512xf32, #tpu.memory_space<hbm>>
        %dma_start3A_628 = tpu.memref_squeeze %dma_start3A_627 : memref<1x64x512xf32, #tpu.memory_space<hbm>> -> memref<64x512xf32, #tpu.memory_space<hbm>>
        tpu.enqueue_dma source(%dma_start3A_628 : memref<64x512xf32, #tpu.memory_space<hbm>>) target(%arg8 : memref<64x512xf32, #tpu.memory_space<vmem>>) target_semaphore(%arg13 : memref<!tpu.dma_semaphore, #tpu.memory_space<semaphore_mem>>)
      } else {
      }
      %jit3A_329 = arith.constant 8 : i32
      %div3A_330 = arith.divsi %add3A_321, %jit3A_329 : i32
      %sign3A_331 = arith.constant 0 : i32
      %sign3A_332 = arith.cmpi sgt, %add3A_321, %sign3A_331 : i32
      %sign3A_333 = arith.extui %sign3A_332 : i1 to i32
      %sign3A_334 = arith.constant 0 : i32
      %sign3A_335 = arith.cmpi slt, %add3A_321, %sign3A_334 : i32
      %sign3A_336 = arith.extui %sign3A_335 : i1 to i32
      %sign3A_337 = arith.subi %sign3A_333, %sign3A_336 : i32
      %sign3A_338 = arith.constant 0 : i32
      %sign3A_339 = arith.cmpi sgt, %jit3A_329, %sign3A_338 : i32
      %sign3A_340 = arith.extui %sign3A_339 : i1 to i32
      %sign3A_341 = arith.constant 0 : i32
      %sign3A_342 = arith.cmpi slt, %jit3A_329, %sign3A_341 : i32
      %sign3A_343 = arith.extui %sign3A_342 : i1 to i32
      %sign3A_344 = arith.subi %sign3A_340, %sign3A_343 : i32
      %ne3A_345 = arith.cmpi ne, %sign3A_337, %sign3A_344 : i32
      %rem3A_346 = arith.remsi %add3A_321, %jit3A_329 : i32
      %ne3A_347 = arith.constant 0 : i32
      %ne3A_348 = arith.cmpi ne, %rem3A_346, %ne3A_347 : i32
      %and3A_349 = arith.andi %ne3A_345, %ne3A_348 : i1
      %sub3A_350 = arith.constant 1 : i32
      %sub3A_351 = arith.subi %div3A_330, %sub3A_350 : i32
      %select_n3A_352 = arith.select %and3A_349, %sub3A_351, %div3A_330 : i32
      %mul3A_353 = arith.constant 8 : i32
      %mul3A_354 = arith.muli %select_n3A_352, %mul3A_353 : i32
      %sub3A_355 = arith.subi %add3A_321, %mul3A_354 : i32
      %mul3A_356 = arith.constant 64 : i32
      %mul3A_357 = arith.muli %sub3A_355, %mul3A_356 : i32
      %add3A_358 = arith.addi %mul3A_2, %mul3A_357 : i32
      %dma_wait3A_359 = arith.constant 0 : i32
      %dma_wait3A_360 = tpu.memref_slice %arg2[%select_n3A_352, %add3A_358, %dma_wait3A_359] : memref<3x16384x512xf32, #tpu.memory_space<hbm>> -> memref<1x64x512xf32, #tpu.memory_space<hbm>>
      %dma_wait3A_361 = tpu.memref_squeeze %dma_wait3A_360 : memref<1x64x512xf32, #tpu.memory_space<hbm>> -> memref<64x512xf32, #tpu.memory_space<hbm>>
      %dma_wait3A_362 = arith.constant 0 : i32
      %dma_wait3A_363 = tpu.memref_slice %arg2[%select_n3A_352, %add3A_358, %dma_wait3A_362] : memref<3x16384x512xf32, #tpu.memory_space<hbm>> -> memref<1x64x512xf32, #tpu.memory_space<hbm>>
      %dma_wait3A_364 = tpu.memref_squeeze %dma_wait3A_363 : memref<1x64x512xf32, #tpu.memory_space<hbm>> -> memref<64x512xf32, #tpu.memory_space<hbm>>
      tpu.wait_dma2 semaphore(%arg11 : memref<!tpu.dma_semaphore, #tpu.memory_space<semaphore_mem>>) src(%dma_wait3A_364 : memref<64x512xf32, #tpu.memory_space<hbm>>) dst(%arg6 : memref<64x512xf32, #tpu.memory_space<vmem>>)
      %ge3A_365 = arith.constant 2 : i32
      %ge3A_366 = arith.cmpi sge, %add3A_321, %ge3A_365 : i32
      %convert_element_type3A_367 = arith.extui %ge3A_366 : i1 to i32
      %cond3A_368 = arith.constant 0 : i32
      %cond3A_369 = arith.cmpi ne, %convert_element_type3A_367, %cond3A_368 : i32
      scf.if %cond3A_369 {
        %sub3A_591 = arith.constant 2 : i32
        %sub3A_592 = arith.subi %add3A_321, %sub3A_591 : i32
        %jit3A_593 = arith.constant 8 : i32
        %div3A_594 = arith.divsi %sub3A_592, %jit3A_593 : i32
        %sign3A_595 = arith.constant 0 : i32
        %sign3A_596 = arith.cmpi sgt, %sub3A_592, %sign3A_595 : i32
        %sign3A_597 = arith.extui %sign3A_596 : i1 to i32
        %sign3A_598 = arith.constant 0 : i32
        %sign3A_599 = arith.cmpi slt, %sub3A_592, %sign3A_598 : i32
        %sign3A_600 = arith.extui %sign3A_599 : i1 to i32
        %sign3A_601 = arith.subi %sign3A_597, %sign3A_600 : i32
        %sign3A_602 = arith.constant 0 : i32
        %sign3A_603 = arith.cmpi sgt, %jit3A_593, %sign3A_602 : i32
        %sign3A_604 = arith.extui %sign3A_603 : i1 to i32
        %sign3A_605 = arith.constant 0 : i32
        %sign3A_606 = arith.cmpi slt, %jit3A_593, %sign3A_605 : i32
        %sign3A_607 = arith.extui %sign3A_606 : i1 to i32
        %sign3A_608 = arith.subi %sign3A_604, %sign3A_607 : i32
        %ne3A_609 = arith.cmpi ne, %sign3A_601, %sign3A_608 : i32
        %rem3A_610 = arith.remsi %sub3A_592, %jit3A_593 : i32
        %ne3A_611 = arith.constant 0 : i32
        %ne3A_612 = arith.cmpi ne, %rem3A_610, %ne3A_611 : i32
        %and3A_613 = arith.andi %ne3A_609, %ne3A_612 : i1
        %sub3A_614 = arith.constant 1 : i32
        %sub3A_615 = arith.subi %div3A_594, %sub3A_614 : i32
        %select_n3A_616 = arith.select %and3A_613, %sub3A_615, %div3A_594 : i32
        %mul3A_617 = arith.constant 8 : i32
        %mul3A_618 = arith.muli %select_n3A_616, %mul3A_617 : i32
        %sub3A_619 = arith.subi %sub3A_592, %mul3A_618 : i32
        %mul3A_620 = arith.constant 64 : i32
        %mul3A_621 = arith.muli %sub3A_619, %mul3A_620 : i32
        %add3A_622 = arith.addi %mul3A_2, %mul3A_621 : i32
        %dma_wait3A_623 = arith.constant 0 : i32
        %dma_wait3A_624 = tpu.memref_slice %arg4[%select_n3A_616, %add3A_622, %dma_wait3A_623] : memref<3x16384x128xf32, #tpu.memory_space<hbm>> -> memref<1x64x128xf32, #tpu.memory_space<hbm>>
        %dma_wait3A_625 = tpu.memref_squeeze %dma_wait3A_624 : memref<1x64x128xf32, #tpu.memory_space<hbm>> -> memref<64x128xf32, #tpu.memory_space<hbm>>
        %dma_wait3A_626 = arith.constant 0 : i32
        %dma_wait3A_627 = tpu.memref_slice %arg4[%select_n3A_616, %add3A_622, %dma_wait3A_626] : memref<3x16384x128xf32, #tpu.memory_space<hbm>> -> memref<1x64x128xf32, #tpu.memory_space<hbm>>
        %dma_wait3A_628 = tpu.memref_squeeze %dma_wait3A_627 : memref<1x64x128xf32, #tpu.memory_space<hbm>> -> memref<64x128xf32, #tpu.memory_space<hbm>>
        tpu.wait_dma2 semaphore(%arg15 : memref<!tpu.dma_semaphore, #tpu.memory_space<semaphore_mem>>) src(%arg10 : memref<64x128xf32, #tpu.memory_space<vmem>>) dst(%dma_wait3A_628 : memref<64x128xf32, #tpu.memory_space<hbm>>)
      } else {
      }
      %parallel_loop3A_370 = arith.constant 0 : i32
      %parallel_loop3A_371 = arith.constant 64 : i32
      %parallel_loop3A_372 = arith.constant 1 : i32
      scf.for %parallel_loop3A_591 = %parallel_loop3A_370 to %parallel_loop3A_371 step %parallel_loop3A_372  : i32 {
        %parallel_loop3A_592 = vector.broadcast %parallel_loop3A_591 : i32 to vector<16xi32>
        %parallel_loop3A_593 = tpu.vector_load_idx %arg6[%parallel_loop3A_592, %get3A_3] : memref<64x512xf32, #tpu.memory_space<vmem>>[vector<16xi32>, vector<16xi32>], vector<16xf32>,
        %parallel_loop3A_594 = arith.index_cast %parallel_loop3A_591 : i32 to index
        %parallel_loop3A_595 = arith.constant 0 : index
        %parallel_loop3A_596 = tpu.vector_load %arg10[%parallel_loop3A_594, %parallel_loop3A_595] {strides = array<i32>} : memref<64x128xf32, #tpu.memory_space<vmem>>, vector<16xf32>,
        tpu.vector_store %arg10[%parallel_loop3A_594, %parallel_loop3A_595], %parallel_loop3A_593 {strides = array<i32>} : memref<64x128xf32, #tpu.memory_space<vmem>>, vector<16xf32>,
        %parallel_loop3A_597 = tpu.vector_load_idx %arg6[%parallel_loop3A_592, %get3A_5] : memref<64x512xf32, #tpu.memory_space<vmem>>[vector<16xi32>, vector<16xi32>], vector<16xf32>,
        %parallel_loop3A_598 = arith.index_cast %parallel_loop3A_591 : i32 to index
        %parallel_loop3A_599 = arith.constant 16 : index
        %parallel_loop3A_600 = tpu.vector_load %arg10[%parallel_loop3A_598, %parallel_loop3A_599] {strides = array<i32>} : memref<64x128xf32, #tpu.memory_space<vmem>>, vector<16xf32>,
        tpu.vector_store %arg10[%parallel_loop3A_598, %parallel_loop3A_599], %parallel_loop3A_597 {strides = array<i32>} : memref<64x128xf32, #tpu.memory_space<vmem>>, vector<16xf32>,
        %parallel_loop3A_601 = tpu.vector_load_idx %arg6[%parallel_loop3A_592, %get3A_7] : memref<64x512xf32, #tpu.memory_space<vmem>>[vector<16xi32>, vector<16xi32>], vector<16xf32>,
        %parallel_loop3A_602 = arith.index_cast %parallel_loop3A_591 : i32 to index
        %parallel_loop3A_603 = arith.constant 32 : index
        %parallel_loop3A_604 = tpu.vector_load %arg10[%parallel_loop3A_602, %parallel_loop3A_603] {strides = array<i32>} : memref<64x128xf32, #tpu.memory_space<vmem>>, vector<16xf32>,
        tpu.vector_store %arg10[%parallel_loop3A_602, %parallel_loop3A_603], %parallel_loop3A_601 {strides = array<i32>} : memref<64x128xf32, #tpu.memory_space<vmem>>, vector<16xf32>,
        %parallel_loop3A_605 = tpu.vector_load_idx %arg6[%parallel_loop3A_592, %get3A_9] : memref<64x512xf32, #tpu.memory_space<vmem>>[vector<16xi32>, vector<16xi32>], vector<16xf32>,
        %parallel_loop3A_606 = arith.index_cast %parallel_loop3A_591 : i32 to index
        %parallel_loop3A_607 = arith.constant 48 : index
        %parallel_loop3A_608 = tpu.vector_load %arg10[%parallel_loop3A_606, %parallel_loop3A_607] {strides = array<i32>} : memref<64x128xf32, #tpu.memory_space<vmem>>, vector<16xf32>,
        tpu.vector_store %arg10[%parallel_loop3A_606, %parallel_loop3A_607], %parallel_loop3A_605 {strides = array<i32>} : memref<64x128xf32, #tpu.memory_space<vmem>>, vector<16xf32>,
        %parallel_loop3A_609 = tpu.vector_load_idx %arg6[%parallel_loop3A_592, %get3A_11] : memref<64x512xf32, #tpu.memory_space<vmem>>[vector<16xi32>, vector<16xi32>], vector<16xf32>,
        %parallel_loop3A_610 = arith.index_cast %parallel_loop3A_591 : i32 to index
        %parallel_loop3A_611 = arith.constant 64 : index
        %parallel_loop3A_612 = tpu.vector_load %arg10[%parallel_loop3A_610, %parallel_loop3A_611] {strides = array<i32>} : memref<64x128xf32, #tpu.memory_space<vmem>>, vector<16xf32>,
        tpu.vector_store %arg10[%parallel_loop3A_610, %parallel_loop3A_611], %parallel_loop3A_609 {strides = array<i32>} : memref<64x128xf32, #tpu.memory_space<vmem>>, vector<16xf32>,
        %parallel_loop3A_613 = tpu.vector_load_idx %arg6[%parallel_loop3A_592, %get3A_13] : memref<64x512xf32, #tpu.memory_space<vmem>>[vector<16xi32>, vector<16xi32>], vector<16xf32>,
        %parallel_loop3A_614 = arith.index_cast %parallel_loop3A_591 : i32 to index
        %parallel_loop3A_615 = arith.constant 80 : index
        %parallel_loop3A_616 = tpu.vector_load %arg10[%parallel_loop3A_614, %parallel_loop3A_615] {strides = array<i32>} : memref<64x128xf32, #tpu.memory_space<vmem>>, vector<16xf32>,
        tpu.vector_store %arg10[%parallel_loop3A_614, %parallel_loop3A_615], %parallel_loop3A_613 {strides = array<i32>} : memref<64x128xf32, #tpu.memory_space<vmem>>, vector<16xf32>,
        %parallel_loop3A_617 = tpu.vector_load_idx %arg6[%parallel_loop3A_592, %get3A_15] : memref<64x512xf32, #tpu.memory_space<vmem>>[vector<16xi32>, vector<16xi32>], vector<16xf32>,
        %parallel_loop3A_618 = arith.index_cast %parallel_loop3A_591 : i32 to index
        %parallel_loop3A_619 = arith.constant 96 : index
        %parallel_loop3A_620 = tpu.vector_load %arg10[%parallel_loop3A_618, %parallel_loop3A_619] {strides = array<i32>} : memref<64x128xf32, #tpu.memory_space<vmem>>, vector<16xf32>,
        tpu.vector_store %arg10[%parallel_loop3A_618, %parallel_loop3A_619], %parallel_loop3A_617 {strides = array<i32>} : memref<64x128xf32, #tpu.memory_space<vmem>>, vector<16xf32>,
        %parallel_loop3A_621 = tpu.vector_load_idx %arg6[%parallel_loop3A_592, %get3A_17] : memref<64x512xf32, #tpu.memory_space<vmem>>[vector<16xi32>, vector<16xi32>], vector<16xf32>,
        %parallel_loop3A_622 = arith.index_cast %parallel_loop3A_591 : i32 to index
        %parallel_loop3A_623 = arith.constant 112 : index
        %parallel_loop3A_624 = tpu.vector_load %arg10[%parallel_loop3A_622, %parallel_loop3A_623] {strides = array<i32>} : memref<64x128xf32, #tpu.memory_space<vmem>>, vector<16xf32>,
        tpu.vector_store %arg10[%parallel_loop3A_622, %parallel_loop3A_623], %parallel_loop3A_621 {strides = array<i32>} : memref<64x128xf32, #tpu.memory_space<vmem>>, vector<16xf32>,
      } {sc.loop_unroll_factor = 4 : i64, sc.parallel_access}
      %jit3A_373 = arith.constant 8 : i32
      %div3A_374 = arith.divsi %add3A_321, %jit3A_373 : i32
      %sign3A_375 = arith.constant 0 : i32
      %sign3A_376 = arith.cmpi sgt, %add3A_321, %sign3A_375 : i32
      %sign3A_377 = arith.extui %sign3A_376 : i1 to i32
      %sign3A_378 = arith.constant 0 : i32
      %sign3A_379 = arith.cmpi slt, %add3A_321, %sign3A_378 : i32
      %sign3A_380 = arith.extui %sign3A_379 : i1 to i32
      %sign3A_381 = arith.subi %sign3A_377, %sign3A_380 : i32
      %sign3A_382 = arith.constant 0 : i32
      %sign3A_383 = arith.cmpi sgt, %jit3A_373, %sign3A_382 : i32
      %sign3A_384 = arith.extui %sign3A_383 : i1 to i32
      %sign3A_385 = arith.constant 0 : i32
      %sign3A_386 = arith.cmpi slt, %jit3A_373, %sign3A_385 : i32
      %sign3A_387 = arith.extui %sign3A_386 : i1 to i32
      %sign3A_388 = arith.subi %sign3A_384, %sign3A_387 : i32
      %ne3A_389 = arith.cmpi ne, %sign3A_381, %sign3A_388 : i32
      %rem3A_390 = arith.remsi %add3A_321, %jit3A_373 : i32
      %ne3A_391 = arith.constant 0 : i32
      %ne3A_392 = arith.cmpi ne, %rem3A_390, %ne3A_391 : i32
      %and3A_393 = arith.andi %ne3A_389, %ne3A_392 : i1
      %sub3A_394 = arith.constant 1 : i32
      %sub3A_395 = arith.subi %div3A_374, %sub3A_394 : i32
      %select_n3A_396 = arith.select %and3A_393, %sub3A_395, %div3A_374 : i32
      %mul3A_397 = arith.constant 8 : i32
      %mul3A_398 = arith.muli %select_n3A_396, %mul3A_397 : i32
      %sub3A_399 = arith.subi %add3A_321, %mul3A_398 : i32
      %mul3A_400 = arith.constant 64 : i32
      %mul3A_401 = arith.muli %sub3A_399, %mul3A_400 : i32
      %add3A_402 = arith.addi %mul3A_2, %mul3A_401 : i32
      %dma_start3A_403 = arith.constant 0 : i32
      %dma_start3A_404 = tpu.memref_slice %arg4[%select_n3A_396, %add3A_402, %dma_start3A_403] : memref<3x16384x128xf32, #tpu.memory_space<hbm>> -> memref<1x64x128xf32, #tpu.memory_space<hbm>>
      %dma_start3A_405 = tpu.memref_squeeze %dma_start3A_404 : memref<1x64x128xf32, #tpu.memory_space<hbm>> -> memref<64x128xf32, #tpu.memory_space<hbm>>
      %dma_start3A_406 = arith.constant 0 : i32
      %dma_start3A_407 = tpu.memref_slice %arg4[%select_n3A_396, %add3A_402, %dma_start3A_406] : memref<3x16384x128xf32, #tpu.memory_space<hbm>> -> memref<1x64x128xf32, #tpu.memory_space<hbm>>
      %dma_start3A_408 = tpu.memref_squeeze %dma_start3A_407 : memref<1x64x128xf32, #tpu.memory_space<hbm>> -> memref<64x128xf32, #tpu.memory_space<hbm>>
      tpu.enqueue_dma source(%arg10 : memref<64x128xf32, #tpu.memory_space<vmem>>) target(%dma_start3A_408 : memref<64x128xf32, #tpu.memory_space<hbm>>) target_semaphore(%arg15 : memref<!tpu.dma_semaphore, #tpu.memory_space<semaphore_mem>>)
      %mul3A_409 = arith.constant 6 : i32
      %mul3A_410 = arith.muli %scan3A_57, %mul3A_409 : i32
      %add3A_411 = arith.constant 4 : i32
      %add3A_412 = arith.addi %mul3A_410, %add3A_411 : i32
      %add3A_413 = arith.constant 2 : i32
      %add3A_414 = arith.addi %add3A_412, %add3A_413 : i32
      %lt3A_415 = arith.constant 24 : i32
      %lt3A_416 = arith.cmpi slt, %add3A_414, %lt3A_415 : i32
      %convert_element_type3A_417 = arith.extui %lt3A_416 : i1 to i32
      %cond3A_418 = arith.constant 0 : i32
      %cond3A_419 = arith.cmpi ne, %convert_element_type3A_417, %cond3A_418 : i32
      scf.if %cond3A_419 {
        %add3A_591 = arith.constant 2 : i32
        %add3A_592 = arith.addi %add3A_412, %add3A_591 : i32
        %jit3A_593 = arith.constant 8 : i32
        %div3A_594 = arith.divsi %add3A_592, %jit3A_593 : i32
        %sign3A_595 = arith.constant 0 : i32
        %sign3A_596 = arith.cmpi sgt, %add3A_592, %sign3A_595 : i32
        %sign3A_597 = arith.extui %sign3A_596 : i1 to i32
        %sign3A_598 = arith.constant 0 : i32
        %sign3A_599 = arith.cmpi slt, %add3A_592, %sign3A_598 : i32
        %sign3A_600 = arith.extui %sign3A_599 : i1 to i32
        %sign3A_601 = arith.subi %sign3A_597, %sign3A_600 : i32
        %sign3A_602 = arith.constant 0 : i32
        %sign3A_603 = arith.cmpi sgt, %jit3A_593, %sign3A_602 : i32
        %sign3A_604 = arith.extui %sign3A_603 : i1 to i32
        %sign3A_605 = arith.constant 0 : i32
        %sign3A_606 = arith.cmpi slt, %jit3A_593, %sign3A_605 : i32
        %sign3A_607 = arith.extui %sign3A_606 : i1 to i32
        %sign3A_608 = arith.subi %sign3A_604, %sign3A_607 : i32
        %ne3A_609 = arith.cmpi ne, %sign3A_601, %sign3A_608 : i32
        %rem3A_610 = arith.remsi %add3A_592, %jit3A_593 : i32
        %ne3A_611 = arith.constant 0 : i32
        %ne3A_612 = arith.cmpi ne, %rem3A_610, %ne3A_611 : i32
        %and3A_613 = arith.andi %ne3A_609, %ne3A_612 : i1
        %sub3A_614 = arith.constant 1 : i32
        %sub3A_615 = arith.subi %div3A_594, %sub3A_614 : i32
        %select_n3A_616 = arith.select %and3A_613, %sub3A_615, %div3A_594 : i32
        %mul3A_617 = arith.constant 8 : i32
        %mul3A_618 = arith.muli %select_n3A_616, %mul3A_617 : i32
        %sub3A_619 = arith.subi %add3A_592, %mul3A_618 : i32
        %mul3A_620 = arith.constant 64 : i32
        %mul3A_621 = arith.muli %sub3A_619, %mul3A_620 : i32
        %add3A_622 = arith.addi %mul3A_2, %mul3A_621 : i32
        %dma_start3A_623 = arith.constant 0 : i32
        %dma_start3A_624 = tpu.memref_slice %arg2[%select_n3A_616, %add3A_622, %dma_start3A_623] : memref<3x16384x512xf32, #tpu.memory_space<hbm>> -> memref<1x64x512xf32, #tpu.memory_space<hbm>>
        %dma_start3A_625 = tpu.memref_squeeze %dma_start3A_624 : memref<1x64x512xf32, #tpu.memory_space<hbm>> -> memref<64x512xf32, #tpu.memory_space<hbm>>
        %dma_start3A_626 = arith.constant 0 : i32
        %dma_start3A_627 = tpu.memref_slice %arg2[%select_n3A_616, %add3A_622, %dma_start3A_626] : memref<3x16384x512xf32, #tpu.memory_space<hbm>> -> memref<1x64x512xf32, #tpu.memory_space<hbm>>
        %dma_start3A_628 = tpu.memref_squeeze %dma_start3A_627 : memref<1x64x512xf32, #tpu.memory_space<hbm>> -> memref<64x512xf32, #tpu.memory_space<hbm>>
        tpu.enqueue_dma source(%dma_start3A_628 : memref<64x512xf32, #tpu.memory_space<hbm>>) target(%arg6 : memref<64x512xf32, #tpu.memory_space<vmem>>) target_semaphore(%arg11 : memref<!tpu.dma_semaphore, #tpu.memory_space<semaphore_mem>>)
      } else {
      }
      %jit3A_420 = arith.constant 8 : i32
      %div3A_421 = arith.divsi %add3A_412, %jit3A_420 : i32
      %sign3A_422 = arith.constant 0 : i32
      %sign3A_423 = arith.cmpi sgt, %add3A_412, %sign3A_422 : i32
      %sign3A_424 = arith.extui %sign3A_423 : i1 to i32
      %sign3A_425 = arith.constant 0 : i32
      %sign3A_426 = arith.cmpi slt, %add3A_412, %sign3A_425 : i32
      %sign3A_427 = arith.extui %sign3A_426 : i1 to i32
      %sign3A_428 = arith.subi %sign3A_424, %sign3A_427 : i32
      %sign3A_429 = arith.constant 0 : i32
      %sign3A_430 = arith.cmpi sgt, %jit3A_420, %sign3A_429 : i32
      %sign3A_431 = arith.extui %sign3A_430 : i1 to i32
      %sign3A_432 = arith.constant 0 : i32
      %sign3A_433 = arith.cmpi slt, %jit3A_420, %sign3A_432 : i32
      %sign3A_434 = arith.extui %sign3A_433 : i1 to i32
      %sign3A_435 = arith.subi %sign3A_431, %sign3A_434 : i32
      %ne3A_436 = arith.cmpi ne, %sign3A_428, %sign3A_435 : i32
      %rem3A_437 = arith.remsi %add3A_412, %jit3A_420 : i32
      %ne3A_438 = arith.constant 0 : i32
      %ne3A_439 = arith.cmpi ne, %rem3A_437, %ne3A_438 : i32
      %and3A_440 = arith.andi %ne3A_436, %ne3A_439 : i1
      %sub3A_441 = arith.constant 1 : i32
      %sub3A_442 = arith.subi %div3A_421, %sub3A_441 : i32
      %select_n3A_443 = arith.select %and3A_440, %sub3A_442, %div3A_421 : i32
      %mul3A_444 = arith.constant 8 : i32
      %mul3A_445 = arith.muli %select_n3A_443, %mul3A_444 : i32
      %sub3A_446 = arith.subi %add3A_412, %mul3A_445 : i32
      %mul3A_447 = arith.constant 64 : i32
      %mul3A_448 = arith.muli %sub3A_446, %mul3A_447 : i32
      %add3A_449 = arith.addi %mul3A_2, %mul3A_448 : i32
      %dma_wait3A_450 = arith.constant 0 : i32
      %dma_wait3A_451 = tpu.memref_slice %arg2[%select_n3A_443, %add3A_449, %dma_wait3A_450] : memref<3x16384x512xf32, #tpu.memory_space<hbm>> -> memref<1x64x512xf32, #tpu.memory_space<hbm>>
      %dma_wait3A_452 = tpu.memref_squeeze %dma_wait3A_451 : memref<1x64x512xf32, #tpu.memory_space<hbm>> -> memref<64x512xf32, #tpu.memory_space<hbm>>
      %dma_wait3A_453 = arith.constant 0 : i32
      %dma_wait3A_454 = tpu.memref_slice %arg2[%select_n3A_443, %add3A_449, %dma_wait3A_453] : memref<3x16384x512xf32, #tpu.memory_space<hbm>> -> memref<1x64x512xf32, #tpu.memory_space<hbm>>
      %dma_wait3A_455 = tpu.memref_squeeze %dma_wait3A_454 : memref<1x64x512xf32, #tpu.memory_space<hbm>> -> memref<64x512xf32, #tpu.memory_space<hbm>>
      tpu.wait_dma2 semaphore(%arg12 : memref<!tpu.dma_semaphore, #tpu.memory_space<semaphore_mem>>) src(%dma_wait3A_455 : memref<64x512xf32, #tpu.memory_space<hbm>>) dst(%arg7 : memref<64x512xf32, #tpu.memory_space<vmem>>)
      %ge3A_456 = arith.constant 2 : i32
      %ge3A_457 = arith.cmpi sge, %add3A_412, %ge3A_456 : i32
      %convert_element_type3A_458 = arith.extui %ge3A_457 : i1 to i32
      %cond3A_459 = arith.constant 0 : i32
      %cond3A_460 = arith.cmpi ne, %convert_element_type3A_458, %cond3A_459 : i32
      scf.if %cond3A_460 {
        %sub3A_591 = arith.constant 2 : i32
        %sub3A_592 = arith.subi %add3A_412, %sub3A_591 : i32
        %jit3A_593 = arith.constant 8 : i32
        %div3A_594 = arith.divsi %sub3A_592, %jit3A_593 : i32
        %sign3A_595 = arith.constant 0 : i32
        %sign3A_596 = arith.cmpi sgt, %sub3A_592, %sign3A_595 : i32
        %sign3A_597 = arith.extui %sign3A_596 : i1 to i32
        %sign3A_598 = arith.constant 0 : i32
        %sign3A_599 = arith.cmpi slt, %sub3A_592, %sign3A_598 : i32
        %sign3A_600 = arith.extui %sign3A_599 : i1 to i32
        %sign3A_601 = arith.subi %sign3A_597, %sign3A_600 : i32
        %sign3A_602 = arith.constant 0 : i32
        %sign3A_603 = arith.cmpi sgt, %jit3A_593, %sign3A_602 : i32
        %sign3A_604 = arith.extui %sign3A_603 : i1 to i32
        %sign3A_605 = arith.constant 0 : i32
        %sign3A_606 = arith.cmpi slt, %jit3A_593, %sign3A_605 : i32
        %sign3A_607 = arith.extui %sign3A_606 : i1 to i32
        %sign3A_608 = arith.subi %sign3A_604, %sign3A_607 : i32
        %ne3A_609 = arith.cmpi ne, %sign3A_601, %sign3A_608 : i32
        %rem3A_610 = arith.remsi %sub3A_592, %jit3A_593 : i32
        %ne3A_611 = arith.constant 0 : i32
        %ne3A_612 = arith.cmpi ne, %rem3A_610, %ne3A_611 : i32
        %and3A_613 = arith.andi %ne3A_609, %ne3A_612 : i1
        %sub3A_614 = arith.constant 1 : i32
        %sub3A_615 = arith.subi %div3A_594, %sub3A_614 : i32
        %select_n3A_616 = arith.select %and3A_613, %sub3A_615, %div3A_594 : i32
        %mul3A_617 = arith.constant 8 : i32
        %mul3A_618 = arith.muli %select_n3A_616, %mul3A_617 : i32
        %sub3A_619 = arith.subi %sub3A_592, %mul3A_618 : i32
        %mul3A_620 = arith.constant 64 : i32
        %mul3A_621 = arith.muli %sub3A_619, %mul3A_620 : i32
        %add3A_622 = arith.addi %mul3A_2, %mul3A_621 : i32
        %dma_wait3A_623 = arith.constant 0 : i32
        %dma_wait3A_624 = tpu.memref_slice %arg4[%select_n3A_616, %add3A_622, %dma_wait3A_623] : memref<3x16384x128xf32, #tpu.memory_space<hbm>> -> memref<1x64x128xf32, #tpu.memory_space<hbm>>
        %dma_wait3A_625 = tpu.memref_squeeze %dma_wait3A_624 : memref<1x64x128xf32, #tpu.memory_space<hbm>> -> memref<64x128xf32, #tpu.memory_space<hbm>>
        %dma_wait3A_626 = arith.constant 0 : i32
        %dma_wait3A_627 = tpu.memref_slice %arg4[%select_n3A_616, %add3A_622, %dma_wait3A_626] : memref<3x16384x128xf32, #tpu.memory_space<hbm>> -> memref<1x64x128xf32, #tpu.memory_space<hbm>>
        %dma_wait3A_628 = tpu.memref_squeeze %dma_wait3A_627 : memref<1x64x128xf32, #tpu.memory_space<hbm>> -> memref<64x128xf32, #tpu.memory_space<hbm>>
        tpu.wait_dma2 semaphore(%arg14 : memref<!tpu.dma_semaphore, #tpu.memory_space<semaphore_mem>>) src(%arg9 : memref<64x128xf32, #tpu.memory_space<vmem>>) dst(%dma_wait3A_628 : memref<64x128xf32, #tpu.memory_space<hbm>>)
      } else {
      }
      %parallel_loop3A_461 = arith.constant 0 : i32
      %parallel_loop3A_462 = arith.constant 64 : i32
      %parallel_loop3A_463 = arith.constant 1 : i32
      scf.for %parallel_loop3A_591 = %parallel_loop3A_461 to %parallel_loop3A_462 step %parallel_loop3A_463  : i32 {
        %parallel_loop3A_592 = vector.broadcast %parallel_loop3A_591 : i32 to vector<16xi32>
        %parallel_loop3A_593 = tpu.vector_load_idx %arg7[%parallel_loop3A_592, %get3A_3] : memref<64x512xf32, #tpu.memory_space<vmem>>[vector<16xi32>, vector<16xi32>], vector<16xf32>,
        %parallel_loop3A_594 = arith.index_cast %parallel_loop3A_591 : i32 to index
        %parallel_loop3A_595 = arith.constant 0 : index
        %parallel_loop3A_596 = tpu.vector_load %arg9[%parallel_loop3A_594, %parallel_loop3A_595] {strides = array<i32>} : memref<64x128xf32, #tpu.memory_space<vmem>>, vector<16xf32>,
        tpu.vector_store %arg9[%parallel_loop3A_594, %parallel_loop3A_595], %parallel_loop3A_593 {strides = array<i32>} : memref<64x128xf32, #tpu.memory_space<vmem>>, vector<16xf32>,
        %parallel_loop3A_597 = tpu.vector_load_idx %arg7[%parallel_loop3A_592, %get3A_5] : memref<64x512xf32, #tpu.memory_space<vmem>>[vector<16xi32>, vector<16xi32>], vector<16xf32>,
        %parallel_loop3A_598 = arith.index_cast %parallel_loop3A_591 : i32 to index
        %parallel_loop3A_599 = arith.constant 16 : index
        %parallel_loop3A_600 = tpu.vector_load %arg9[%parallel_loop3A_598, %parallel_loop3A_599] {strides = array<i32>} : memref<64x128xf32, #tpu.memory_space<vmem>>, vector<16xf32>,
        tpu.vector_store %arg9[%parallel_loop3A_598, %parallel_loop3A_599], %parallel_loop3A_597 {strides = array<i32>} : memref<64x128xf32, #tpu.memory_space<vmem>>, vector<16xf32>,
        %parallel_loop3A_601 = tpu.vector_load_idx %arg7[%parallel_loop3A_592, %get3A_7] : memref<64x512xf32, #tpu.memory_space<vmem>>[vector<16xi32>, vector<16xi32>], vector<16xf32>,
        %parallel_loop3A_602 = arith.index_cast %parallel_loop3A_591 : i32 to index
        %parallel_loop3A_603 = arith.constant 32 : index
        %parallel_loop3A_604 = tpu.vector_load %arg9[%parallel_loop3A_602, %parallel_loop3A_603] {strides = array<i32>} : memref<64x128xf32, #tpu.memory_space<vmem>>, vector<16xf32>,
        tpu.vector_store %arg9[%parallel_loop3A_602, %parallel_loop3A_603], %parallel_loop3A_601 {strides = array<i32>} : memref<64x128xf32, #tpu.memory_space<vmem>>, vector<16xf32>,
        %parallel_loop3A_605 = tpu.vector_load_idx %arg7[%parallel_loop3A_592, %get3A_9] : memref<64x512xf32, #tpu.memory_space<vmem>>[vector<16xi32>, vector<16xi32>], vector<16xf32>,
        %parallel_loop3A_606 = arith.index_cast %parallel_loop3A_591 : i32 to index
        %parallel_loop3A_607 = arith.constant 48 : index
        %parallel_loop3A_608 = tpu.vector_load %arg9[%parallel_loop3A_606, %parallel_loop3A_607] {strides = array<i32>} : memref<64x128xf32, #tpu.memory_space<vmem>>, vector<16xf32>,
        tpu.vector_store %arg9[%parallel_loop3A_606, %parallel_loop3A_607], %parallel_loop3A_605 {strides = array<i32>} : memref<64x128xf32, #tpu.memory_space<vmem>>, vector<16xf32>,
        %parallel_loop3A_609 = tpu.vector_load_idx %arg7[%parallel_loop3A_592, %get3A_11] : memref<64x512xf32, #tpu.memory_space<vmem>>[vector<16xi32>, vector<16xi32>], vector<16xf32>,
        %parallel_loop3A_610 = arith.index_cast %parallel_loop3A_591 : i32 to index
        %parallel_loop3A_611 = arith.constant 64 : index
        %parallel_loop3A_612 = tpu.vector_load %arg9[%parallel_loop3A_610, %parallel_loop3A_611] {strides = array<i32>} : memref<64x128xf32, #tpu.memory_space<vmem>>, vector<16xf32>,
        tpu.vector_store %arg9[%parallel_loop3A_610, %parallel_loop3A_611], %parallel_loop3A_609 {strides = array<i32>} : memref<64x128xf32, #tpu.memory_space<vmem>>, vector<16xf32>,
        %parallel_loop3A_613 = tpu.vector_load_idx %arg7[%parallel_loop3A_592, %get3A_13] : memref<64x512xf32, #tpu.memory_space<vmem>>[vector<16xi32>, vector<16xi32>], vector<16xf32>,
        %parallel_loop3A_614 = arith.index_cast %parallel_loop3A_591 : i32 to index
        %parallel_loop3A_615 = arith.constant 80 : index
        %parallel_loop3A_616 = tpu.vector_load %arg9[%parallel_loop3A_614, %parallel_loop3A_615] {strides = array<i32>} : memref<64x128xf32, #tpu.memory_space<vmem>>, vector<16xf32>,
        tpu.vector_store %arg9[%parallel_loop3A_614, %parallel_loop3A_615], %parallel_loop3A_613 {strides = array<i32>} : memref<64x128xf32, #tpu.memory_space<vmem>>, vector<16xf32>,
        %parallel_loop3A_617 = tpu.vector_load_idx %arg7[%parallel_loop3A_592, %get3A_15] : memref<64x512xf32, #tpu.memory_space<vmem>>[vector<16xi32>, vector<16xi32>], vector<16xf32>,
        %parallel_loop3A_618 = arith.index_cast %parallel_loop3A_591 : i32 to index
        %parallel_loop3A_619 = arith.constant 96 : index
        %parallel_loop3A_620 = tpu.vector_load %arg9[%parallel_loop3A_618, %parallel_loop3A_619] {strides = array<i32>} : memref<64x128xf32, #tpu.memory_space<vmem>>, vector<16xf32>,
        tpu.vector_store %arg9[%parallel_loop3A_618, %parallel_loop3A_619], %parallel_loop3A_617 {strides = array<i32>} : memref<64x128xf32, #tpu.memory_space<vmem>>, vector<16xf32>,
        %parallel_loop3A_621 = tpu.vector_load_idx %arg7[%parallel_loop3A_592, %get3A_17] : memref<64x512xf32, #tpu.memory_space<vmem>>[vector<16xi32>, vector<16xi32>], vector<16xf32>,
        %parallel_loop3A_622 = arith.index_cast %parallel_loop3A_591 : i32 to index
        %parallel_loop3A_623 = arith.constant 112 : index
        %parallel_loop3A_624 = tpu.vector_load %arg9[%parallel_loop3A_622, %parallel_loop3A_623] {strides = array<i32>} : memref<64x128xf32, #tpu.memory_space<vmem>>, vector<16xf32>,
        tpu.vector_store %arg9[%parallel_loop3A_622, %parallel_loop3A_623], %parallel_loop3A_621 {strides = array<i32>} : memref<64x128xf32, #tpu.memory_space<vmem>>, vector<16xf32>,
      } {sc.loop_unroll_factor = 4 : i64, sc.parallel_access}
      %jit3A_464 = arith.constant 8 : i32
      %div3A_465 = arith.divsi %add3A_412, %jit3A_464 : i32
      %sign3A_466 = arith.constant 0 : i32
      %sign3A_467 = arith.cmpi sgt, %add3A_412, %sign3A_466 : i32
      %sign3A_468 = arith.extui %sign3A_467 : i1 to i32
      %sign3A_469 = arith.constant 0 : i32
      %sign3A_470 = arith.cmpi slt, %add3A_412, %sign3A_469 : i32
      %sign3A_471 = arith.extui %sign3A_470 : i1 to i32
      %sign3A_472 = arith.subi %sign3A_468, %sign3A_471 : i32
      %sign3A_473 = arith.constant 0 : i32
      %sign3A_474 = arith.cmpi sgt, %jit3A_464, %sign3A_473 : i32
      %sign3A_475 = arith.extui %sign3A_474 : i1 to i32
      %sign3A_476 = arith.constant 0 : i32
      %sign3A_477 = arith.cmpi slt, %jit3A_464, %sign3A_476 : i32
      %sign3A_478 = arith.extui %sign3A_477 : i1 to i32
      %sign3A_479 = arith.subi %sign3A_475, %sign3A_478 : i32
      %ne3A_480 = arith.cmpi ne, %sign3A_472, %sign3A_479 : i32
      %rem3A_481 = arith.remsi %add3A_412, %jit3A_464 : i32
      %ne3A_482 = arith.constant 0 : i32
      %ne3A_483 = arith.cmpi ne, %rem3A_481, %ne3A_482 : i32
      %and3A_484 = arith.andi %ne3A_480, %ne3A_483 : i1
      %sub3A_485 = arith.constant 1 : i32
      %sub3A_486 = arith.subi %div3A_465, %sub3A_485 : i32
      %select_n3A_487 = arith.select %and3A_484, %sub3A_486, %div3A_465 : i32
      %mul3A_488 = arith.constant 8 : i32
      %mul3A_489 = arith.muli %select_n3A_487, %mul3A_488 : i32
      %sub3A_490 = arith.subi %add3A_412, %mul3A_489 : i32
      %mul3A_491 = arith.constant 64 : i32
      %mul3A_492 = arith.muli %sub3A_490, %mul3A_491 : i32
      %add3A_493 = arith.addi %mul3A_2, %mul3A_492 : i32
      %dma_start3A_494 = arith.constant 0 : i32
      %dma_start3A_495 = tpu.memref_slice %arg4[%select_n3A_487, %add3A_493, %dma_start3A_494] : memref<3x16384x128xf32, #tpu.memory_space<hbm>> -> memref<1x64x128xf32, #tpu.memory_space<hbm>>
      %dma_start3A_496 = tpu.memref_squeeze %dma_start3A_495 : memref<1x64x128xf32, #tpu.memory_space<hbm>> -> memref<64x128xf32, #tpu.memory_space<hbm>>
      %dma_start3A_497 = arith.constant 0 : i32
      %dma_start3A_498 = tpu.memref_slice %arg4[%select_n3A_487, %add3A_493, %dma_start3A_497] : memref<3x16384x128xf32, #tpu.memory_space<hbm>> -> memref<1x64x128xf32, #tpu.memory_space<hbm>>
      %dma_start3A_499 = tpu.memref_squeeze %dma_start3A_498 : memref<1x64x128xf32, #tpu.memory_space<hbm>> -> memref<64x128xf32, #tpu.memory_space<hbm>>
      tpu.enqueue_dma source(%arg9 : memref<64x128xf32, #tpu.memory_space<vmem>>) target(%dma_start3A_499 : memref<64x128xf32, #tpu.memory_space<hbm>>) target_semaphore(%arg14 : memref<!tpu.dma_semaphore, #tpu.memory_space<semaphore_mem>>)
      %mul3A_500 = arith.constant 6 : i32
      %mul3A_501 = arith.muli %scan3A_57, %mul3A_500 : i32
      %add3A_502 = arith.constant 5 : i32
      %add3A_503 = arith.addi %mul3A_501, %add3A_502 : i32
      %add3A_504 = arith.constant 2 : i32
      %add3A_505 = arith.addi %add3A_503, %add3A_504 : i32
      %lt3A_506 = arith.constant 24 : i32
      %lt3A_507 = arith.cmpi slt, %add3A_505, %lt3A_506 : i32
      %convert_element_type3A_508 = arith.extui %lt3A_507 : i1 to i32
      %cond3A_509 = arith.constant 0 : i32
      %cond3A_510 = arith.cmpi ne, %convert_element_type3A_508, %cond3A_509 : i32
      scf.if %cond3A_510 {
        %add3A_591 = arith.constant 2 : i32
        %add3A_592 = arith.addi %add3A_503, %add3A_591 : i32
        %jit3A_593 = arith.constant 8 : i32
        %div3A_594 = arith.divsi %add3A_592, %jit3A_593 : i32
        %sign3A_595 = arith.constant 0 : i32
        %sign3A_596 = arith.cmpi sgt, %add3A_592, %sign3A_595 : i32
        %sign3A_597 = arith.extui %sign3A_596 : i1 to i32
        %sign3A_598 = arith.constant 0 : i32
        %sign3A_599 = arith.cmpi slt, %add3A_592, %sign3A_598 : i32
        %sign3A_600 = arith.extui %sign3A_599 : i1 to i32
        %sign3A_601 = arith.subi %sign3A_597, %sign3A_600 : i32
        %sign3A_602 = arith.constant 0 : i32
        %sign3A_603 = arith.cmpi sgt, %jit3A_593, %sign3A_602 : i32
        %sign3A_604 = arith.extui %sign3A_603 : i1 to i32
        %sign3A_605 = arith.constant 0 : i32
        %sign3A_606 = arith.cmpi slt, %jit3A_593, %sign3A_605 : i32
        %sign3A_607 = arith.extui %sign3A_606 : i1 to i32
        %sign3A_608 = arith.subi %sign3A_604, %sign3A_607 : i32
        %ne3A_609 = arith.cmpi ne, %sign3A_601, %sign3A_608 : i32
        %rem3A_610 = arith.remsi %add3A_592, %jit3A_593 : i32
        %ne3A_611 = arith.constant 0 : i32
        %ne3A_612 = arith.cmpi ne, %rem3A_610, %ne3A_611 : i32
        %and3A_613 = arith.andi %ne3A_609, %ne3A_612 : i1
        %sub3A_614 = arith.constant 1 : i32
        %sub3A_615 = arith.subi %div3A_594, %sub3A_614 : i32
        %select_n3A_616 = arith.select %and3A_613, %sub3A_615, %div3A_594 : i32
        %mul3A_617 = arith.constant 8 : i32
        %mul3A_618 = arith.muli %select_n3A_616, %mul3A_617 : i32
        %sub3A_619 = arith.subi %add3A_592, %mul3A_618 : i32
        %mul3A_620 = arith.constant 64 : i32
        %mul3A_621 = arith.muli %sub3A_619, %mul3A_620 : i32
        %add3A_622 = arith.addi %mul3A_2, %mul3A_621 : i32
        %dma_start3A_623 = arith.constant 0 : i32
        %dma_start3A_624 = tpu.memref_slice %arg2[%select_n3A_616, %add3A_622, %dma_start3A_623] : memref<3x16384x512xf32, #tpu.memory_space<hbm>> -> memref<1x64x512xf32, #tpu.memory_space<hbm>>
        %dma_start3A_625 = tpu.memref_squeeze %dma_start3A_624 : memref<1x64x512xf32, #tpu.memory_space<hbm>> -> memref<64x512xf32, #tpu.memory_space<hbm>>
        %dma_start3A_626 = arith.constant 0 : i32
        %dma_start3A_627 = tpu.memref_slice %arg2[%select_n3A_616, %add3A_622, %dma_start3A_626] : memref<3x16384x512xf32, #tpu.memory_space<hbm>> -> memref<1x64x512xf32, #tpu.memory_space<hbm>>
        %dma_start3A_628 = tpu.memref_squeeze %dma_start3A_627 : memref<1x64x512xf32, #tpu.memory_space<hbm>> -> memref<64x512xf32, #tpu.memory_space<hbm>>
        tpu.enqueue_dma source(%dma_start3A_628 : memref<64x512xf32, #tpu.memory_space<hbm>>) target(%arg7 : memref<64x512xf32, #tpu.memory_space<vmem>>) target_semaphore(%arg12 : memref<!tpu.dma_semaphore, #tpu.memory_space<semaphore_mem>>)
      } else {
      }
      %jit3A_511 = arith.constant 8 : i32
      %div3A_512 = arith.divsi %add3A_503, %jit3A_511 : i32
      %sign3A_513 = arith.constant 0 : i32
      %sign3A_514 = arith.cmpi sgt, %add3A_503, %sign3A_513 : i32
      %sign3A_515 = arith.extui %sign3A_514 : i1 to i32
      %sign3A_516 = arith.constant 0 : i32
      %sign3A_517 = arith.cmpi slt, %add3A_503, %sign3A_516 : i32
      %sign3A_518 = arith.extui %sign3A_517 : i1 to i32
      %sign3A_519 = arith.subi %sign3A_515, %sign3A_518 : i32
      %sign3A_520 = arith.constant 0 : i32
      %sign3A_521 = arith.cmpi sgt, %jit3A_511, %sign3A_520 : i32
      %sign3A_522 = arith.extui %sign3A_521 : i1 to i32
      %sign3A_523 = arith.constant 0 : i32
      %sign3A_524 = arith.cmpi slt, %jit3A_511, %sign3A_523 : i32
      %sign3A_525 = arith.extui %sign3A_524 : i1 to i32
      %sign3A_526 = arith.subi %sign3A_522, %sign3A_525 : i32
      %ne3A_527 = arith.cmpi ne, %sign3A_519, %sign3A_526 : i32
      %rem3A_528 = arith.remsi %add3A_503, %jit3A_511 : i32
      %ne3A_529 = arith.constant 0 : i32
      %ne3A_530 = arith.cmpi ne, %rem3A_528, %ne3A_529 : i32
      %and3A_531 = arith.andi %ne3A_527, %ne3A_530 : i1
      %sub3A_532 = arith.constant 1 : i32
      %sub3A_533 = arith.subi %div3A_512, %sub3A_532 : i32
      %select_n3A_534 = arith.select %and3A_531, %sub3A_533, %div3A_512 : i32
      %mul3A_535 = arith.constant 8 : i32
      %mul3A_536 = arith.muli %select_n3A_534, %mul3A_535 : i32
      %sub3A_537 = arith.subi %add3A_503, %mul3A_536 : i32
      %mul3A_538 = arith.constant 64 : i32
      %mul3A_539 = arith.muli %sub3A_537, %mul3A_538 : i32
      %add3A_540 = arith.addi %mul3A_2, %mul3A_539 : i32
      %dma_wait3A_541 = arith.constant 0 : i32
      %dma_wait3A_542 = tpu.memref_slice %arg2[%select_n3A_534, %add3A_540, %dma_wait3A_541] : memref<3x16384x512xf32, #tpu.memory_space<hbm>> -> memref<1x64x512xf32, #tpu.memory_space<hbm>>
      %dma_wait3A_543 = tpu.memref_squeeze %dma_wait3A_542 : memref<1x64x512xf32, #tpu.memory_space<hbm>> -> memref<64x512xf32, #tpu.memory_space<hbm>>
      %dma_wait3A_544 = arith.constant 0 : i32
      %dma_wait3A_545 = tpu.memref_slice %arg2[%select_n3A_534, %add3A_540, %dma_wait3A_544] : memref<3x16384x512xf32, #tpu.memory_space<hbm>> -> memref<1x64x512xf32, #tpu.memory_space<hbm>>
      %dma_wait3A_546 = tpu.memref_squeeze %dma_wait3A_545 : memref<1x64x512xf32, #tpu.memory_space<hbm>> -> memref<64x512xf32, #tpu.memory_space<hbm>>
      tpu.wait_dma2 semaphore(%arg13 : memref<!tpu.dma_semaphore, #tpu.memory_space<semaphore_mem>>) src(%dma_wait3A_546 : memref<64x512xf32, #tpu.memory_space<hbm>>) dst(%arg8 : memref<64x512xf32, #tpu.memory_space<vmem>>)
      %ge3A_547 = arith.constant 2 : i32
      %ge3A_548 = arith.cmpi sge, %add3A_503, %ge3A_547 : i32
      %convert_element_type3A_549 = arith.extui %ge3A_548 : i1 to i32
      %cond3A_550 = arith.constant 0 : i32
      %cond3A_551 = arith.cmpi ne, %convert_element_type3A_549, %cond3A_550 : i32
      scf.if %cond3A_551 {
        %sub3A_591 = arith.constant 2 : i32
        %sub3A_592 = arith.subi %add3A_503, %sub3A_591 : i32
        %jit3A_593 = arith.constant 8 : i32
        %div3A_594 = arith.divsi %sub3A_592, %jit3A_593 : i32
        %sign3A_595 = arith.constant 0 : i32
        %sign3A_596 = arith.cmpi sgt, %sub3A_592, %sign3A_595 : i32
        %sign3A_597 = arith.extui %sign3A_596 : i1 to i32
        %sign3A_598 = arith.constant 0 : i32
        %sign3A_599 = arith.cmpi slt, %sub3A_592, %sign3A_598 : i32
        %sign3A_600 = arith.extui %sign3A_599 : i1 to i32
        %sign3A_601 = arith.subi %sign3A_597, %sign3A_600 : i32
        %sign3A_602 = arith.constant 0 : i32
        %sign3A_603 = arith.cmpi sgt, %jit3A_593, %sign3A_602 : i32
        %sign3A_604 = arith.extui %sign3A_603 : i1 to i32
        %sign3A_605 = arith.constant 0 : i32
        %sign3A_606 = arith.cmpi slt, %jit3A_593, %sign3A_605 : i32
        %sign3A_607 = arith.extui %sign3A_606 : i1 to i32
        %sign3A_608 = arith.subi %sign3A_604, %sign3A_607 : i32
        %ne3A_609 = arith.cmpi ne, %sign3A_601, %sign3A_608 : i32
        %rem3A_610 = arith.remsi %sub3A_592, %jit3A_593 : i32
        %ne3A_611 = arith.constant 0 : i32
        %ne3A_612 = arith.cmpi ne, %rem3A_610, %ne3A_611 : i32
        %and3A_613 = arith.andi %ne3A_609, %ne3A_612 : i1
        %sub3A_614 = arith.constant 1 : i32
        %sub3A_615 = arith.subi %div3A_594, %sub3A_614 : i32
        %select_n3A_616 = arith.select %and3A_613, %sub3A_615, %div3A_594 : i32
        %mul3A_617 = arith.constant 8 : i32
        %mul3A_618 = arith.muli %select_n3A_616, %mul3A_617 : i32
        %sub3A_619 = arith.subi %sub3A_592, %mul3A_618 : i32
        %mul3A_620 = arith.constant 64 : i32
        %mul3A_621 = arith.muli %sub3A_619, %mul3A_620 : i32
        %add3A_622 = arith.addi %mul3A_2, %mul3A_621 : i32
        %dma_wait3A_623 = arith.constant 0 : i32
        %dma_wait3A_624 = tpu.memref_slice %arg4[%select_n3A_616, %add3A_622, %dma_wait3A_623] : memref<3x16384x128xf32, #tpu.memory_space<hbm>> -> memref<1x64x128xf32, #tpu.memory_space<hbm>>
        %dma_wait3A_625 = tpu.memref_squeeze %dma_wait3A_624 : memref<1x64x128xf32, #tpu.memory_space<hbm>> -> memref<64x128xf32, #tpu.memory_space<hbm>>
        %dma_wait3A_626 = arith.constant 0 : i32
        %dma_wait3A_627 = tpu.memref_slice %arg4[%select_n3A_616, %add3A_622, %dma_wait3A_626] : memref<3x16384x128xf32, #tpu.memory_space<hbm>> -> memref<1x64x128xf32, #tpu.memory_space<hbm>>
        %dma_wait3A_628 = tpu.memref_squeeze %dma_wait3A_627 : memref<1x64x128xf32, #tpu.memory_space<hbm>> -> memref<64x128xf32, #tpu.memory_space<hbm>>
        tpu.wait_dma2 semaphore(%arg15 : memref<!tpu.dma_semaphore, #tpu.memory_space<semaphore_mem>>) src(%arg10 : memref<64x128xf32, #tpu.memory_space<vmem>>) dst(%dma_wait3A_628 : memref<64x128xf32, #tpu.memory_space<hbm>>)
      } else {
      }
      %parallel_loop3A_552 = arith.constant 0 : i32
      %parallel_loop3A_553 = arith.constant 64 : i32
      %parallel_loop3A_554 = arith.constant 1 : i32
      scf.for %parallel_loop3A_591 = %parallel_loop3A_552 to %parallel_loop3A_553 step %parallel_loop3A_554  : i32 {
        %parallel_loop3A_592 = vector.broadcast %parallel_loop3A_591 : i32 to vector<16xi32>
        %parallel_loop3A_593 = tpu.vector_load_idx %arg8[%parallel_loop3A_592, %get3A_3] : memref<64x512xf32, #tpu.memory_space<vmem>>[vector<16xi32>, vector<16xi32>], vector<16xf32>,
        %parallel_loop3A_594 = arith.index_cast %parallel_loop3A_591 : i32 to index
        %parallel_loop3A_595 = arith.constant 0 : index
        %parallel_loop3A_596 = tpu.vector_load %arg10[%parallel_loop3A_594, %parallel_loop3A_595] {strides = array<i32>} : memref<64x128xf32, #tpu.memory_space<vmem>>, vector<16xf32>,
        tpu.vector_store %arg10[%parallel_loop3A_594, %parallel_loop3A_595], %parallel_loop3A_593 {strides = array<i32>} : memref<64x128xf32, #tpu.memory_space<vmem>>, vector<16xf32>,
        %parallel_loop3A_597 = tpu.vector_load_idx %arg8[%parallel_loop3A_592, %get3A_5] : memref<64x512xf32, #tpu.memory_space<vmem>>[vector<16xi32>, vector<16xi32>], vector<16xf32>,
        %parallel_loop3A_598 = arith.index_cast %parallel_loop3A_591 : i32 to index
        %parallel_loop3A_599 = arith.constant 16 : index
        %parallel_loop3A_600 = tpu.vector_load %arg10[%parallel_loop3A_598, %parallel_loop3A_599] {strides = array<i32>} : memref<64x128xf32, #tpu.memory_space<vmem>>, vector<16xf32>,
        tpu.vector_store %arg10[%parallel_loop3A_598, %parallel_loop3A_599], %parallel_loop3A_597 {strides = array<i32>} : memref<64x128xf32, #tpu.memory_space<vmem>>, vector<16xf32>,
        %parallel_loop3A_601 = tpu.vector_load_idx %arg8[%parallel_loop3A_592, %get3A_7] : memref<64x512xf32, #tpu.memory_space<vmem>>[vector<16xi32>, vector<16xi32>], vector<16xf32>,
        %parallel_loop3A_602 = arith.index_cast %parallel_loop3A_591 : i32 to index
        %parallel_loop3A_603 = arith.constant 32 : index
        %parallel_loop3A_604 = tpu.vector_load %arg10[%parallel_loop3A_602, %parallel_loop3A_603] {strides = array<i32>} : memref<64x128xf32, #tpu.memory_space<vmem>>, vector<16xf32>,
        tpu.vector_store %arg10[%parallel_loop3A_602, %parallel_loop3A_603], %parallel_loop3A_601 {strides = array<i32>} : memref<64x128xf32, #tpu.memory_space<vmem>>, vector<16xf32>,
        %parallel_loop3A_605 = tpu.vector_load_idx %arg8[%parallel_loop3A_592, %get3A_9] : memref<64x512xf32, #tpu.memory_space<vmem>>[vector<16xi32>, vector<16xi32>], vector<16xf32>,
        %parallel_loop3A_606 = arith.index_cast %parallel_loop3A_591 : i32 to index
        %parallel_loop3A_607 = arith.constant 48 : index
        %parallel_loop3A_608 = tpu.vector_load %arg10[%parallel_loop3A_606, %parallel_loop3A_607] {strides = array<i32>} : memref<64x128xf32, #tpu.memory_space<vmem>>, vector<16xf32>,
        tpu.vector_store %arg10[%parallel_loop3A_606, %parallel_loop3A_607], %parallel_loop3A_605 {strides = array<i32>} : memref<64x128xf32, #tpu.memory_space<vmem>>, vector<16xf32>,
        %parallel_loop3A_609 = tpu.vector_load_idx %arg8[%parallel_loop3A_592, %get3A_11] : memref<64x512xf32, #tpu.memory_space<vmem>>[vector<16xi32>, vector<16xi32>], vector<16xf32>,
        %parallel_loop3A_610 = arith.index_cast %parallel_loop3A_591 : i32 to index
        %parallel_loop3A_611 = arith.constant 64 : index
        %parallel_loop3A_612 = tpu.vector_load %arg10[%parallel_loop3A_610, %parallel_loop3A_611] {strides = array<i32>} : memref<64x128xf32, #tpu.memory_space<vmem>>, vector<16xf32>,
        tpu.vector_store %arg10[%parallel_loop3A_610, %parallel_loop3A_611], %parallel_loop3A_609 {strides = array<i32>} : memref<64x128xf32, #tpu.memory_space<vmem>>, vector<16xf32>,
        %parallel_loop3A_613 = tpu.vector_load_idx %arg8[%parallel_loop3A_592, %get3A_13] : memref<64x512xf32, #tpu.memory_space<vmem>>[vector<16xi32>, vector<16xi32>], vector<16xf32>,
        %parallel_loop3A_614 = arith.index_cast %parallel_loop3A_591 : i32 to index
        %parallel_loop3A_615 = arith.constant 80 : index
        %parallel_loop3A_616 = tpu.vector_load %arg10[%parallel_loop3A_614, %parallel_loop3A_615] {strides = array<i32>} : memref<64x128xf32, #tpu.memory_space<vmem>>, vector<16xf32>,
        tpu.vector_store %arg10[%parallel_loop3A_614, %parallel_loop3A_615], %parallel_loop3A_613 {strides = array<i32>} : memref<64x128xf32, #tpu.memory_space<vmem>>, vector<16xf32>,
        %parallel_loop3A_617 = tpu.vector_load_idx %arg8[%parallel_loop3A_592, %get3A_15] : memref<64x512xf32, #tpu.memory_space<vmem>>[vector<16xi32>, vector<16xi32>], vector<16xf32>,
        %parallel_loop3A_618 = arith.index_cast %parallel_loop3A_591 : i32 to index
        %parallel_loop3A_619 = arith.constant 96 : index
        %parallel_loop3A_620 = tpu.vector_load %arg10[%parallel_loop3A_618, %parallel_loop3A_619] {strides = array<i32>} : memref<64x128xf32, #tpu.memory_space<vmem>>, vector<16xf32>,
        tpu.vector_store %arg10[%parallel_loop3A_618, %parallel_loop3A_619], %parallel_loop3A_617 {strides = array<i32>} : memref<64x128xf32, #tpu.memory_space<vmem>>, vector<16xf32>,
        %parallel_loop3A_621 = tpu.vector_load_idx %arg8[%parallel_loop3A_592, %get3A_17] : memref<64x512xf32, #tpu.memory_space<vmem>>[vector<16xi32>, vector<16xi32>], vector<16xf32>,
        %parallel_loop3A_622 = arith.index_cast %parallel_loop3A_591 : i32 to index
        %parallel_loop3A_623 = arith.constant 112 : index
        %parallel_loop3A_624 = tpu.vector_load %arg10[%parallel_loop3A_622, %parallel_loop3A_623] {strides = array<i32>} : memref<64x128xf32, #tpu.memory_space<vmem>>, vector<16xf32>,
        tpu.vector_store %arg10[%parallel_loop3A_622, %parallel_loop3A_623], %parallel_loop3A_621 {strides = array<i32>} : memref<64x128xf32, #tpu.memory_space<vmem>>, vector<16xf32>,
      } {sc.loop_unroll_factor = 4 : i64, sc.parallel_access}
      %jit3A_555 = arith.constant 8 : i32
      %div3A_556 = arith.divsi %add3A_503, %jit3A_555 : i32
      %sign3A_557 = arith.constant 0 : i32
      %sign3A_558 = arith.cmpi sgt, %add3A_503, %sign3A_557 : i32
      %sign3A_559 = arith.extui %sign3A_558 : i1 to i32
      %sign3A_560 = arith.constant 0 : i32
      %sign3A_561 = arith.cmpi slt, %add3A_503, %sign3A_560 : i32
      %sign3A_562 = arith.extui %sign3A_561 : i1 to i32
      %sign3A_563 = arith.subi %sign3A_559, %sign3A_562 : i32
      %sign3A_564 = arith.constant 0 : i32
      %sign3A_565 = arith.cmpi sgt, %jit3A_555, %sign3A_564 : i32
      %sign3A_566 = arith.extui %sign3A_565 : i1 to i32
      %sign3A_567 = arith.constant 0 : i32
      %sign3A_568 = arith.cmpi slt, %jit3A_555, %sign3A_567 : i32
      %sign3A_569 = arith.extui %sign3A_568 : i1 to i32
      %sign3A_570 = arith.subi %sign3A_566, %sign3A_569 : i32
      %ne3A_571 = arith.cmpi ne, %sign3A_563, %sign3A_570 : i32
      %rem3A_572 = arith.remsi %add3A_503, %jit3A_555 : i32
      %ne3A_573 = arith.constant 0 : i32
      %ne3A_574 = arith.cmpi ne, %rem3A_572, %ne3A_573 : i32
      %and3A_575 = arith.andi %ne3A_571, %ne3A_574 : i1
      %sub3A_576 = arith.constant 1 : i32
      %sub3A_577 = arith.subi %div3A_556, %sub3A_576 : i32
      %select_n3A_578 = arith.select %and3A_575, %sub3A_577, %div3A_556 : i32
      %mul3A_579 = arith.constant 8 : i32
      %mul3A_580 = arith.muli %select_n3A_578, %mul3A_579 : i32
      %sub3A_581 = arith.subi %add3A_503, %mul3A_580 : i32
      %mul3A_582 = arith.constant 64 : i32
      %mul3A_583 = arith.muli %sub3A_581, %mul3A_582 : i32
      %add3A_584 = arith.addi %mul3A_2, %mul3A_583 : i32
      %dma_start3A_585 = arith.constant 0 : i32
      %dma_start3A_586 = tpu.memref_slice %arg4[%select_n3A_578, %add3A_584, %dma_start3A_585] : memref<3x16384x128xf32, #tpu.memory_space<hbm>> -> memref<1x64x128xf32, #tpu.memory_space<hbm>>
      %dma_start3A_587 = tpu.memref_squeeze %dma_start3A_586 : memref<1x64x128xf32, #tpu.memory_space<hbm>> -> memref<64x128xf32, #tpu.memory_space<hbm>>
      %dma_start3A_588 = arith.constant 0 : i32
      %dma_start3A_589 = tpu.memref_slice %arg4[%select_n3A_578, %add3A_584, %dma_start3A_588] : memref<3x16384x128xf32, #tpu.memory_space<hbm>> -> memref<1x64x128xf32, #tpu.memory_space<hbm>>
      %dma_start3A_590 = tpu.memref_squeeze %dma_start3A_589 : memref<1x64x128xf32, #tpu.memory_space<hbm>> -> memref<64x128xf32, #tpu.memory_space<hbm>>
      tpu.enqueue_dma source(%arg10 : memref<64x128xf32, #tpu.memory_space<vmem>>) target(%dma_start3A_590 : memref<64x128xf32, #tpu.memory_space<hbm>>) target_semaphore(%arg15 : memref<!tpu.dma_semaphore, #tpu.memory_space<semaphore_mem>>)
    }
    %scan3A_39 = arith.constant 4 : i32
    %add3A_40 = arith.constant 384 : i32
    %add3A_41 = arith.addi %mul3A_2, %add3A_40 : i32
    %dma_wait3A = arith.constant 2 : i32
    %dma_wait3A_42 = arith.constant 0 : i32
    %dma_wait3A_43 = tpu.memref_slice %arg4[%dma_wait3A, %add3A_41, %dma_wait3A_42] : memref<3x16384x128xf32, #tpu.memory_space<hbm>> -> memref<1x64x128xf32, #tpu.memory_space<hbm>>
    %dma_wait3A_44 = tpu.memref_squeeze %dma_wait3A_43 : memref<1x64x128xf32, #tpu.memory_space<hbm>> -> memref<64x128xf32, #tpu.memory_space<hbm>>
    %dma_wait3A_45 = arith.constant 0 : i32
    %dma_wait3A_46 = tpu.memref_slice %arg4[%dma_wait3A, %add3A_41, %dma_wait3A_45] : memref<3x16384x128xf32, #tpu.memory_space<hbm>> -> memref<1x64x128xf32, #tpu.memory_space<hbm>>
    %dma_wait3A_47 = tpu.memref_squeeze %dma_wait3A_46 : memref<1x64x128xf32, #tpu.memory_space<hbm>> -> memref<64x128xf32, #tpu.memory_space<hbm>>
    tpu.wait_dma2 semaphore(%arg14 : memref<!tpu.dma_semaphore, #tpu.memory_space<semaphore_mem>>) src(%arg9 : memref<64x128xf32, #tpu.memory_space<vmem>>) dst(%dma_wait3A_47 : memref<64x128xf32, #tpu.memory_space<hbm>>)
    %add3A_48 = arith.constant 448 : i32
    %add3A_49 = arith.addi %mul3A_2, %add3A_48 : i32
    %dma_wait3A_50 = arith.constant 2 : i32
    %dma_wait3A_51 = arith.constant 0 : i32
    %dma_wait3A_52 = tpu.memref_slice %arg4[%dma_wait3A_50, %add3A_49, %dma_wait3A_51] : memref<3x16384x128xf32, #tpu.memory_space<hbm>> -> memref<1x64x128xf32, #tpu.memory_space<hbm>>
    %dma_wait3A_53 = tpu.memref_squeeze %dma_wait3A_52 : memref<1x64x128xf32, #tpu.memory_space<hbm>> -> memref<64x128xf32, #tpu.memory_space<hbm>>
    %dma_wait3A_54 = arith.constant 0 : i32
    %dma_wait3A_55 = tpu.memref_slice %arg4[%dma_wait3A_50, %add3A_49, %dma_wait3A_54] : memref<3x16384x128xf32, #tpu.memory_space<hbm>> -> memref<1x64x128xf32, #tpu.memory_space<hbm>>
    %dma_wait3A_56 = tpu.memref_squeeze %dma_wait3A_55 : memref<1x64x128xf32, #tpu.memory_space<hbm>> -> memref<64x128xf32, #tpu.memory_space<hbm>>
    tpu.wait_dma2 semaphore(%arg15 : memref<!tpu.dma_semaphore, #tpu.memory_space<semaphore_mem>>) src(%arg10 : memref<64x128xf32, #tpu.memory_space<vmem>>) dst(%dma_wait3A_56 : memref<64x128xf32, #tpu.memory_space<hbm>>)
    return
  }
}

</mosaic_0001>

<sc_bundles>
// kernel: kernel.3.cloned.1.call-start
scs
__scs_entry_jumppad:
0x0: {  	(pc) =	sbr.rel $0x88, $3  }
0x1: {  	(tag) =	ssettag $0x0;
	lr =	simm.s32 $0x1  }
0x2: {  	[smem:$0x3F9F] =	sst lr;
	_ =	strace $0xD0000000  }
0x3: {  	_ = 	snop  }
0x4: {  	_ = 	snop  }
0x5: {  	_ = 	snop  }
0x6: {  	_ = 	snop  }
0x7: {  	_ = 	snop  }
__scs_overlays_trampoline_lowered:
0x8: {  	[smem:$0x3FAE] =	sst s0  }
0x9: {  	[smem:$0x3FAF] =	sst s1  }
0xa: {  	[smem:$0x3FB0] =	sst s2  }
0xb: {  	[smem:$0x3FB1] =	sst s3  }
0xc: {  	[smem:$0x3FB2] =	sst s4  }
0xd: {  	[smem:$0x3FB3] =	sst s5  }
0xe: {  	[smem:$0x3FB4] =	sst s6  }
0xf: {  	[smem:$0x3FB5] =	sst s7  }
0x10: {  	[smem:$0x3FB6] =	sst s8  }
0x11: {  	[smem:$0x3FB7] =	sst s9;
	s0 =	simm.s32 @!p0 $0x0  }
0x12: {  	s1 =	sld [smem:$0x3F9D];
	s0 =	simm.s32 @p0 $0x1  }
0x13: {  	[smem:$0x3FB8] =	sst s0;
	s0 =	simm.s32 @!p1 $0x0  }
0x14: {  	s2 =	sld [smem:$0x3F9C];
	s0 =	simm.s32 @p1 $0x1  }
0x15: {  	[smem:$0x3FB9] =	sst s0;
	s0 =	simm.s32 @!p2 $0x0  }
0x16: {  	s3 =	sld [smem:$0x3FDB];
	s0 =	simm.s32 @p2 $0x1  }
0x17: {  	s4 =	simm.s32 $0x1BF5;
	[smem:$0x3FBB] =	sst s0  }
0x18: {  	s0 =	sld [smem:$0x3F9E];
	_ =	swait.ge [sflag:s4], $0x0  }
0x19: {  	s7 =	sld [smem:$0x3F9F]  }
0x1a: {  	s8 =	sadd.s32 $0xFFFFE003, lr  }
0x1b: {  	s9 =	sadd.s32 $0xFFFFFEF7, lr;
	s5 =	simm.s32 $0xFFFFFFFF;
	p2 =	slt.u32 s8, $0xFFFFF086  }
0x1c: {  	p1 =	slt.u32 s9, $0xF7A;
	s5 =	simm.s32 @!p2 $0x0  }
0x1d: {  	s5 =	simm.s32 @p1 $0x1;
	p0 =	seq.s32 s7, s2  }
0x1e: {  	s7 =	smul.u32 @!p0 $0xF7A, s2;
	p2 =	seq.s32 @!p0 s5, $0x0  }
0x1f: {  	s9 =	smul.u32 $0xF7A, s1;
	s8 =	simm.s32 @!p0 $0x1BF5;
	p2 =	por !p2, p0  }
0x20: {  	[sflag:s8] =	ssyncset.s32 @!p0 $0xFFFFF086;
	s6 =	sadd.s32 @!p0 s3, s7;
	s7 =	simm.s32 @!p0 $0x108  }
0x21: {  	s3 =	sadd.s32 s3, s9;
	s6 =	sadd.s32 @!p0 $0x88, s6;
	s7 =	simm.s32 @p2 $0x1082  }
0x22: {  	[simem:s7], [sflag:s8] =	dma.local @!p0 [hbm:s6], $0xF7A  }
0x23: {  	s9 =	sor.u32 $0xD0000000, s2;
	s6 =	simm.s32 $0x108;
	_ =	swait.ge @!p0 [sflag:s8], $0x0  }
0x24: {  	s3 =	sadd.s32 $0x88, s3;
	s6 =	simm.s32 @!p1 $0x1082;
	[sflag:s4] =	ssyncset.s32 $0xFFFFF086  }
0x25: {  	[simem:s6], [sflag:s4] =	dma.local [hbm:s3], $0xF7A  }
0x26: {  	[smem:$0x3F9F] =	sst s1;
	(tag) =	ssettag s2;
	_ =	strace s9  }
0x27: {  	s1 =	sld [smem:$0x3FAF]  }
0x28: {  	s2 =	sld [smem:$0x3FB0]  }
0x29: {  	s4 =	sld [smem:$0x3FB2]  }
0x2a: {  	p0 =	seq.s32 s5, $0x0;
	s5 =	sld [smem:$0x3FB3]  }
0x2b: {  	s6 =	sld [smem:$0x3FB4]  }
0x2c: {  	s7 =	sld [smem:$0x3FB5]  }
0x2d: {  	s3 =	simm.s32 $0x108;
	s8 =	sld [smem:$0x3FB6]  }
0x2e: {  	s3 =	simm.s32 @!p0 $0x1082;
	s9 =	sld [smem:$0x3FB7]  }
0x2f: {  	lr =	sadd.s32 s0, s3;
	s0 =	sld [smem:$0x3FAE]  }
0x30: {  	s3 =	sld [smem:$0x3FB1]  }
0x31: {  	[smem:$0x3FBA] =	sst s10  }
0x32: {  	s10 =	sld [smem:$0x3FB8];
	_ =	sdelay $0x3  }
0x33: {  	p0 =	seq.s32 s10, $0x1;
	s10 =	sld [smem:$0x3FBA];
	_ =	sdelay $0x3  }
0x34: {  	[smem:$0x3FBA] =	sst s10  }
0x35: {  	s10 =	sld [smem:$0x3FB9];
	_ =	sdelay $0x3  }
0x36: {  	p1 =	seq.s32 s10, $0x1;
	s10 =	sld [smem:$0x3FBA];
	_ =	sdelay $0x3  }
0x37: {  	[smem:$0x3FBA] =	sst s10  }
0x38: {  	s10 =	sld [smem:$0x3FBB]  }
0x39: {  	_ = 	snop;
	(pc) =	sbr.ind lr, $3  }
0x3a: {  	_ = 	snop  }
0x3b: {  	_ = 	snop  }
0x3c: {  	p2 =	seq.s32 s10, $0x1;
	s10 =	sld [smem:$0x3FBA]  }
0x3d: {  	_ =	shalt  }
0x3e: {  	_ =	shalt  }
0x3f: {  	_ =	shalt  }
0x40: {  	_ =	shalt  }
0x41: {  	_ =	shalt  }
0x42: {  	_ =	shalt  }
0x43: {  	_ =	shalt  }
0x44: {  	_ =	shalt  }
0x45: {  	_ =	shalt  }
0x46: {  	_ =	shalt  }
0x47: {  	_ =	shalt  }
0x48: {  	_ =	shalt  }
0x49: {  	_ =	shalt  }
0x4a: {  	_ =	shalt  }
0x4b: {  	_ =	shalt  }
0x4c: {  	_ =	shalt  }
0x4d: {  	_ =	shalt  }
0x4e: {  	_ =	shalt  }
0x4f: {  	_ =	shalt  }
0x50: {  	_ =	shalt  }
0x51: {  	_ =	shalt  }
0x52: {  	_ =	shalt  }
0x53: {  	_ =	shalt  }
0x54: {  	_ =	shalt  }
0x55: {  	_ =	shalt  }
0x56: {  	_ =	shalt  }
0x57: {  	_ =	shalt  }
0x58: {  	_ =	shalt  }
0x59: {  	_ =	shalt  }
0x5a: {  	_ =	shalt  }
0x5b: {  	_ =	shalt  }
0x5c: {  	_ =	shalt  }
0x5d: {  	_ =	shalt  }
0x5e: {  	_ =	shalt  }
0x5f: {  	_ =	shalt  }
0x60: {  	_ =	shalt  }
0x61: {  	_ =	shalt  }
0x62: {  	_ =	shalt  }
0x63: {  	_ =	shalt  }
0x64: {  	_ =	shalt  }
0x65: {  	_ =	shalt  }
0x66: {  	_ =	shalt  }
0x67: {  	_ =	shalt  }
0x68: {  	_ =	shalt  }
0x69: {  	_ =	shalt  }
0x6a: {  	_ =	shalt  }
0x6b: {  	_ =	shalt  }
0x6c: {  	_ =	shalt  }
0x6d: {  	_ =	shalt  }
0x6e: {  	_ =	shalt  }
0x6f: {  	_ =	shalt  }
0x70: {  	_ =	shalt  }
0x71: {  	_ =	shalt  }
0x72: {  	_ =	shalt  }
0x73: {  	_ =	shalt  }
0x74: {  	_ =	shalt  }
0x75: {  	_ =	shalt  }
0x76: {  	_ =	shalt  }
0x77: {  	_ =	shalt  }
0x78: {  	_ =	shalt  }
0x79: {  	_ =	shalt  }
0x7a: {  	_ =	shalt  }
0x7b: {  	_ =	shalt  }
0x7c: {  	_ =	shalt  }
0x7d: {  	_ =	shalt  }
0x7e: {  	_ =	shalt  }
0x7f: {  	_ =	shalt  }
0x80: {  	_ =	shalt  }
0x81: {  	_ =	shalt  }
0x82: {  	_ =	shalt  }
0x83: {  	_ =	shalt  }
0x84: {  	_ =	shalt  }
0x85: {  	_ =	shalt  }
0x86: {  	_ =	shalt  }
0x87: {  	_ =	shalt  }
.Lfunc_end0:
.L_simem_size_0:
called_computation_lowered:
.L_overlay_start_0:
0x88: {  	s2 =	sld [smem:$0x3FD9]  }
0x89: {  	s3 =	sld [smem:$0x3FFE];
	_ =	sdelay $0x1  }
0x8a: {  	s1 =	srdreg.scid  }
0x8b: {  	s0 =	sand.u32 $0x1, s1  }
0x8c: {  	s18 =	sshll.u32 s0, $0xA;
	s2 =	sadd.s32 s3, s2  }
0x8d: {  	s2 =	sadd.s32 s2, s18  }
0x8e: {  	[smem:$0x3FC6] =	sst s2  }
0x8f: {  	_ = 	snop  }
0x90: {  	s2 =	sld [smem:$0x3FC9]  }
0x91: {  	s19 =	sld [smem:$0x3FC8]  }
0x92: {  	s4 =	sld [smem:$0x3FD0];
	(tm) =	ssettm $0x1  }
0x93: {  	s5 =	sld [smem:$0x3FFB];
	_ =	sdelay $0x3  }
0x94: {  	_ =	strace s5  }
0x95: {  	s5 =	sld [smem:$0x3FFC];
	_ =	sdelay $0x3  }
0x96: {  	_ =	strace s5  }
0x97: {  	s5 =	sld [smem:$0x3FFD];
	_ =	sdelay $0x3  }
0x98: {  	_ =	strace s5  }
0x99: {  	_ =	strace $0x8FFFFFFF  }
0x9a: {  	s20 =	sld [smem:$0x3FDB];
	_ =	sdelay $0x1  }
0x9b: {  	s6 =	simm.s32 $_scs_section_size  }
0x9c: {  	s7 =	simm.s32 $_size__tile_overlayer_lowered;
	s8 =	simm.s32 $_tile_overlayer_lowered  }
0x9d: {  	s23 =	simm.s32 $0x1BFF;
	s22 =	sshll.u32 s8, $0x1;
	s5 =	sadd.s32 s6, s20  }
0x9e: {  	s9 =	simm.s32 $0x0;
	s21 =	sshll.u32 s7, $0x1;
	s7 =	sadd.s32 s22, s5  }
0x9f: {  	[timem:s9], [sflag:s23] =	dma.local [hbm:s7], s21  }
0xa0: {  	_ =	swait.ge [sflag:s23], s21  }
0xa1: {  	s6 =	ssub.s32 $0x0, s21;
	[sflag:s23] =	ssyncset.done $0x0  }
0xa2: {  	[sflag:s23] =	ssyncadd.s32 s6;
	_ =	sdelay $0x1  }
0xa3: {  	s24 =	simm.s32 $0x1B8B  }
0xa4: {  	_ =	swait.ge [sflag:s24], $0x1  }
0xa5: {  	[sflag:s24] =	ssyncset.done $0x0  }
0xa6: {  	s25 =	simm.s32 $0x1B8E;
	[sflag:s24] =	ssyncadd.s32 $0xFFFFFFFF  }
0xa7: {  	s26 =	simm.s32 $execute0_lowered;
	[smem:$0x3FD2] =	sst s25  }
0xa8: {  	s6 =	sshll.u32 s26, $0x1;
	_ =	strace $0x80000046;
	[dreg:$0x1] =	wrdreg $0xFFFFFFFF  }
0xa9: {  	s28 =	simm.s32 $_size_execute0_lowered;
	s5 =	sadd.s32 s5, s6;
	[dreg:$0x0] =	wrdreg $0x0  }
0xaa: {  	s6 =	sshll.u32 s28, $0x1;
	[dreg:$0x2] =	wrdreg s5  }
0xab: {  	[dreg:$0x3] =	wrdreg s6  }
0xac: {  	[dreg:$0x4] =	wrdreg $0xC0  }
0xad: {  	_ =	task [dreg:s9], $0x5FFFF  }
0xae: {  	[dreg:$0x1] =	wrdreg $0xFFFFFFFF  }
0xaf: {  	[dreg:$0x0] =	wrdreg $0x60  }
0xb0: {  	[dreg:$0x2] =	wrdreg s2  }
0xb1: {  	[dreg:$0x3] =	wrdreg s19  }
0xb2: {  	[dreg:$0x4] =	wrdreg s4  }
0xb3: {  	[dreg:$0x5] =	wrdreg $0x9  }
0xb4: {  	_ =	task.clear_ibuf [dreg:s9], $0x6FFFF;
	_ =	strace $0x90000046  }
0xb5: {  	s29 =	simm.s32 $0x9;
	_ =	strace $0x80000048  }
0xb6: {  	_ =	swait.ge [sflag:s29], $0x1  }
0xb7: {  	[sflag:s29] =	ssyncadd.s32 $0xFFFFFFFF  }
0xb8: {  	_ =	strace $0x90000048  }
0xb9: {  	_ =	sfence  }
0xba: {  	s30 =	sld [smem:$0x0];
	_ =	sdelay $0x2  }
0xbb: {  	s31 =	sshll.u32 s1, $0xD;
	s1 =	sshrl.u32 s1, $0x2  }
0xbc: {  	s3 =	sand.u32 $0x4000, s31;
	s1 =	sadd.s32 s1, s30  }
0xbd: {  	s0 =	sor.u32 s3, s0;
	s1 =	sshll.u32 s1, $0x11  }
0xbe: {  	s0 =	sor.u32 s1, s0  }
0xbf: {  	s0 =	sadd.s32 $0x8F2B, s0  }
0xc0: {  	[sflag:s0] =	ssyncadd.remote.s32 $0x1  }
0xc1: {  	_ =	sfence.sel $0xFFFF  }
0xc2: {  	[dreg:$0x0] =	wrdreg $0xFFFFFFFF;
	(pc) =	sbr.abs _section_cstart, $3  }
0xc3: {  	[dreg:$0x1] =	wrdreg $0xFFFFFFFF  }
0xc4: {  	_ =	task.clear_ibuf [dreg:s9], $0x2FFFF;
	_ =	strace $0x9FFFFFFF  }
0xc5: {  	(tm) =	ssettm $0x7FFFFFFF  }
tec
execute0_lowered:
.L_overlay_start_1:
0x0: {  	(tag) =	ssettag $0x1  }
0x1: {  	s1 =	rddreg [dreg:$0x0];
	s0 =	srdreg.scid  }
0x2: {  	s2 =	stileid.u32;
	s4 =	rddreg [dreg:$0x2]  }
0x3: {  	s6 =	simm.s32 $0x0;
	s12 =	simm.s32 $0x6;
	s13 =	simm.s32 $0x80  }
0x4: {  	s14 =	simm.s32 $0x8080;
	s15 =	simm.s32 $0x10080;
	s16 =	simm.s32 $0x1  }
0x5: {  	s17 =	simm.s32 $0x18080;
	s18 =	simm.s32 $0x2;
	s19 =	simm.s32 $0x1A080  }
0x6: {  	s20 =	simm.s32 $0x3;
	s21 =	simm.s32 $0x4;
	s0 =	sand.u32 $0x1, s0  }
0x7: {  	s2 =	sshll.u32 s2, $0xA;
	s3 =	sshll.u32 s0, $0x9;
	s0 =	ssub.s32 $0x2, s0  }
0x8: {  	s22 =	simm.s32 $0x5;
	s5 =	sor.u32 s3, s2;
	s31 =	sshrl.u32 s0, $0x1  }
0x9: {  	s23 =	simm.s32 $0x0;
	s2 =	sshll.u32 s5, $0x6;
	s0 =	ssub.s32 s0, s31  }
0xa: {  	[smem:$0x7FF] =	sst s6;
	s7 =	sadd.s32 s1, s2;
	s0 =	smax.u32 s0, $0x1  }
0xb: {  	_ =	strace $0x80000047;
	s2 =	sadd.s32 $0x1000, s7;
	[dreg:$0x5] =	wrdreg s0  }
0xc: {  	s9 =	sor.u32 $0x40, s5;
	s11 =	sshll.u32 s5, $0x9;
	[dreg:$0x4] =	wrdreg s2  }
.LBB2_1:
0xd: {  	s0 =	rddreg [dreg:$0x1]  }
0xe: {  	[tilespmem:s6], [sflag:$0x6] =	stream.linear.gather [hbm4b:s0+s6], $0x80, $0x38;
	[tilespmem:$0x1C080] =	vst v63  }
0xf: {  	_ =	swait.ge [sflag:s12], $0x80  }
0x10: {  	[sflag:s12] =	ssyncset.done $0x0  }
0x11: {  	[sflag:s12] =	ssyncadd.s32 $0xFFFFFF80  }
0x12: {  	v1 =	vld [tilespmem:$0x0]  }
0x13: {  	v2 =	vld [tilespmem:$0x10]  }
0x14: {  	v5 =	vld [tilespmem:$0x20]  }
0x15: {  	v6 =	vld [tilespmem:$0x30]  }
0x16: {  	v9 =	vld [tilespmem:$0x40]  }
0x17: {  	v10 =	vld [tilespmem:$0x50]  }
0x18: {  	v13 =	vld [tilespmem:$0x60]  }
0x19: {  	v14 =	vld [tilespmem:$0x70]  }
0x1a: {  	v0 =	vand.u32 $0x7F, v1;
	v1 =	vshll.u32 v1, $0x3;
	v3 =	vshll.u32 v2, $0x3  }
0x1b: {  	v2 =	vand.u32 $0x7F, v2;
	v4 =	vand.u32 $0x7F, v5;
	v5 =	vshll.u32 v5, $0x3  }
0x1c: {  	v7 =	vshll.u32 v6, $0x3;
	v6 =	vand.u32 $0x7F, v6;
	v8 =	vand.u32 $0x7F, v9  }
0x1d: {  	v9 =	vshll.u32 v9, $0x3;
	v11 =	vshll.u32 v10, $0x3;
	v10 =	vand.u32 $0x7F, v10  }
0x1e: {  	v12 =	vand.u32 $0x7F, v13;
	v13 =	vshll.u32 v13, $0x3;
	v15 =	vshll.u32 v14, $0x3  }
0x1f: {  	[tilespmem:s13], [sflag:$0x1] =	stream.linear.gather [hbm4b:s7+s6], $0x8000, $0x38;
	v14 =	vand.u32 $0x7F, v14;
	v1 =	vand.u32 $0xFFFFFC00, v1;
	v3 =	vand.u32 $0xFFFFFC00, v3;
	[tilespmem:$0x1C080] =	vst v63  }
0x20: {  	s24 =	simm.s32 $0x0;
	s31 =	rddreg [dreg:$0x4];
	v5 =	vand.u32 $0xFFFFFC00, v5;
	v7 =	vand.u32 $0xFFFFFC00, v7;
	v9 =	vand.u32 $0xFFFFFC00, v9  }
0x21: {  	[tilespmem:s14], [sflag:$0x2] =	stream.linear.gather [hbm4b:s31+s6], $0x8000, $0x38;
	v11 =	vand.u32 $0xFFFFFC00, v11;
	v13 =	vand.u32 $0xFFFFFC00, v13;
	v15 =	vand.u32 $0xFFFFFC00, v15;
	[tilespmem:$0x1C080] =	vst v63  }
.LBB2_2:
0x22: {  	s25 =	smul.u32 $0x6, s24;
	_ =	sdelay $0x1  }
0x23: {  	s0 =	sadd.s32 $0x2, s25  }
0x24: {  	s2 =	simm.s32 $0x0;
	s26 =	sshrl.u32 s0, $0x3  }
0x25: {  	s8 =	simm.s32 $0x1;
	s0 =	sshll.u32 s0, $0x6;
	s3 =	sshll.u32 s26, $0x9  }
0x26: {  	s10 =	simm.s32 $0x2;
	v16 =	vmov s2;
	v18 =	vmov s8;
	s0 =	ssub.s32 s0, s3  }
0x27: {  	v19 =	vmov s10;
	s10 =	simm.s32 $0x3;
	v17 =	vshll.u32 v16, $0x7;
	v16 =	vshll.u32 v16, $0x9;
	s28 =	sadd.s32 s5, s0  }
0x28: {  	v22 =	vshll.u32 v19, $0x7;
	v20 =	vmov s10;
	v23 =	vshll.u32 v19, $0x9;
	s3 =	sshll.u32 s26, $0x17;
	s8 =	sshll.u32 s28, $0x9  }
0x29: {  	v24 =	vand.u32 $0x7000, v16;
	v16 =	vand.u32 $0x200, v17;
	v17 =	vshll.u32 v18, $0x7;
	s0 =	sadd.s32 s3, s8  }
0x2a: {  	v18 =	vshll.u32 v18, $0x9;
	v21 =	vshll.u32 v20, $0x9;
	v17 =	vand.u32 $0x280, v17;
	s0 =	sshrl.u32 s0, $0x3  }
0x2b: {  	v19 =	vand.u32 $0x7000, v18;
	v21 =	vand.u32 $0x7000, v21;
	v18 =	vshll.u32 v20, $0x7;
	s0 =	sadd.s32 s1, s0  }
0x2c: {  	v25 =	vadd.s32 v1, v19;
	v26 =	vadd.s32 v1, v21;
	v20 =	vand.u32 $0x380, v18;
	[tilespmem:s15], [sflag:$0x3] =	stream.linear.gather [hbm4b:s0+s6], $0x8000, $0x38;
	[tilespmem:$0x1C080] =	vst v63  }
0x2d: {  	v18 =	vand.u32 $0x300, v22;
	v22 =	vand.u32 $0x7000, v23;
	v23 =	vor.u32 v20, v26;
	_ =	swait.ge [sflag:s16], $0x8000  }
0x2e: {  	p0 =	seq.s32 s24, $0x0;
	v26 =	vadd.s32 v1, v22;
	v25 =	vor.u32 v17, v25;
	v23 =	vor.u32 v0, v23;
	[sflag:s16] =	ssyncset.done $0x0  }
0x2f: {  	v27 =	vadd.s32 v1, v24;
	v26 =	vor.u32 v18, v26;
	v25 =	vor.u32 v0, v25;
	s0 =	simm.s32 @!p0 $0x4;
	[sflag:s16] =	ssyncadd.s32 $0xFFFF8000  }
0x30: {  	v27 =	vor.u32 v16, v27;
	v26 =	vor.u32 v0, v26;
	_ =	swait.ge @!p0 [sflag:s0], $0x2000  }
0x31: {  	v27 =	vor.u32 v0, v27;
	[sflag:s0] =	ssyncset.done @!p0 $0x0  }
0x32: {  	[sflag:s0] =	ssyncadd.s32 @!p0 $0xFFFFE000  }
0x33: {  	v28 =	vadd.s32 v3, v21;
	v23 =	vld.idx.msk [tilespmem:v23+s13+$0x0], $0xffff  }
0x34: {  	v28 =	vor.u32 v20, v28;
	v25 =	vld.idx.msk [tilespmem:v25+s13+$0x0], $0xffff  }
0x35: {  	v29 =	vadd.s32 v3, v19;
	v28 =	vor.u32 v2, v28;
	v26 =	vld.idx.msk [tilespmem:v26+s13+$0x0], $0xffff  }
0x36: {  	v31 =	vadd.s32 v3, v24;
	v29 =	vor.u32 v17, v29;
	v30 =	vadd.s32 v3, v22;
	v27 =	vld.idx.msk [tilespmem:v27+s13+$0x0], $0xffff  }
0x37: {  	v51 =	vadd.s32 v7, v24;
	v29 =	vor.u32 v2, v29;
	v30 =	vor.u32 v18, v30;
	s3 =	simm.s32 $0x18180  }
0x38: {  	v37 =	vadd.s32 v9, v24;
	v31 =	vor.u32 v16, v31;
	v30 =	vor.u32 v2, v30;
	[tilespmem:s3+$0x80] =	vst v23  }
0x39: {  	v38 =	vadd.s32 v11, v24;
	v32 =	vadd.s32 v5, v19;
	v31 =	vor.u32 v2, v31;
	[tilespmem:s3+$0xFFFFFF80] =	vst v25  }
0x3a: {  	v34 =	vadd.s32 v7, v19;
	[tilespmem:s3+$0x0] =	vst v26;
	v25 =	vld.idx.msk [tilespmem:v28+s13+$0x0], $0xffff;
	v28 =	vadd.s32 v5, v21  }
0x3b: {  	v35 =	vadd.s32 v7, v21;
	v39 =	vadd.s32 v9, v19;
	[tilespmem:s3+$0xFFFFFF00] =	vst v27;
	v26 =	vor.u32 v20, v28  }
0x3c: {  	v27 =	vor.u32 v17, v32;
	v29 =	vld.idx.msk [tilespmem:v29+s13+$0x0], $0xffff;
	v28 =	vadd.s32 v5, v22;
	v26 =	vor.u32 v4, v26  }
0x3d: {  	v23 =	vadd.s32 v5, v24;
	v30 =	vld.idx.msk [tilespmem:v30+s13+$0x0], $0xffff;
	v27 =	vor.u32 v4, v27;
	v28 =	vor.u32 v18, v28  }
0x3e: {  	v40 =	vadd.s32 v9, v21;
	v23 =	vor.u32 v16, v23;
	v31 =	vld.idx.msk [tilespmem:v31+s13+$0x0], $0xffff;
	v28 =	vor.u32 v4, v28  }
0x3f: {  	v59 =	vor.u32 v16, v37;
	v45 =	vor.u32 v16, v38;
	v23 =	vor.u32 v4, v23  }
0x40: {  	v61 =	vadd.s32 v11, v19;
	v36 =	vadd.s32 v7, v22;
	v35 =	vor.u32 v20, v35;
	[tilespmem:s3+$0x90] =	vst v25  }
0x41: {  	s2 =	simm.s32 $0x4;
	v52 =	vor.u32 v17, v34;
	v40 =	vor.u32 v20, v40;
	[tilespmem:s3+$0xFFFFFF90] =	vst v29;
	v29 =	vld.idx.msk [tilespmem:v26+s13+$0x0], $0xffff  }
0x42: {  	v33 =	vmov s2;
	v53 =	vor.u32 v6, v35;
	v54 =	vor.u32 v18, v36;
	[tilespmem:s3+$0x10] =	vst v30;
	v27 =	vld.idx.msk [tilespmem:v27+s13+$0x0], $0xffff  }
0x43: {  	v25 =	vshll.u32 v33, $0x7;
	[tilespmem:s3+$0xFFFFFF10] =	vst v31;
	v26 =	vshll.u32 v33, $0x9;
	v33 =	vor.u32 v6, v52;
	v28 =	vld.idx.msk [tilespmem:v28+s13+$0x0], $0xffff  }
0x44: {  	v43 =	vor.u32 v8, v59;
	v35 =	vor.u32 v6, v54;
	v32 =	vor.u32 v16, v51;
	v55 =	vld.idx.msk [tilespmem:v23+s13+$0x0], $0xffff  }
0x45: {  	s10 =	simm.s32 $0x6;
	v46 =	vadd.s32 v11, v22;
	v56 =	vor.u32 v8, v40;
	s8 =	simm.s32 $0x5;
	v32 =	vor.u32 v6, v32  }
0x46: {  	v40 =	vor.u32 v10, v45;
	v30 =	vmov s8;
	v31 =	vmov s10;
	[tilespmem:s3+$0xA0] =	vst v29  }
0x47: {  	v23 =	vand.u32 $0x200, v25;
	v25 =	vadd.s32 v15, v24;
	[tilespmem:s3+$0xFFFFFFA0] =	vst v27;
	v27 =	vadd.s32 v9, v22;
	v34 =	vld.idx.msk [tilespmem:v53+s13+$0x0], $0xffff  }
0x48: {  	v29 =	vshll.u32 v30, $0x7;
	v42 =	vld.idx.msk [tilespmem:v33+s13+$0x0], $0xffff;
	[tilespmem:s3+$0x20] =	vst v28;
	v28 =	vshll.u32 v30, $0x9;
	v30 =	vor.u32 v17, v39  }
0x49: {  	v41 =	vshll.u32 v31, $0x7;
	[tilespmem:s3+$0xFFFFFF20] =	vst v55;
	v27 =	vor.u32 v18, v27;
	v57 =	vld.idx.msk [tilespmem:v35+s13+$0x0], $0xffff;
	v58 =	vor.u32 v8, v30  }
0x4a: {  	v31 =	vshll.u32 v31, $0x9;
	v26 =	vand.u32 $0x7000, v26;
	v32 =	vld.idx.msk [tilespmem:v32+s13+$0x0], $0xffff;
	v60 =	vor.u32 v8, v27  }
0x4b: {  	v33 =	vadd.s32 v13, v19;
	v27 =	vand.u32 $0x280, v29;
	v29 =	vadd.s32 v11, v21  }
0x4c: {  	v30 =	vadd.s32 v1, v26;
	v63 =	vor.u32 v20, v29;
	v29 =	vand.u32 $0x7000, v31;
	[tilespmem:s3+$0xB0] =	vst v34  }
0x4d: {  	s2 =	smul.u32 $0x180, s24;
	s29 =	sshrl.u32 s25, $0x3;
	v31 =	vor.u32 v17, v61;
	v62 =	vor.u32 v23, v30;
	v30 =	vand.u32 $0x7000, v28;
	[tilespmem:s3+$0xFFFFFFB0] =	vst v42;
	v35 =	vld.idx.msk [tilespmem:v56+s13+$0x0], $0xffff  }
0x4e: {  	s8 =	sshll.u32 s29, $0x9;
	v28 =	vand.u32 $0x300, v41;
	v41 =	vor.u32 v10, v63;
	v44 =	vadd.s32 v1, v29;
	[tilespmem:s3+$0x30] =	vst v57;
	v36 =	vld.idx.msk [tilespmem:v58+s13+$0x0], $0xffff  }
0x4f: {  	s30 =	simm.s32 $0x18180;
	s10 =	sadd.s32 s5, s2;
	s0 =	ssub.s32 $0x0, s8;
	[tilespmem:s3+$0xFFFFFF30] =	vst v32;
	v42 =	vor.u32 v10, v31;
	v31 =	vor.u32 v18, v46;
	v37 =	vld.idx.msk [tilespmem:v60+s13+$0x0], $0xffff  }
0x50: {  	s31 =	ssub.s32 s10, s8;
	s10 =	simm.s32 $0x7;
	s8 =	simm.s32 $0x8;
	v39 =	vadd.s32 v1, v30;
	v38 =	vld.idx.msk [tilespmem:v43+s13+$0x0], $0xffff;
	v34 =	vor.u32 v0, v62;
	v43 =	vor.u32 v10, v31  }
.LBB2_3:
0x51: {  	p1 =	slt.u32 s8, $0x3C;
	v31 =	vor.u32 v27, v39;
	v32 =	vor.u32 v28, v44;
	v39 =	vmov s10  }
0x52: {  	v31 =	vor.u32 v0, v31;
	v32 =	vor.u32 v0, v32;
	v44 =	vshll.u32 v39, $0x9;
	[tilespmem:s3+$0xC0] =	vst v35  }
0x53: {  	v39 =	vshll.u32 v39, $0x7;
	v35 =	vand.u32 $0x7000, v44;
	[tilespmem:s3+$0xFFFFFFC0] =	vst v36;
	v36 =	vld.idx.msk [tilespmem:v41+s13+$0x0], $0xffff;
	v41 =	vadd.s32 v13, v21  }
0x54: {  	v39 =	vand.u32 $0x380, v39;
	v44 =	vadd.s32 v1, v35;
	v42 =	vld.idx.msk [tilespmem:v42+s13+$0x0], $0xffff;
	[tilespmem:s3+$0x40] =	vst v37;
	v37 =	vor.u32 v20, v41  }
0x55: {  	v41 =	vor.u32 v39, v44;
	[tilespmem:s3+$0xFFFFFF40] =	vst v38;
	v38 =	vld.idx.msk [tilespmem:v43+s13+$0x0], $0xffff;
	v37 =	vor.u32 v12, v37  }
0x56: {  	v33 =	vor.u32 v17, v33;
	v43 =	vadd.s32 v13, v22;
	v41 =	vor.u32 v0, v41;
	v40 =	vld.idx.msk [tilespmem:v40+s13+$0x0], $0xffff  }
0x57: {  	v48 =	vadd.s32 v13, v24;
	v33 =	vor.u32 v12, v33;
	v43 =	vor.u32 v18, v43;
	v34 =	vld.idx.msk [tilespmem:v34+s13+$0x0], $0xffff  }
0x58: {  	v47 =	vor.u32 v16, v48;
	v44 =	vadd.s32 v5, v26;
	v43 =	vor.u32 v12, v43;
	v31 =	vld.idx.msk [tilespmem:v31+s13+$0x0], $0xffff  }
0x59: {  	v45 =	vadd.s32 v3, v26;
	v24 =	vmov v26;
	v46 =	vor.u32 v12, v47;
	v32 =	vld.idx.msk [tilespmem:v32+s13+$0x0], $0xffff;
	[tilespmem:s3+$0xD0] =	vst v36  }
0x5a: {  	v26 =	vadd.s32 v3, v30;
	[tilespmem:s3+$0xFFFFFFD0] =	vst v42;
	v36 =	vld.idx.msk [tilespmem:v37+s13+$0x0], $0xffff;
	v37 =	vadd.s32 v15, v21;
	v21 =	vmov v35  }
0x5b: {  	v35 =	vld.idx.msk [tilespmem:v41+s13+$0x0], $0xffff;
	v41 =	vadd.s32 v3, v21;
	[tilespmem:s3+$0x50] =	vst v38;
	v37 =	vor.u32 v20, v37;
	v20 =	vmov v39  }
0x5c: {  	v38 =	vor.u32 v20, v41;
	[tilespmem:s3+$0xFFFFFF50] =	vst v40;
	v33 =	vld.idx.msk [tilespmem:v33+s13+$0x0], $0xffff;
	v37 =	vor.u32 v14, v37  }
0x5d: {  	v26 =	vor.u32 v27, v26;
	v39 =	vadd.s32 v3, v29;
	v38 =	vor.u32 v2, v38;
	v40 =	vld.idx.msk [tilespmem:v43+s13+$0x0], $0xffff  }
0x5e: {  	v26 =	vor.u32 v2, v26;
	v42 =	vadd.s32 v15, v19;
	v39 =	vor.u32 v28, v39;
	v41 =	vld.idx.msk [tilespmem:v46+s13+$0x0], $0xffff  }
0x5f: {  	v22 =	vadd.s32 v15, v22;
	v19 =	vmovc v30;
	v43 =	vor.u32 v23, v45;
	v39 =	vor.u32 v2, v39  }
0x60: {  	v42 =	vor.u32 v17, v42;
	s3 =	sadd.s32 $0x200, s3;
	v30 =	vor.u32 v2, v43;
	v43 =	vadd.s32 v5, v19;
	[tilespmem:s30+$0xE0] =	vst v36  }
0x61: {  	v17 =	vmov v27;
	[tilespmem:s3+$0x80] =	vst v35;
	v35 =	vor.u32 v14, v42;
	v42 =	vor.u32 v18, v22;
	v36 =	vld.idx.msk [tilespmem:v37+s13+$0x0], $0xffff  }
0x62: {  	v37 =	vadd.s32 v5, v21;
	v18 =	vmov v28;
	[tilespmem:s3+$0xFFFFFF80] =	vst v31;
	v27 =	vld.idx.msk [tilespmem:v38+s13+$0x0], $0xffff;
	v31 =	vor.u32 v14, v42  }
0x63: {  	v28 =	vadd.s32 v5, v29;
	v22 =	vmov v29;
	v26 =	vld.idx.msk [tilespmem:v26+s13+$0x0], $0xffff;
	[tilespmem:s3+$0x0] =	vst v32;
	v32 =	vor.u32 v20, v37  }
0x64: {  	v29 =	vor.u32 v17, v43;
	[tilespmem:s3+$0xFFFFFF00] =	vst v34;
	v34 =	vld.idx.msk [tilespmem:v39+s13+$0x0], $0xffff;
	v32 =	vor.u32 v4, v32  }
0x65: {  	v29 =	vor.u32 v4, v29;
	v28 =	vor.u32 v18, v28;
	v30 =	vld.idx.msk [tilespmem:v30+s13+$0x0], $0xffff;
	[tilespmem:s30+$0xFFFFFFE0] =	vst v33  }
0x66: {  	v28 =	vor.u32 v4, v28;
	v33 =	vor.u32 v23, v44;
	v35 =	vld.idx.msk [tilespmem:v35+s13+$0x0], $0xffff;
	[tilespmem:s30+$0x60] =	vst v40  }
0x67: {  	v25 =	vor.u32 v16, v25;
	v16 =	vmov v23;
	v33 =	vor.u32 v4, v33;
	v31 =	vld.idx.msk [tilespmem:v31+s13+$0x0], $0xffff;
	[tilespmem:s30+$0xF0] =	vst v36  }
0x68: {  	v25 =	vor.u32 v14, v25;
	v23 =	vadd.s32 v7, v24;
	[tilespmem:s3+$0x90] =	vst v27  }
0x69: {  	v36 =	vadd.s32 v7, v21;
	v27 =	vmov s8;
	[tilespmem:s3+$0xFFFFFF90] =	vst v26;
	v26 =	vadd.s32 v7, v19;
	v32 =	vld.idx.msk [tilespmem:v32+s13+$0x0], $0xffff  }
0x6a: {  	v36 =	vor.u32 v20, v36;
	v37 =	vshll.u32 v27, $0x7;
	v29 =	vld.idx.msk [tilespmem:v29+s13+$0x0], $0xffff;
	[tilespmem:s3+$0x10] =	vst v34;
	v34 =	vadd.s32 v7, v22  }
0x6b: {  	s10 =	sadd.s32 $0x1, s8;
	v27 =	vshll.u32 v27, $0x9;
	v26 =	vor.u32 v17, v26;
	[tilespmem:s3+$0xFFFFFF10] =	vst v30;
	v28 =	vld.idx.msk [tilespmem:v28+s13+$0x0], $0xffff;
	v30 =	vor.u32 v6, v36  }
0x6c: {  	v36 =	vmov s10;
	s10 =	sadd.s32 $0x2, s8;
	v38 =	vor.u32 v6, v26;
	v26 =	vor.u32 v18, v34;
	v33 =	vld.idx.msk [tilespmem:v33+s13+$0x0], $0xffff;
	[tilespmem:s30+$0xFFFFFF60] =	vst v41  }
0x6d: {  	v39 =	vor.u32 v16, v23;
	v34 =	vmov s10;
	v40 =	vor.u32 v6, v26;
	v41 =	vld.idx.msk [tilespmem:v25+s13+$0x0], $0xffff;
	[tilespmem:s30+$0xFFFFFFF0] =	vst v35  }
0x6e: {  	v23 =	vand.u32 $0x200, v37;
	v26 =	vand.u32 $0x7000, v27;
	v27 =	vor.u32 v6, v39;
	[tilespmem:s30+$0x70] =	vst v31  }
0x6f: {  	v35 =	vadd.s32 v11, v24;
	v25 =	vadd.s32 v15, v24;
	v31 =	vadd.s32 v9, v24;
	[tilespmem:s3+$0xA0] =	vst v32  }
0x70: {  	v37 =	vadd.s32 v9, v21;
	v32 =	vshll.u32 v36, $0x7;
	[tilespmem:s3+$0xFFFFFFA0] =	vst v29;
	v29 =	vadd.s32 v9, v19;
	v30 =	vld.idx.msk [tilespmem:v30+s13+$0x0], $0xffff  }
0x71: {  	v37 =	vor.u32 v20, v37;
	v42 =	vshll.u32 v34, $0x7;
	v38 =	vld.idx.msk [tilespmem:v38+s13+$0x0], $0xffff;
	[tilespmem:s3+$0x20] =	vst v28;
	v28 =	vadd.s32 v9, v22  }
0x72: {  	v37 =	vor.u32 v8, v37;
	v36 =	vshll.u32 v36, $0x9;
	v29 =	vor.u32 v17, v29;
	[tilespmem:s3+$0xFFFFFF20] =	vst v33;
	v40 =	vld.idx.msk [tilespmem:v40+s13+$0x0], $0xffff  }
0x73: {  	v34 =	vshll.u32 v34, $0x9;
	v29 =	vor.u32 v8, v29;
	v43 =	vld.idx.msk [tilespmem:v27+s13+$0x0], $0xffff;
	v27 =	vor.u32 v18, v28;
	[tilespmem:s30+$0xFFFFFF70] =	vst v41;
	s30 =	smov.u32 s3  }
0x74: {  	v31 =	vor.u32 v16, v31;
	v28 =	vadd.s32 v1, v26;
	v41 =	vor.u32 v8, v27  }
0x75: {  	v31 =	vor.u32 v8, v31;
	v33 =	vadd.s32 v13, v19;
	v27 =	vand.u32 $0x280, v32  }
0x76: {  	v45 =	vadd.s32 v11, v22;
	v44 =	vadd.s32 v11, v19;
	v32 =	vor.u32 v16, v35;
	[tilespmem:s3+$0xB0] =	vst v30  }
.Ltmp0:
0x77: {  	v46 =	vor.u32 v23, v28;
	v30 =	vand.u32 $0x7000, v36;
	[tilespmem:s3+$0xFFFFFFB0] =	vst v38;
	v35 =	vld.idx.msk [tilespmem:v37+s13+$0x0], $0xffff;
	v37 =	vadd.s32 v11, v21;
	(pc) =	sbr.rel @p1 .LBB2_3-.Ltmp0, $4  }
0x78: {  	v28 =	vand.u32 $0x300, v42;
	v39 =	vadd.s32 v1, v30;
	v36 =	vld.idx.msk [tilespmem:v29+s13+$0x0], $0xffff;
	[tilespmem:s3+$0x30] =	vst v40;
	v38 =	vor.u32 v20, v37  }
0x79: {  	v29 =	vand.u32 $0x7000, v34;
	v34 =	vor.u32 v17, v44;
	[tilespmem:s3+$0xFFFFFF30] =	vst v43;
	v37 =	vld.idx.msk [tilespmem:v41+s13+$0x0], $0xffff;
	v41 =	vor.u32 v10, v38  }
0x7a: {  	v44 =	vadd.s32 v1, v29;
	v42 =	vor.u32 v10, v34;
	v38 =	vld.idx.msk [tilespmem:v31+s13+$0x0], $0xffff;
	v31 =	vor.u32 v18, v45  }
0x7b: {  	s10 =	sadd.s32 $0x3, s8;
	s8 =	sadd.s32 $0x4, s8;
	v40 =	vor.u32 v10, v32;
	v34 =	vor.u32 v0, v46;
	v43 =	vor.u32 v10, v31  }
0x7c: {  	v32 =	vmov s10  }
0x7d: {  	v39 =	vor.u32 v27, v39;
	v44 =	vor.u32 v28, v44;
	v31 =	vshll.u32 v32, $0x9  }
0x7e: {  	v62 =	vadd.s32 v13, v21;
	v32 =	vshll.u32 v32, $0x7;
	v31 =	vand.u32 $0x7000, v31  }
0x7f: {  	v33 =	vor.u32 v17, v33;
	v32 =	vand.u32 $0x380, v32;
	v45 =	vadd.s32 v1, v31  }
0x80: {  	v49 =	vadd.s32 v3, v30;
	v50 =	vadd.s32 v13, v22;
	v45 =	vor.u32 v32, v45  }
0x81: {  	[tilespmem:s3+$0xC0] =	vst v35;
	v51 =	vadd.s32 v3, v29;
	v24 =	vadd.s32 v13, v24;
	v59 =	vor.u32 v0, v45  }
0x82: {  	v34 =	vld.idx.msk [tilespmem:v34+s13+$0x0], $0xffff;
	v52 =	vadd.s32 v3, v26;
	v55 =	vadd.s32 v5, v30;
	v39 =	vor.u32 v0, v39  }
0x83: {  	v56 =	vadd.s32 v5, v26;
	[tilespmem:s3+$0xFFFFFFC0] =	vst v36;
	v60 =	vld.idx.msk [tilespmem:v41+s13+$0x0], $0xffff;
	v61 =	vor.u32 v0, v44  }
0x84: {  	v57 =	vadd.s32 v5, v29;
	v21 =	vadd.s32 v15, v21;
	v42 =	vld.idx.msk [tilespmem:v42+s13+$0x0], $0xffff;
	[tilespmem:s3+$0x40] =	vst v37  }
0x85: {  	v19 =	vadd.s32 v15, v19;
	v22 =	vadd.s32 v15, v22;
	v63 =	vld.idx.msk [tilespmem:v43+s13+$0x0], $0xffff;
	v48 =	vadd.s32 v3, v31  }
0x86: {  	v44 =	vor.u32 v27, v49;
	v36 =	vor.u32 v28, v51;
	v43 =	vor.u32 v32, v48;
	v35 =	vld.idx.msk [tilespmem:v59+s13+$0x0], $0xffff  }
0x87: {  	v33 =	vor.u32 v12, v33;
	v53 =	vor.u32 v18, v50;
	v43 =	vor.u32 v2, v43;
	v39 =	vld.idx.msk [tilespmem:v39+s13+$0x0], $0xffff  }
0x88: {  	v24 =	vor.u32 v16, v24;
	v49 =	vadd.s32 v9, v26;
	v44 =	vor.u32 v2, v44;
	v41 =	vld.idx.msk [tilespmem:v61+s13+$0x0], $0xffff  }
0x89: {  	v17 =	vor.u32 v17, v19;
	v36 =	vor.u32 v2, v36;
	[tilespmem:s3+$0xFFFFFFD0] =	vst v42;
	v42 =	vor.u32 v23, v52  }
0x8a: {  	s8 =	sadd.s32 $0x200, s3;
	v19 =	vadd.s32 v11, v26;
	v18 =	vor.u32 v18, v22;
	v42 =	vor.u32 v2, v42  }
0x8b: {  	v16 =	vor.u32 v16, v25;
	v37 =	vor.u32 v20, v62;
	v54 =	vadd.s32 v5, v31;
	[tilespmem:s8+$0x80] =	vst v35  }
0x8c: {  	v24 =	vor.u32 v12, v24;
	[tilespmem:s8+$0xFFFFFF80] =	vst v39;
	v39 =	vor.u32 v32, v54;
	v43 =	vld.idx.msk [tilespmem:v43+s13+$0x0], $0xffff  }
0x8d: {  	v45 =	vor.u32 v27, v55;
	[tilespmem:s8+$0x0] =	vst v41;
	v44 =	vld.idx.msk [tilespmem:v44+s13+$0x0], $0xffff;
	v39 =	vor.u32 v4, v39  }
0x8e: {  	[tilespmem:s8+$0xFFFFFF00] =	vst v34;
	v34 =	vor.u32 v28, v57;
	v45 =	vor.u32 v4, v45;
	v36 =	vld.idx.msk [tilespmem:v36+s13+$0x0], $0xffff  }
0x8f: {  	[tilespmem:s3+$0xFFFFFF40] =	vst v38;
	v34 =	vor.u32 v4, v34;
	v41 =	vor.u32 v23, v56;
	v42 =	vld.idx.msk [tilespmem:v42+s13+$0x0], $0xffff  }
0x90: {  	v62 =	vadd.s32 v7, v26;
	v40 =	vld.idx.msk [tilespmem:v40+s13+$0x0], $0xffff;
	[tilespmem:s3+$0xD0] =	vst v60;
	v41 =	vor.u32 v4, v41  }
0x91: {  	v20 =	vor.u32 v20, v21;
	v58 =	vadd.s32 v7, v31;
	v61 =	vadd.s32 v7, v29;
	[tilespmem:s8+$0x90] =	vst v43  }
0x92: {  	v59 =	vadd.s32 v7, v30;
	[tilespmem:s8+$0xFFFFFF90] =	vst v44;
	v43 =	vor.u32 v32, v58;
	v39 =	vld.idx.msk [tilespmem:v39+s13+$0x0], $0xffff  }
0x93: {  	v44 =	vor.u32 v27, v59;
	[tilespmem:s8+$0x10] =	vst v36;
	v60 =	vld.idx.msk [tilespmem:v45+s13+$0x0], $0xffff;
	v43 =	vor.u32 v6, v43  }
0x94: {  	v36 =	vor.u32 v28, v61;
	v44 =	vor.u32 v6, v44;
	v34 =	vld.idx.msk [tilespmem:v34+s13+$0x0], $0xffff;
	[tilespmem:s8+$0xFFFFFF10] =	vst v42  }
0x95: {  	[tilespmem:s3+$0xFFFFFF50] =	vst v40;
	v40 =	vor.u32 v23, v62;
	v36 =	vor.u32 v6, v36;
	v41 =	vld.idx.msk [tilespmem:v41+s13+$0x0], $0xffff  }
0x96: {  	v21 =	vadd.s32 v9, v30;
	v51 =	vor.u32 v23, v49;
	[tilespmem:s3+$0x50] =	vst v63;
	v63 =	vor.u32 v6, v40  }
0x97: {  	v17 =	vor.u32 v14, v17;
	v37 =	vor.u32 v12, v37;
	v46 =	vadd.s32 v9, v31;
	[tilespmem:s8+$0xA0] =	vst v39  }
0x98: {  	v21 =	vor.u32 v27, v21;
	v40 =	vor.u32 v32, v46;
	[tilespmem:s8+$0xFFFFFFA0] =	vst v60;
	v45 =	vld.idx.msk [tilespmem:v43+s13+$0x0], $0xffff  }
0x99: {  	v48 =	vadd.s32 v9, v29;
	v40 =	vor.u32 v8, v40;
	[tilespmem:s8+$0x20] =	vst v34;
	v47 =	vld.idx.msk [tilespmem:v44+s13+$0x0], $0xffff  }
0x9a: {  	v21 =	vor.u32 v8, v21;
	v34 =	vor.u32 v28, v48;
	v36 =	vld.idx.msk [tilespmem:v36+s13+$0x0], $0xffff;
	[tilespmem:s8+$0xFFFFFF20] =	vst v41  }
0x9b: {  	v19 =	vor.u32 v23, v19;
	v18 =	vor.u32 v14, v18;
	v34 =	vor.u32 v8, v34;
	v50 =	vld.idx.msk [tilespmem:v63+s13+$0x0], $0xffff  }
0x9c: {  	v20 =	vor.u32 v14, v20;
	v52 =	vadd.s32 v11, v30;
	v37 =	vld.idx.msk [tilespmem:v37+s13+$0x0], $0xffff;
	v39 =	vor.u32 v8, v51  }
0x9d: {  	v33 =	vld.idx.msk [tilespmem:v33+s13+$0x0], $0xffff;
	v35 =	vor.u32 v12, v53;
	v53 =	vadd.s32 v11, v31;
	[tilespmem:s8+$0xB0] =	vst v45  }
0x9e: {  	v55 =	vor.u32 v27, v52;
	v38 =	vor.u32 v32, v53;
	[tilespmem:s8+$0xFFFFFFB0] =	vst v47;
	v40 =	vld.idx.msk [tilespmem:v40+s13+$0x0], $0xffff  }
0x9f: {  	v54 =	vadd.s32 v11, v29;
	v38 =	vor.u32 v10, v38;
	[tilespmem:s8+$0x30] =	vst v36;
	v21 =	vld.idx.msk [tilespmem:v21+s13+$0x0], $0xffff  }
0xa0: {  	v57 =	vor.u32 v10, v55;
	v58 =	vor.u32 v28, v54;
	v56 =	vld.idx.msk [tilespmem:v34+s13+$0x0], $0xffff;
	[tilespmem:s8+$0xFFFFFF30] =	vst v50  }
0xa1: {  	v22 =	vadd.s32 v13, v31;
	[tilespmem:s30+$0xE0] =	vst v37;
	v36 =	vor.u32 v10, v58;
	v59 =	vld.idx.msk [tilespmem:v39+s13+$0x0], $0xffff  }
0xa2: {  	v19 =	vor.u32 v10, v19;
	v22 =	vor.u32 v32, v22;
	[tilespmem:s30+$0xFFFFFFE0] =	vst v33;
	v20 =	vld.idx.msk [tilespmem:v20+s13+$0x0], $0xffff  }
0xa3: {  	v25 =	vadd.s32 v15, v31;
	v22 =	vor.u32 v12, v22;
	v24 =	vld.idx.msk [tilespmem:v24+s13+$0x0], $0xffff;
	[tilespmem:s8+$0xC0] =	vst v40  }
0xa4: {  	v62 =	vadd.s32 v13, v29;
	v60 =	vadd.s32 v13, v30;
	[tilespmem:s8+$0xFFFFFFC0] =	vst v21;
	v21 =	vld.idx.msk [tilespmem:v38+s13+$0x0], $0xffff  }
0xa5: {  	v37 =	vor.u32 v28, v62;
	v61 =	vor.u32 v27, v60;
	[tilespmem:s8+$0x40] =	vst v56;
	v34 =	vld.idx.msk [tilespmem:v57+s13+$0x0], $0xffff  }
0xa6: {  	v63 =	vadd.s32 v13, v26;
	v33 =	vld.idx.msk [tilespmem:v36+s13+$0x0], $0xffff;
	v36 =	vor.u32 v12, v61;
	[tilespmem:s8+$0xFFFFFF40] =	vst v59  }
0xa7: {  	[tilespmem:s30+$0xF0] =	vst v20;
	v20 =	vor.u32 v23, v63;
	v19 =	vld.idx.msk [tilespmem:v19+s13+$0x0], $0xffff;
	v38 =	vor.u32 v12, v37  }
0xa8: {  	v25 =	vor.u32 v32, v25;
	v17 =	vld.idx.msk [tilespmem:v17+s13+$0x0], $0xffff;
	[tilespmem:s30+$0xFFFFFF60] =	vst v24;
	v20 =	vor.u32 v12, v20  }
0xa9: {  	v16 =	vor.u32 v14, v16;
	v25 =	vor.u32 v14, v25;
	v35 =	vld.idx.msk [tilespmem:v35+s13+$0x0], $0xffff;
	[tilespmem:s8+$0xD0] =	vst v21  }
0xaa: {  	[tilespmem:s8+$0xFFFFFFD0] =	vst v34;
	v21 =	vadd.s32 v15, v26;
	v26 =	vadd.s32 v15, v30;
	v22 =	vld.idx.msk [tilespmem:v22+s13+$0x0], $0xffff  }
0xab: {  	v29 =	vadd.s32 v15, v29;
	[tilespmem:s8+$0x50] =	vst v33;
	v30 =	vld.idx.msk [tilespmem:v36+s13+$0x0], $0xffff;
	v26 =	vor.u32 v27, v26  }
0xac: {  	[tilespmem:s8+$0xFFFFFF50] =	vst v19;
	v19 =	vld.idx.msk [tilespmem:v38+s13+$0x0], $0xffff;
	v27 =	vor.u32 v28, v29;
	v26 =	vor.u32 v14, v26  }
0xad: {  	[tilespmem:s30+$0xFFFFFFF0] =	vst v17;
	v20 =	vld.idx.msk [tilespmem:v20+s13+$0x0], $0xffff;
	v21 =	vor.u32 v23, v21;
	v24 =	vor.u32 v14, v27  }
0xae: {  	v16 =	vld.idx.msk [tilespmem:v16+s13+$0x0], $0xffff;
	[tilespmem:s30+$0x60] =	vst v35;
	v17 =	vor.u32 v14, v21  }
0xaf: {  	v18 =	vld.idx.msk [tilespmem:v18+s13+$0x0], $0xffff;
	[tilespmem:s8+$0xE0] =	vst v22  }
0xb0: {  	[tilespmem:s8+$0xFFFFFFE0] =	vst v30;
	v21 =	vld.idx.msk [tilespmem:v25+s13+$0x0], $0xffff  }
0xb1: {  	[tilespmem:s8+$0x60] =	vst v19;
	v22 =	vld.idx.msk [tilespmem:v26+s13+$0x0], $0xffff  }
0xb2: {  	[tilespmem:s8+$0xFFFFFF60] =	vst v20;
	v19 =	vld.idx.msk [tilespmem:v24+s13+$0x0], $0xffff  }
0xb3: {  	[tilespmem:s30+$0xFFFFFF70] =	vst v16;
	v17 =	vld.idx.msk [tilespmem:v17+s13+$0x0], $0xffff  }
0xb4: {  	[tilespmem:s30+$0x70] =	vst v18  }
0xb5: {  	s10 =	sshll.u32 s31, $0x7;
	s30 =	sshll.u32 s29, $0x15;
	[tilespmem:s8+$0xF0] =	vst v21  }
0xb6: {  	s3 =	sadd.s32 s30, s10;
	[tilespmem:s8+$0xFFFFFFF0] =	vst v22  }
0xb7: {  	s10 =	sadd.s32 $0x3, s25;
	s3 =	sshrl.u32 s3, $0x3;
	[tilespmem:s8+$0x70] =	vst v19  }
0xb8: {  	s29 =	sshrl.u32 s10, $0x3;
	s3 =	sadd.s32 s4, s3;
	[tilespmem:s8+$0xFFFFFF70] =	vst v17;
	s8 =	simm.s32 $0x0  }
0xb9: {  	[hbm4b:s3+s6] =	stream.linear.scatter [tilespmem:s17], [sflag:$0x4], $0x2000, $0x38;
	[tilespmem:$0x1C080] =	vst v63  }
0xba: {  	s3 =	sshll.u32 s10, $0x6;
	s10 =	sshll.u32 s29, $0x9;
	v16 =	vmov s8  }
0xbb: {  	s8 =	simm.s32 $0x1;
	s3 =	ssub.s32 s3, s10;
	v17 =	vshll.u32 v16, $0x7;
	s10 =	simm.s32 $0x2  }
0xbc: {  	v16 =	vshll.u32 v16, $0x9;
	v18 =	vmov s8;
	s31 =	sadd.s32 s5, s3;
	v19 =	vmov s10  }
0xbd: {  	s3 =	sshll.u32 s29, $0x17;
	v24 =	vand.u32 $0x7000, v16;
	v16 =	vand.u32 $0x200, v17;
	v17 =	vshll.u32 v18, $0x7;
	s10 =	simm.s32 $0x3;
	s8 =	sshll.u32 s31, $0x9  }
0xbe: {  	v18 =	vshll.u32 v18, $0x9;
	v22 =	vshll.u32 v19, $0x7;
	v20 =	vmov s10;
	s3 =	sadd.s32 s3, s8  }
0xbf: {  	v23 =	vshll.u32 v19, $0x9;
	v17 =	vand.u32 $0x280, v17;
	v21 =	vshll.u32 v20, $0x9;
	s3 =	sshrl.u32 s3, $0x3  }
0xc0: {  	v19 =	vand.u32 $0x7000, v18;
	v18 =	vshll.u32 v20, $0x7;
	v21 =	vand.u32 $0x7000, v21;
	s3 =	sadd.s32 s1, s3  }
0xc1: {  	v25 =	vadd.s32 v1, v19;
	v20 =	vand.u32 $0x380, v18;
	v26 =	vadd.s32 v1, v21;
	[tilespmem:s13], [sflag:$0x1] =	stream.linear.gather [hbm4b:s3+s6], $0x8000, $0x38;
	[tilespmem:$0x1C080] =	vst v63  }
0xc2: {  	v18 =	vand.u32 $0x300, v22;
	v22 =	vand.u32 $0x7000, v23;
	v23 =	vor.u32 v20, v26;
	_ =	swait.ge [sflag:s18], $0x8000  }
0xc3: {  	v25 =	vor.u32 v17, v25;
	v26 =	vadd.s32 v1, v22;
	v23 =	vor.u32 v0, v23;
	[sflag:s18] =	ssyncset.done $0x0  }
0xc4: {  	v27 =	vadd.s32 v1, v24;
	v25 =	vor.u32 v0, v25;
	s3 =	simm.s32 @!p0 $0x5;
	v26 =	vor.u32 v18, v26;
	[sflag:s18] =	ssyncadd.s32 $0xFFFF8000  }
0xc5: {  	v27 =	vor.u32 v16, v27;
	v26 =	vor.u32 v0, v26;
	_ =	swait.ge @!p0 [sflag:s3], $0x2000  }
0xc6: {  	v27 =	vor.u32 v0, v27;
	[sflag:s3] =	ssyncset.done @!p0 $0x0  }
0xc7: {  	[sflag:s3] =	ssyncadd.s32 @!p0 $0xFFFFE000  }
0xc8: {  	v28 =	vadd.s32 v3, v21;
	v23 =	vld.idx.msk [tilespmem:v23+s14+$0x0], $0xffff  }
0xc9: {  	v28 =	vor.u32 v20, v28;
	v25 =	vld.idx.msk [tilespmem:v25+s14+$0x0], $0xffff  }
0xca: {  	v31 =	vadd.s32 v3, v24;
	v29 =	vadd.s32 v3, v19;
	v28 =	vor.u32 v2, v28;
	v26 =	vld.idx.msk [tilespmem:v26+s14+$0x0], $0xffff  }
0xcb: {  	v40 =	vadd.s32 v7, v24;
	v29 =	vor.u32 v17, v29;
	v30 =	vadd.s32 v3, v22;
	v27 =	vld.idx.msk [tilespmem:v27+s14+$0x0], $0xffff  }
0xcc: {  	v49 =	vadd.s32 v9, v24;
	v29 =	vor.u32 v2, v29;
	v30 =	vor.u32 v18, v30;
	s3 =	simm.s32 $0x1A180  }
0xcd: {  	v50 =	vadd.s32 v11, v24;
	v31 =	vor.u32 v16, v31;
	v30 =	vor.u32 v2, v30;
	[tilespmem:s3+$0x80] =	vst v23  }
0xce: {  	v39 =	vadd.s32 v5, v19;
	v42 =	vadd.s32 v7, v19;
	v31 =	vor.u32 v2, v31;
	[tilespmem:s3+$0xFFFFFF80] =	vst v25  }
0xcf: {  	v32 =	vor.u32 v16, v40;
	[tilespmem:s3+$0x0] =	vst v26;
	v25 =	vld.idx.msk [tilespmem:v28+s14+$0x0], $0xffff;
	v28 =	vadd.s32 v5, v21  }
0xd0: {  	v51 =	vadd.s32 v9, v19;
	v58 =	vor.u32 v16, v49;
	[tilespmem:s3+$0xFFFFFF00] =	vst v27;
	v26 =	vor.u32 v20, v28  }
0xd1: {  	v27 =	vor.u32 v17, v39;
	v29 =	vld.idx.msk [tilespmem:v29+s14+$0x0], $0xffff;
	v28 =	vadd.s32 v5, v22;
	v26 =	vor.u32 v4, v26  }
0xd2: {  	v23 =	vadd.s32 v5, v24;
	v30 =	vld.idx.msk [tilespmem:v30+s14+$0x0], $0xffff;
	v27 =	vor.u32 v4, v27;
	v28 =	vor.u32 v18, v28  }
0xd3: {  	v61 =	vadd.s32 v11, v19;
	v23 =	vor.u32 v16, v23;
	v31 =	vld.idx.msk [tilespmem:v31+s14+$0x0], $0xffff;
	v28 =	vor.u32 v4, v28  }
0xd4: {  	v45 =	vor.u32 v17, v42;
	v32 =	vor.u32 v6, v32;
	v23 =	vor.u32 v4, v23  }
0xd5: {  	v60 =	vor.u32 v8, v58;
	v43 =	vadd.s32 v7, v21;
	v44 =	vadd.s32 v7, v22;
	[tilespmem:s3+$0x90] =	vst v25  }
0xd6: {  	v33 =	vor.u32 v6, v45;
	v35 =	vor.u32 v20, v43;
	[tilespmem:s3+$0xFFFFFF90] =	vst v29;
	v29 =	vld.idx.msk [tilespmem:v26+s14+$0x0], $0xffff  }
0xd7: {  	s10 =	simm.s32 $0x4;
	v52 =	vadd.s32 v9, v21;
	v46 =	vor.u32 v6, v35;
	[tilespmem:s3+$0x10] =	vst v30;
	v27 =	vld.idx.msk [tilespmem:v27+s14+$0x0], $0xffff  }
0xd8: {  	v41 =	vmov s10;
	s10 =	simm.s32 $0x5;
	v47 =	vor.u32 v18, v44;
	v40 =	vor.u32 v20, v52;
	[tilespmem:s3+$0xFFFFFF10] =	vst v31;
	v28 =	vld.idx.msk [tilespmem:v28+s14+$0x0], $0xffff  }
0xd9: {  	v35 =	vor.u32 v6, v47;
	v55 =	vor.u32 v8, v40;
	v30 =	vmov s10;
	s10 =	simm.s32 $0x6;
	v48 =	vld.idx.msk [tilespmem:v23+s14+$0x0], $0xffff  }
0xda: {  	v47 =	vadd.s32 v11, v22;
	v25 =	vshll.u32 v41, $0x7;
	v31 =	vmov s10  }
0xdb: {  	v23 =	vand.u32 $0x200, v25;
	v25 =	vadd.s32 v15, v24;
	v26 =	vshll.u32 v41, $0x9;
	[tilespmem:s3+$0xA0] =	vst v29  }
0xdc: {  	v53 =	vshll.u32 v31, $0x7;
	v31 =	vshll.u32 v31, $0x9;
	[tilespmem:s3+$0xFFFFFFA0] =	vst v27;
	v27 =	vadd.s32 v9, v22;
	v34 =	vld.idx.msk [tilespmem:v46+s14+$0x0], $0xffff  }
0xdd: {  	v29 =	vshll.u32 v30, $0x7;
	v54 =	vld.idx.msk [tilespmem:v33+s14+$0x0], $0xffff;
	[tilespmem:s3+$0x20] =	vst v28;
	v28 =	vshll.u32 v30, $0x9;
	v30 =	vor.u32 v17, v51  }
0xde: {  	v26 =	vand.u32 $0x7000, v26;
	[tilespmem:s3+$0xFFFFFF20] =	vst v48;
	v27 =	vor.u32 v18, v27;
	v56 =	vld.idx.msk [tilespmem:v35+s14+$0x0], $0xffff;
	v57 =	vor.u32 v8, v30  }
0xdf: {  	v32 =	vld.idx.msk [tilespmem:v32+s14+$0x0], $0xffff;
	v33 =	vadd.s32 v13, v19;
	v59 =	vor.u32 v8, v27;
	v27 =	vand.u32 $0x280, v29  }
0xe0: {  	v46 =	vor.u32 v16, v50;
	v29 =	vadd.s32 v11, v21;
	v30 =	vadd.s32 v1, v26  }
0xe1: {  	v63 =	vor.u32 v20, v29;
	v29 =	vand.u32 $0x7000, v31;
	v31 =	vor.u32 v17, v61;
	[tilespmem:s3+$0xB0] =	vst v34  }
0xe2: {  	v39 =	vor.u32 v10, v46;
	v62 =	vor.u32 v23, v30;
	[tilespmem:s3+$0xFFFFFFB0] =	vst v54;
	v35 =	vld.idx.msk [tilespmem:v55+s14+$0x0], $0xffff  }
0xe3: {  	s2 =	sadd.s32 s2, s9;
	v30 =	vand.u32 $0x7000, v28;
	v41 =	vor.u32 v10, v63;
	v44 =	vadd.s32 v1, v29;
	[tilespmem:s3+$0x30] =	vst v56;
	v36 =	vld.idx.msk [tilespmem:v57+s14+$0x0], $0xffff  }
0xe4: {  	s0 =	sadd.s32 s0, s2;
	v28 =	vand.u32 $0x300, v53;
	v42 =	vor.u32 v10, v31;
	v31 =	vor.u32 v18, v47;
	[tilespmem:s3+$0xFFFFFF30] =	vst v32;
	v37 =	vld.idx.msk [tilespmem:v59+s14+$0x0], $0xffff  }
0xe5: {  	s2 =	simm.s32 $0x1A180;
	s8 =	simm.s32 $0x8;
	s10 =	simm.s32 $0x7;
	v40 =	vadd.s32 v1, v30;
	v43 =	vor.u32 v10, v31;
	v38 =	vld.idx.msk [tilespmem:v60+s14+$0x0], $0xffff;
	v34 =	vor.u32 v0, v62  }
.LBB2_5:
0xe6: {  	p0 =	slt.u32 s8, $0x3C;
	v31 =	vor.u32 v27, v40;
	v32 =	vor.u32 v28, v44;
	v40 =	vmov s10  }
0xe7: {  	v31 =	vor.u32 v0, v31;
	v32 =	vor.u32 v0, v32;
	v44 =	vshll.u32 v40, $0x9;
	[tilespmem:s3+$0xC0] =	vst v35  }
0xe8: {  	v40 =	vshll.u32 v40, $0x7;
	v35 =	vand.u32 $0x7000, v44;
	[tilespmem:s3+$0xFFFFFFC0] =	vst v36;
	v36 =	vld.idx.msk [tilespmem:v41+s14+$0x0], $0xffff;
	v41 =	vadd.s32 v13, v21  }
0xe9: {  	v40 =	vand.u32 $0x380, v40;
	v44 =	vadd.s32 v1, v35;
	v42 =	vld.idx.msk [tilespmem:v42+s14+$0x0], $0xffff;
	[tilespmem:s3+$0x40] =	vst v37;
	v37 =	vor.u32 v20, v41  }
0xea: {  	v41 =	vor.u32 v40, v44;
	[tilespmem:s3+$0xFFFFFF40] =	vst v38;
	v38 =	vld.idx.msk [tilespmem:v43+s14+$0x0], $0xffff;
	v37 =	vor.u32 v12, v37  }
0xeb: {  	v33 =	vor.u32 v17, v33;
	v43 =	vadd.s32 v13, v22;
	v41 =	vor.u32 v0, v41;
	v39 =	vld.idx.msk [tilespmem:v39+s14+$0x0], $0xffff  }
0xec: {  	v48 =	vadd.s32 v13, v24;
	v33 =	vor.u32 v12, v33;
	v43 =	vor.u32 v18, v43;
	v34 =	vld.idx.msk [tilespmem:v34+s14+$0x0], $0xffff  }
0xed: {  	v47 =	vor.u32 v16, v48;
	v44 =	vadd.s32 v5, v26;
	v43 =	vor.u32 v12, v43;
	v31 =	vld.idx.msk [tilespmem:v31+s14+$0x0], $0xffff  }
0xee: {  	v45 =	vadd.s32 v3, v26;
	v24 =	vmov v26;
	v46 =	vor.u32 v12, v47;
	v32 =	vld.idx.msk [tilespmem:v32+s14+$0x0], $0xffff;
	[tilespmem:s3+$0xD0] =	vst v36  }
0xef: {  	v26 =	vadd.s32 v3, v30;
	[tilespmem:s3+$0xFFFFFFD0] =	vst v42;
	v36 =	vld.idx.msk [tilespmem:v37+s14+$0x0], $0xffff;
	v37 =	vadd.s32 v15, v21;
	v21 =	vmov v35  }
0xf0: {  	v35 =	vld.idx.msk [tilespmem:v41+s14+$0x0], $0xffff;
	v41 =	vadd.s32 v3, v21;
	[tilespmem:s3+$0x50] =	vst v38;
	v37 =	vor.u32 v20, v37;
	v20 =	vmov v40  }
0xf1: {  	v38 =	vor.u32 v20, v41;
	[tilespmem:s3+$0xFFFFFF50] =	vst v39;
	v33 =	vld.idx.msk [tilespmem:v33+s14+$0x0], $0xffff;
	v37 =	vor.u32 v14, v37  }
0xf2: {  	v26 =	vor.u32 v27, v26;
	v39 =	vadd.s32 v3, v29;
	v38 =	vor.u32 v2, v38;
	v40 =	vld.idx.msk [tilespmem:v43+s14+$0x0], $0xffff  }
0xf3: {  	v26 =	vor.u32 v2, v26;
	v42 =	vadd.s32 v15, v19;
	v39 =	vor.u32 v28, v39;
	v41 =	vld.idx.msk [tilespmem:v46+s14+$0x0], $0xffff  }
0xf4: {  	v22 =	vadd.s32 v15, v22;
	v19 =	vmovc v30;
	v43 =	vor.u32 v23, v45;
	v39 =	vor.u32 v2, v39  }
0xf5: {  	v42 =	vor.u32 v17, v42;
	s3 =	sadd.s32 $0x200, s3;
	v30 =	vor.u32 v2, v43;
	v43 =	vadd.s32 v5, v19;
	[tilespmem:s2+$0xE0] =	vst v36  }
0xf6: {  	v17 =	vmov v27;
	[tilespmem:s3+$0x80] =	vst v35;
	v35 =	vor.u32 v14, v42;
	v42 =	vor.u32 v18, v22;
	v36 =	vld.idx.msk [tilespmem:v37+s14+$0x0], $0xffff  }
0xf7: {  	v37 =	vadd.s32 v5, v21;
	v18 =	vmov v28;
	[tilespmem:s3+$0xFFFFFF80] =	vst v31;
	v27 =	vld.idx.msk [tilespmem:v38+s14+$0x0], $0xffff;
	v31 =	vor.u32 v14, v42  }
0xf8: {  	v28 =	vadd.s32 v5, v29;
	v22 =	vmov v29;
	v26 =	vld.idx.msk [tilespmem:v26+s14+$0x0], $0xffff;
	[tilespmem:s3+$0x0] =	vst v32;
	v32 =	vor.u32 v20, v37  }
0xf9: {  	v29 =	vor.u32 v17, v43;
	[tilespmem:s3+$0xFFFFFF00] =	vst v34;
	v34 =	vld.idx.msk [tilespmem:v39+s14+$0x0], $0xffff;
	v32 =	vor.u32 v4, v32  }
0xfa: {  	v29 =	vor.u32 v4, v29;
	v28 =	vor.u32 v18, v28;
	v30 =	vld.idx.msk [tilespmem:v30+s14+$0x0], $0xffff;
	[tilespmem:s2+$0xFFFFFFE0] =	vst v33  }
0xfb: {  	v28 =	vor.u32 v4, v28;
	v33 =	vor.u32 v23, v44;
	v35 =	vld.idx.msk [tilespmem:v35+s14+$0x0], $0xffff;
	[tilespmem:s2+$0x60] =	vst v40  }
0xfc: {  	v25 =	vor.u32 v16, v25;
	v16 =	vmov v23;
	v33 =	vor.u32 v4, v33;
	v31 =	vld.idx.msk [tilespmem:v31+s14+$0x0], $0xffff;
	[tilespmem:s2+$0xF0] =	vst v36  }
0xfd: {  	v25 =	vor.u32 v14, v25;
	v23 =	vadd.s32 v7, v24;
	[tilespmem:s3+$0x90] =	vst v27  }
0xfe: {  	v36 =	vadd.s32 v7, v21;
	v27 =	vmov s8;
	[tilespmem:s3+$0xFFFFFF90] =	vst v26;
	v26 =	vadd.s32 v7, v19;
	v32 =	vld.idx.msk [tilespmem:v32+s14+$0x0], $0xffff  }
0xff: {  	v36 =	vor.u32 v20, v36;
	v37 =	vshll.u32 v27, $0x7;
	v29 =	vld.idx.msk [tilespmem:v29+s14+$0x0], $0xffff;
	[tilespmem:s3+$0x10] =	vst v34;
	v34 =	vadd.s32 v7, v22  }
0x100: {  	s10 =	sadd.s32 $0x1, s8;
	v27 =	vshll.u32 v27, $0x9;
	v26 =	vor.u32 v17, v26;
	[tilespmem:s3+$0xFFFFFF10] =	vst v30;
	v28 =	vld.idx.msk [tilespmem:v28+s14+$0x0], $0xffff;
	v30 =	vor.u32 v6, v36  }
0x101: {  	v36 =	vmov s10;
	s10 =	sadd.s32 $0x2, s8;
	v38 =	vor.u32 v6, v26;
	v26 =	vor.u32 v18, v34;
	v33 =	vld.idx.msk [tilespmem:v33+s14+$0x0], $0xffff;
	[tilespmem:s2+$0xFFFFFF60] =	vst v41  }
0x102: {  	v39 =	vor.u32 v16, v23;
	v34 =	vmov s10;
	v40 =	vor.u32 v6, v26;
	v41 =	vld.idx.msk [tilespmem:v25+s14+$0x0], $0xffff;
	[tilespmem:s2+$0xFFFFFFF0] =	vst v35  }
0x103: {  	v23 =	vand.u32 $0x200, v37;
	v26 =	vand.u32 $0x7000, v27;
	v27 =	vor.u32 v6, v39;
	[tilespmem:s2+$0x70] =	vst v31  }
0x104: {  	v35 =	vadd.s32 v11, v24;
	v25 =	vadd.s32 v15, v24;
	v31 =	vadd.s32 v9, v24;
	[tilespmem:s3+$0xA0] =	vst v32  }
0x105: {  	v37 =	vadd.s32 v9, v21;
	v32 =	vshll.u32 v36, $0x7;
	[tilespmem:s3+$0xFFFFFFA0] =	vst v29;
	v29 =	vadd.s32 v9, v19;
	v30 =	vld.idx.msk [tilespmem:v30+s14+$0x0], $0xffff  }
0x106: {  	v37 =	vor.u32 v20, v37;
	v39 =	vshll.u32 v34, $0x7;
	v38 =	vld.idx.msk [tilespmem:v38+s14+$0x0], $0xffff;
	[tilespmem:s3+$0x20] =	vst v28;
	v28 =	vadd.s32 v9, v22  }
0x107: {  	v37 =	vor.u32 v8, v37;
	v36 =	vshll.u32 v36, $0x9;
	v29 =	vor.u32 v17, v29;
	[tilespmem:s3+$0xFFFFFF20] =	vst v33;
	v42 =	vld.idx.msk [tilespmem:v40+s14+$0x0], $0xffff  }
0x108: {  	v34 =	vshll.u32 v34, $0x9;
	v29 =	vor.u32 v8, v29;
	v43 =	vld.idx.msk [tilespmem:v27+s14+$0x0], $0xffff;
	v27 =	vor.u32 v18, v28;
	[tilespmem:s2+$0xFFFFFF70] =	vst v41;
	s2 =	smov.u32 s3  }
0x109: {  	v31 =	vor.u32 v16, v31;
	v28 =	vadd.s32 v1, v26;
	v41 =	vor.u32 v8, v27  }
0x10a: {  	v31 =	vor.u32 v8, v31;
	v33 =	vadd.s32 v13, v19;
	v27 =	vand.u32 $0x280, v32  }
0x10b: {  	v45 =	vadd.s32 v11, v22;
	v44 =	vadd.s32 v11, v19;
	v32 =	vor.u32 v16, v35;
	[tilespmem:s3+$0xB0] =	vst v30  }
.Ltmp1:
0x10c: {  	v46 =	vor.u32 v23, v28;
	v30 =	vand.u32 $0x7000, v36;
	[tilespmem:s3+$0xFFFFFFB0] =	vst v38;
	v35 =	vld.idx.msk [tilespmem:v37+s14+$0x0], $0xffff;
	v37 =	vadd.s32 v11, v21;
	(pc) =	sbr.rel @p0 .LBB2_5-.Ltmp1, $4  }
0x10d: {  	v28 =	vand.u32 $0x300, v39;
	v40 =	vadd.s32 v1, v30;
	v36 =	vld.idx.msk [tilespmem:v29+s14+$0x0], $0xffff;
	[tilespmem:s3+$0x30] =	vst v42;
	v38 =	vor.u32 v20, v37  }
0x10e: {  	v29 =	vand.u32 $0x7000, v34;
	v34 =	vor.u32 v17, v44;
	[tilespmem:s3+$0xFFFFFF30] =	vst v43;
	v37 =	vld.idx.msk [tilespmem:v41+s14+$0x0], $0xffff;
	v41 =	vor.u32 v10, v38  }
0x10f: {  	v44 =	vadd.s32 v1, v29;
	v42 =	vor.u32 v10, v34;
	v38 =	vld.idx.msk [tilespmem:v31+s14+$0x0], $0xffff;
	v31 =	vor.u32 v18, v45  }
0x110: {  	s10 =	sadd.s32 $0x3, s8;
	s8 =	sadd.s32 $0x4, s8;
	v39 =	vor.u32 v10, v32;
	v34 =	vor.u32 v0, v46;
	v43 =	vor.u32 v10, v31  }
0x111: {  	v32 =	vmov s10  }
0x112: {  	v40 =	vor.u32 v27, v40;
	v44 =	vor.u32 v28, v44;
	v31 =	vshll.u32 v32, $0x9  }
0x113: {  	v47 =	vadd.s32 v13, v21;
	v32 =	vshll.u32 v32, $0x7;
	v31 =	vand.u32 $0x7000, v31  }
0x114: {  	v33 =	vor.u32 v17, v33;
	v32 =	vand.u32 $0x380, v32;
	v45 =	vadd.s32 v1, v31  }
0x115: {  	v50 =	vadd.s32 v3, v30;
	v51 =	vadd.s32 v13, v22;
	v45 =	vor.u32 v32, v45  }
0x116: {  	[tilespmem:s3+$0xC0] =	vst v35;
	v52 =	vadd.s32 v3, v29;
	v24 =	vadd.s32 v13, v24;
	v61 =	vor.u32 v0, v45  }
0x117: {  	v34 =	vld.idx.msk [tilespmem:v34+s14+$0x0], $0xffff;
	v53 =	vadd.s32 v3, v26;
	v56 =	vadd.s32 v5, v30;
	v40 =	vor.u32 v0, v40  }
0x118: {  	v57 =	vadd.s32 v5, v26;
	[tilespmem:s3+$0xFFFFFFC0] =	vst v36;
	v62 =	vld.idx.msk [tilespmem:v41+s14+$0x0], $0xffff;
	v63 =	vor.u32 v0, v44  }
0x119: {  	v58 =	vadd.s32 v5, v29;
	v60 =	vadd.s32 v7, v30;
	v42 =	vld.idx.msk [tilespmem:v42+s14+$0x0], $0xffff;
	[tilespmem:s3+$0x40] =	vst v37  }
0x11a: {  	v21 =	vadd.s32 v15, v21;
	v19 =	vadd.s32 v15, v19;
	v48 =	vld.idx.msk [tilespmem:v43+s14+$0x0], $0xffff;
	v49 =	vadd.s32 v3, v31  }
0x11b: {  	v22 =	vadd.s32 v15, v22;
	v44 =	vor.u32 v27, v50;
	v43 =	vor.u32 v32, v49;
	v35 =	vld.idx.msk [tilespmem:v61+s14+$0x0], $0xffff  }
0x11c: {  	v36 =	vor.u32 v28, v52;
	v33 =	vor.u32 v12, v33;
	v43 =	vor.u32 v2, v43;
	v40 =	vld.idx.msk [tilespmem:v40+s14+$0x0], $0xffff  }
0x11d: {  	v54 =	vor.u32 v18, v51;
	v24 =	vor.u32 v16, v24;
	v44 =	vor.u32 v2, v44;
	v41 =	vld.idx.msk [tilespmem:v63+s14+$0x0], $0xffff  }
0x11e: {  	v52 =	vadd.s32 v11, v30;
	v36 =	vor.u32 v2, v36;
	[tilespmem:s3+$0xFFFFFFD0] =	vst v42;
	v42 =	vor.u32 v23, v53  }
0x11f: {  	s8 =	sadd.s32 $0x200, s3;
	v17 =	vor.u32 v17, v19;
	v19 =	vadd.s32 v11, v26;
	v42 =	vor.u32 v2, v42  }
0x120: {  	v18 =	vor.u32 v18, v22;
	v16 =	vor.u32 v16, v25;
	v55 =	vadd.s32 v5, v31;
	[tilespmem:s8+$0x80] =	vst v35  }
0x121: {  	v37 =	vor.u32 v20, v47;
	[tilespmem:s8+$0xFFFFFF80] =	vst v40;
	v40 =	vor.u32 v32, v55;
	v43 =	vld.idx.msk [tilespmem:v43+s14+$0x0], $0xffff  }
0x122: {  	v45 =	vor.u32 v27, v56;
	[tilespmem:s8+$0x0] =	vst v41;
	v44 =	vld.idx.msk [tilespmem:v44+s14+$0x0], $0xffff;
	v40 =	vor.u32 v4, v40  }
0x123: {  	[tilespmem:s8+$0xFFFFFF00] =	vst v34;
	v34 =	vor.u32 v28, v58;
	v45 =	vor.u32 v4, v45;
	v36 =	vld.idx.msk [tilespmem:v36+s14+$0x0], $0xffff  }
0x124: {  	[tilespmem:s3+$0xFFFFFF40] =	vst v38;
	v34 =	vor.u32 v4, v34;
	v41 =	vor.u32 v23, v57;
	v42 =	vld.idx.msk [tilespmem:v42+s14+$0x0], $0xffff  }
0x125: {  	v24 =	vor.u32 v12, v24;
	v39 =	vld.idx.msk [tilespmem:v39+s14+$0x0], $0xffff;
	[tilespmem:s3+$0xD0] =	vst v62;
	v41 =	vor.u32 v4, v41  }
0x126: {  	v20 =	vor.u32 v20, v21;
	v59 =	vadd.s32 v7, v31;
	v62 =	vadd.s32 v7, v29;
	[tilespmem:s8+$0x90] =	vst v43  }
0x127: {  	v63 =	vadd.s32 v7, v26;
	[tilespmem:s8+$0xFFFFFF90] =	vst v44;
	v43 =	vor.u32 v32, v59;
	v40 =	vld.idx.msk [tilespmem:v40+s14+$0x0], $0xffff  }
0x128: {  	v44 =	vor.u32 v27, v60;
	[tilespmem:s8+$0x10] =	vst v36;
	v61 =	vld.idx.msk [tilespmem:v45+s14+$0x0], $0xffff;
	v43 =	vor.u32 v6, v43  }
0x129: {  	v36 =	vor.u32 v28, v62;
	v44 =	vor.u32 v6, v44;
	v34 =	vld.idx.msk [tilespmem:v34+s14+$0x0], $0xffff;
	[tilespmem:s8+$0xFFFFFF10] =	vst v42  }
0x12a: {  	[tilespmem:s3+$0xFFFFFF50] =	vst v39;
	v39 =	vor.u32 v23, v63;
	v36 =	vor.u32 v6, v36;
	v41 =	vld.idx.msk [tilespmem:v41+s14+$0x0], $0xffff  }
0x12b: {  	v21 =	vadd.s32 v9, v30;
	v17 =	vor.u32 v14, v17;
	[tilespmem:s3+$0x50] =	vst v48;
	v39 =	vor.u32 v6, v39  }
0x12c: {  	v37 =	vor.u32 v12, v37;
	v46 =	vadd.s32 v9, v31;
	v21 =	vor.u32 v27, v21;
	[tilespmem:s8+$0xA0] =	vst v40  }
0x12d: {  	v21 =	vor.u32 v8, v21;
	[tilespmem:s8+$0xFFFFFFA0] =	vst v61;
	v40 =	vor.u32 v32, v46;
	v45 =	vld.idx.msk [tilespmem:v43+s14+$0x0], $0xffff  }
0x12e: {  	v48 =	vadd.s32 v9, v29;
	[tilespmem:s8+$0x20] =	vst v34;
	v47 =	vld.idx.msk [tilespmem:v44+s14+$0x0], $0xffff;
	v40 =	vor.u32 v8, v40  }
0x12f: {  	v49 =	vadd.s32 v9, v26;
	v34 =	vor.u32 v28, v48;
	v36 =	vld.idx.msk [tilespmem:v36+s14+$0x0], $0xffff;
	[tilespmem:s8+$0xFFFFFF20] =	vst v41  }
0x130: {  	v19 =	vor.u32 v23, v19;
	v51 =	vor.u32 v23, v49;
	v34 =	vor.u32 v8, v34;
	v50 =	vld.idx.msk [tilespmem:v39+s14+$0x0], $0xffff  }
0x131: {  	v18 =	vor.u32 v14, v18;
	v53 =	vadd.s32 v11, v31;
	v37 =	vld.idx.msk [tilespmem:v37+s14+$0x0], $0xffff;
	v39 =	vor.u32 v8, v51  }
0x132: {  	v20 =	vor.u32 v14, v20;
	v33 =	vld.idx.msk [tilespmem:v33+s14+$0x0], $0xffff;
	v38 =	vor.u32 v32, v53;
	[tilespmem:s8+$0xB0] =	vst v45  }
0x133: {  	v38 =	vor.u32 v10, v38;
	v55 =	vor.u32 v27, v52;
	[tilespmem:s8+$0xFFFFFFB0] =	vst v47;
	v40 =	vld.idx.msk [tilespmem:v40+s14+$0x0], $0xffff  }
0x134: {  	v35 =	vor.u32 v12, v54;
	v54 =	vadd.s32 v11, v29;
	[tilespmem:s8+$0x30] =	vst v36;
	v21 =	vld.idx.msk [tilespmem:v21+s14+$0x0], $0xffff  }
0x135: {  	v57 =	vor.u32 v10, v55;
	v58 =	vor.u32 v28, v54;
	v56 =	vld.idx.msk [tilespmem:v34+s14+$0x0], $0xffff;
	[tilespmem:s8+$0xFFFFFF30] =	vst v50  }
0x136: {  	v22 =	vadd.s32 v13, v31;
	[tilespmem:s2+$0xE0] =	vst v37;
	v36 =	vor.u32 v10, v58;
	v59 =	vld.idx.msk [tilespmem:v39+s14+$0x0], $0xffff  }
0x137: {  	v19 =	vor.u32 v10, v19;
	v22 =	vor.u32 v32, v22;
	[tilespmem:s2+$0xFFFFFFE0] =	vst v33;
	v20 =	vld.idx.msk [tilespmem:v20+s14+$0x0], $0xffff  }
0x138: {  	v25 =	vadd.s32 v15, v31;
	v22 =	vor.u32 v12, v22;
	v24 =	vld.idx.msk [tilespmem:v24+s14+$0x0], $0xffff;
	[tilespmem:s8+$0xC0] =	vst v40  }
0x139: {  	v63 =	vadd.s32 v13, v26;
	v60 =	vadd.s32 v13, v30;
	[tilespmem:s8+$0xFFFFFFC0] =	vst v21;
	v21 =	vld.idx.msk [tilespmem:v38+s14+$0x0], $0xffff  }
0x13a: {  	v62 =	vadd.s32 v13, v29;
	v61 =	vor.u32 v27, v60;
	[tilespmem:s8+$0x40] =	vst v56;
	v34 =	vld.idx.msk [tilespmem:v57+s14+$0x0], $0xffff  }
0x13b: {  	v37 =	vor.u32 v28, v62;
	v33 =	vld.idx.msk [tilespmem:v36+s14+$0x0], $0xffff;
	[tilespmem:s8+$0xFFFFFF40] =	vst v59;
	v36 =	vor.u32 v12, v61  }
0x13c: {  	[tilespmem:s2+$0xF0] =	vst v20;
	v20 =	vor.u32 v23, v63;
	v19 =	vld.idx.msk [tilespmem:v19+s14+$0x0], $0xffff;
	v38 =	vor.u32 v12, v37  }
0x13d: {  	v25 =	vor.u32 v32, v25;
	v17 =	vld.idx.msk [tilespmem:v17+s14+$0x0], $0xffff;
	[tilespmem:s2+$0xFFFFFF60] =	vst v24;
	v20 =	vor.u32 v12, v20  }
0x13e: {  	v16 =	vor.u32 v14, v16;
	v25 =	vor.u32 v14, v25;
	v35 =	vld.idx.msk [tilespmem:v35+s14+$0x0], $0xffff;
	[tilespmem:s8+$0xD0] =	vst v21  }
0x13f: {  	[tilespmem:s8+$0xFFFFFFD0] =	vst v34;
	v21 =	vadd.s32 v15, v26;
	v26 =	vadd.s32 v15, v30;
	v22 =	vld.idx.msk [tilespmem:v22+s14+$0x0], $0xffff  }
0x140: {  	v29 =	vadd.s32 v15, v29;
	[tilespmem:s8+$0x50] =	vst v33;
	v30 =	vld.idx.msk [tilespmem:v36+s14+$0x0], $0xffff;
	v26 =	vor.u32 v27, v26  }
0x141: {  	[tilespmem:s8+$0xFFFFFF50] =	vst v19;
	v19 =	vld.idx.msk [tilespmem:v38+s14+$0x0], $0xffff;
	v27 =	vor.u32 v28, v29;
	v26 =	vor.u32 v14, v26  }
0x142: {  	[tilespmem:s2+$0xFFFFFFF0] =	vst v17;
	v20 =	vld.idx.msk [tilespmem:v20+s14+$0x0], $0xffff;
	v21 =	vor.u32 v23, v21;
	v24 =	vor.u32 v14, v27  }
0x143: {  	v16 =	vld.idx.msk [tilespmem:v16+s14+$0x0], $0xffff;
	[tilespmem:s2+$0x60] =	vst v35;
	v17 =	vor.u32 v14, v21  }
0x144: {  	v18 =	vld.idx.msk [tilespmem:v18+s14+$0x0], $0xffff;
	[tilespmem:s8+$0xE0] =	vst v22  }
0x145: {  	[tilespmem:s8+$0xFFFFFFE0] =	vst v30;
	v21 =	vld.idx.msk [tilespmem:v25+s14+$0x0], $0xffff  }
0x146: {  	[tilespmem:s8+$0x60] =	vst v19;
	v22 =	vld.idx.msk [tilespmem:v26+s14+$0x0], $0xffff  }
0x147: {  	[tilespmem:s8+$0xFFFFFF60] =	vst v20;
	v19 =	vld.idx.msk [tilespmem:v24+s14+$0x0], $0xffff  }
0x148: {  	[tilespmem:s2+$0xFFFFFF70] =	vst v16;
	v17 =	vld.idx.msk [tilespmem:v17+s14+$0x0], $0xffff  }
0x149: {  	[tilespmem:s2+$0x70] =	vst v18  }
0x14a: {  	s0 =	sshll.u32 s0, $0x7;
	[tilespmem:s8+$0xF0] =	vst v21  }
0x14b: {  	s0 =	sadd.s32 s30, s0;
	[tilespmem:s8+$0xFFFFFFF0] =	vst v22  }
0x14c: {  	s0 =	sshrl.u32 s0, $0x3;
	s2 =	sadd.s32 $0x4, s25;
	[tilespmem:s8+$0x70] =	vst v19  }
0x14d: {  	s0 =	sadd.s32 s4, s0;
	s3 =	simm.s32 $0x0;
	s30 =	sshrl.u32 s2, $0x3;
	[tilespmem:s8+$0xFFFFFF70] =	vst v17  }
0x14e: {  	[hbm4b:s0+s3] =	stream.linear.scatter [tilespmem:s19], [sflag:$0x5], $0x2000, $0x38;
	[tilespmem:$0x1C080] =	vst v63  }
0x14f: {  	v16 =	vmov s3;
	s8 =	sshll.u32 s30, $0x9;
	s0 =	sshll.u32 s2, $0x6  }
0x150: {  	s10 =	simm.s32 $0x2;
	v17 =	vshll.u32 v16, $0x7;
	v16 =	vshll.u32 v16, $0x9;
	s0 =	ssub.s32 s0, s8  }
0x151: {  	v19 =	vmov s10;
	s10 =	simm.s32 $0x3;
	v24 =	vand.u32 $0x7000, v16;
	s8 =	simm.s32 $0x1;
	s2 =	sadd.s32 s5, s0  }
0x152: {  	v16 =	vand.u32 $0x200, v17;
	v20 =	vmov s10;
	v18 =	vmov s8;
	s0 =	sshll.u32 s30, $0x17;
	s8 =	sshll.u32 s2, $0x9  }
0x153: {  	v22 =	vshll.u32 v19, $0x7;
	v23 =	vshll.u32 v19, $0x9;
	v21 =	vshll.u32 v20, $0x9;
	s0 =	sadd.s32 s0, s8  }
0x154: {  	v21 =	vand.u32 $0x7000, v21;
	v17 =	vshll.u32 v18, $0x7;
	v18 =	vshll.u32 v18, $0x9;
	s0 =	sshrl.u32 s0, $0x3  }
0x155: {  	v26 =	vadd.s32 v1, v21;
	v19 =	vand.u32 $0x7000, v18;
	v18 =	vshll.u32 v20, $0x7;
	s0 =	sadd.s32 s1, s0  }
0x156: {  	v17 =	vand.u32 $0x280, v17;
	v25 =	vadd.s32 v1, v19;
	v20 =	vand.u32 $0x380, v18;
	[tilespmem:s14], [sflag:$0x2] =	stream.linear.gather [hbm4b:s0+s3], $0x8000, $0x38;
	[tilespmem:$0x1C080] =	vst v63  }
0x157: {  	v18 =	vand.u32 $0x300, v22;
	v22 =	vand.u32 $0x7000, v23;
	v23 =	vor.u32 v20, v26;
	_ =	swait.ge [sflag:s20], $0x8000  }
0x158: {  	v26 =	vadd.s32 v1, v22;
	v25 =	vor.u32 v17, v25;
	v23 =	vor.u32 v0, v23;
	[sflag:s20] =	ssyncset.done $0x0  }
0x159: {  	v27 =	vadd.s32 v1, v24;
	v26 =	vor.u32 v18, v26;
	v25 =	vor.u32 v0, v25;
	[sflag:s20] =	ssyncadd.s32 $0xFFFF8000  }
0x15a: {  	v27 =	vor.u32 v16, v27;
	v26 =	vor.u32 v0, v26;
	_ =	swait.ge [sflag:s21], $0x2000  }
0x15b: {  	v27 =	vor.u32 v0, v27;
	[sflag:s21] =	ssyncset.done $0x0  }
0x15c: {  	[sflag:s21] =	ssyncadd.s32 $0xFFFFE000  }
0x15d: {  	v28 =	vadd.s32 v3, v21;
	v23 =	vld.idx.msk [tilespmem:v23+s15+$0x0], $0xffff  }
0x15e: {  	v28 =	vor.u32 v20, v28;
	v25 =	vld.idx.msk [tilespmem:v25+s15+$0x0], $0xffff  }
0x15f: {  	v31 =	vadd.s32 v3, v24;
	v29 =	vadd.s32 v3, v19;
	v28 =	vor.u32 v2, v28;
	v26 =	vld.idx.msk [tilespmem:v26+s15+$0x0], $0xffff  }
0x160: {  	v40 =	vadd.s32 v7, v24;
	v29 =	vor.u32 v17, v29;
	v30 =	vadd.s32 v3, v22;
	v27 =	vld.idx.msk [tilespmem:v27+s15+$0x0], $0xffff  }
0x161: {  	v49 =	vadd.s32 v9, v24;
	v29 =	vor.u32 v2, v29;
	v30 =	vor.u32 v18, v30;
	s3 =	simm.s32 $0x18180  }
0x162: {  	v50 =	vadd.s32 v11, v24;
	v31 =	vor.u32 v16, v31;
	v30 =	vor.u32 v2, v30;
	[tilespmem:s3+$0x80] =	vst v23  }
0x163: {  	v32 =	vor.u32 v16, v40;
	v58 =	vor.u32 v16, v49;
	v31 =	vor.u32 v2, v31;
	[tilespmem:s3+$0xFFFFFF80] =	vst v25  }
0x164: {  	v43 =	vadd.s32 v7, v21;
	[tilespmem:s3+$0x0] =	vst v26;
	v25 =	vld.idx.msk [tilespmem:v28+s15+$0x0], $0xffff;
	v28 =	vadd.s32 v5, v21  }
0x165: {  	v32 =	vor.u32 v6, v32;
	v39 =	vadd.s32 v5, v19;
	[tilespmem:s3+$0xFFFFFF00] =	vst v27;
	v26 =	vor.u32 v20, v28  }
0x166: {  	v27 =	vor.u32 v17, v39;
	v29 =	vld.idx.msk [tilespmem:v29+s15+$0x0], $0xffff;
	v28 =	vadd.s32 v5, v22;
	v26 =	vor.u32 v4, v26  }
0x167: {  	v23 =	vadd.s32 v5, v24;
	v30 =	vld.idx.msk [tilespmem:v30+s15+$0x0], $0xffff;
	v27 =	vor.u32 v4, v27;
	v28 =	vor.u32 v18, v28  }
0x168: {  	v52 =	vadd.s32 v9, v21;
	v23 =	vor.u32 v16, v23;
	v31 =	vld.idx.msk [tilespmem:v31+s15+$0x0], $0xffff;
	v28 =	vor.u32 v4, v28  }
0x169: {  	v60 =	vor.u32 v8, v58;
	v42 =	vadd.s32 v7, v19;
	v23 =	vor.u32 v4, v23  }
0x16a: {  	v51 =	vadd.s32 v9, v19;
	v61 =	vadd.s32 v11, v19;
	v44 =	vadd.s32 v7, v22;
	[tilespmem:s3+$0x90] =	vst v25  }
0x16b: {  	v35 =	vor.u32 v20, v43;
	v45 =	vor.u32 v17, v42;
	[tilespmem:s3+$0xFFFFFF90] =	vst v29;
	v29 =	vld.idx.msk [tilespmem:v26+s15+$0x0], $0xffff  }
0x16c: {  	s10 =	simm.s32 $0x4;
	v40 =	vor.u32 v20, v52;
	v46 =	vor.u32 v6, v35;
	[tilespmem:s3+$0x10] =	vst v30;
	v27 =	vld.idx.msk [tilespmem:v27+s15+$0x0], $0xffff  }
0x16d: {  	v41 =	vmov s10;
	v33 =	vor.u32 v6, v45;
	v47 =	vor.u32 v18, v44;
	[tilespmem:s3+$0xFFFFFF10] =	vst v31;
	v28 =	vld.idx.msk [tilespmem:v28+s15+$0x0], $0xffff  }
0x16e: {  	s10 =	simm.s32 $0x6;
	s8 =	simm.s32 $0x5;
	v55 =	vor.u32 v8, v40;
	v35 =	vor.u32 v6, v47;
	v47 =	vadd.s32 v11, v22;
	v48 =	vld.idx.msk [tilespmem:v23+s15+$0x0], $0xffff  }
0x16f: {  	v25 =	vshll.u32 v41, $0x7;
	v30 =	vmov s8;
	v31 =	vmov s10  }
0x170: {  	v23 =	vand.u32 $0x200, v25;
	v25 =	vadd.s32 v15, v24;
	v53 =	vshll.u32 v31, $0x7;
	[tilespmem:s3+$0xA0] =	vst v29  }
0x171: {  	v31 =	vshll.u32 v31, $0x9;
	v26 =	vshll.u32 v41, $0x9;
	[tilespmem:s3+$0xFFFFFFA0] =	vst v27;
	v27 =	vadd.s32 v9, v22;
	v34 =	vld.idx.msk [tilespmem:v46+s15+$0x0], $0xffff  }
0x172: {  	v29 =	vshll.u32 v30, $0x7;
	v54 =	vld.idx.msk [tilespmem:v33+s15+$0x0], $0xffff;
	[tilespmem:s3+$0x20] =	vst v28;
	v28 =	vshll.u32 v30, $0x9;
	v30 =	vor.u32 v17, v51  }
0x173: {  	v26 =	vand.u32 $0x7000, v26;
	[tilespmem:s3+$0xFFFFFF20] =	vst v48;
	v27 =	vor.u32 v18, v27;
	v56 =	vld.idx.msk [tilespmem:v35+s15+$0x0], $0xffff;
	v57 =	vor.u32 v8, v30  }
0x174: {  	v32 =	vld.idx.msk [tilespmem:v32+s15+$0x0], $0xffff;
	v33 =	vadd.s32 v13, v19;
	v59 =	vor.u32 v8, v27;
	v27 =	vand.u32 $0x280, v29  }
0x175: {  	v46 =	vor.u32 v16, v50;
	v29 =	vadd.s32 v11, v21;
	v30 =	vadd.s32 v1, v26  }
0x176: {  	v63 =	vor.u32 v20, v29;
	v29 =	vand.u32 $0x7000, v31;
	v31 =	vor.u32 v17, v61;
	[tilespmem:s3+$0xB0] =	vst v34  }
0x177: {  	v39 =	vor.u32 v10, v46;
	v62 =	vor.u32 v23, v30;
	[tilespmem:s3+$0xFFFFFFB0] =	vst v54;
	v35 =	vld.idx.msk [tilespmem:v55+s15+$0x0], $0xffff  }
0x178: {  	v30 =	vand.u32 $0x7000, v28;
	v41 =	vor.u32 v10, v63;
	v44 =	vadd.s32 v1, v29;
	[tilespmem:s3+$0x30] =	vst v56;
	v36 =	vld.idx.msk [tilespmem:v57+s15+$0x0], $0xffff  }
0x179: {  	v28 =	vand.u32 $0x300, v53;
	v42 =	vor.u32 v10, v31;
	v31 =	vor.u32 v18, v47;
	[tilespmem:s3+$0xFFFFFF30] =	vst v32;
	v37 =	vld.idx.msk [tilespmem:v59+s15+$0x0], $0xffff  }
0x17a: {  	s0 =	simm.s32 $0x18180;
	s10 =	simm.s32 $0x7;
	s8 =	simm.s32 $0x8;
	v40 =	vadd.s32 v1, v30;
	v43 =	vor.u32 v10, v31;
	v38 =	vld.idx.msk [tilespmem:v60+s15+$0x0], $0xffff;
	v34 =	vor.u32 v0, v62  }
.LBB2_7:
0x17b: {  	p0 =	slt.u32 s8, $0x3C;
	v31 =	vor.u32 v27, v40;
	v32 =	vor.u32 v28, v44;
	v40 =	vmov s10  }
0x17c: {  	v31 =	vor.u32 v0, v31;
	v32 =	vor.u32 v0, v32;
	v44 =	vshll.u32 v40, $0x9;
	[tilespmem:s3+$0xC0] =	vst v35  }
0x17d: {  	v40 =	vshll.u32 v40, $0x7;
	v35 =	vand.u32 $0x7000, v44;
	[tilespmem:s3+$0xFFFFFFC0] =	vst v36;
	v36 =	vld.idx.msk [tilespmem:v41+s15+$0x0], $0xffff;
	v41 =	vadd.s32 v13, v21  }
0x17e: {  	v40 =	vand.u32 $0x380, v40;
	v44 =	vadd.s32 v1, v35;
	v42 =	vld.idx.msk [tilespmem:v42+s15+$0x0], $0xffff;
	[tilespmem:s3+$0x40] =	vst v37;
	v37 =	vor.u32 v20, v41  }
0x17f: {  	v41 =	vor.u32 v40, v44;
	[tilespmem:s3+$0xFFFFFF40] =	vst v38;
	v38 =	vld.idx.msk [tilespmem:v43+s15+$0x0], $0xffff;
	v37 =	vor.u32 v12, v37  }
0x180: {  	v33 =	vor.u32 v17, v33;
	v43 =	vadd.s32 v13, v22;
	v41 =	vor.u32 v0, v41;
	v39 =	vld.idx.msk [tilespmem:v39+s15+$0x0], $0xffff  }
0x181: {  	v48 =	vadd.s32 v13, v24;
	v33 =	vor.u32 v12, v33;
	v43 =	vor.u32 v18, v43;
	v34 =	vld.idx.msk [tilespmem:v34+s15+$0x0], $0xffff  }
0x182: {  	v47 =	vor.u32 v16, v48;
	v44 =	vadd.s32 v5, v26;
	v43 =	vor.u32 v12, v43;
	v31 =	vld.idx.msk [tilespmem:v31+s15+$0x0], $0xffff  }
0x183: {  	v45 =	vadd.s32 v3, v26;
	v24 =	vmov v26;
	v46 =	vor.u32 v12, v47;
	v32 =	vld.idx.msk [tilespmem:v32+s15+$0x0], $0xffff;
	[tilespmem:s3+$0xD0] =	vst v36  }
0x184: {  	v26 =	vadd.s32 v3, v30;
	[tilespmem:s3+$0xFFFFFFD0] =	vst v42;
	v36 =	vld.idx.msk [tilespmem:v37+s15+$0x0], $0xffff;
	v37 =	vadd.s32 v15, v21;
	v21 =	vmov v35  }
0x185: {  	v35 =	vld.idx.msk [tilespmem:v41+s15+$0x0], $0xffff;
	v41 =	vadd.s32 v3, v21;
	[tilespmem:s3+$0x50] =	vst v38;
	v37 =	vor.u32 v20, v37;
	v20 =	vmov v40  }
0x186: {  	v38 =	vor.u32 v20, v41;
	[tilespmem:s3+$0xFFFFFF50] =	vst v39;
	v33 =	vld.idx.msk [tilespmem:v33+s15+$0x0], $0xffff;
	v37 =	vor.u32 v14, v37  }
0x187: {  	v26 =	vor.u32 v27, v26;
	v39 =	vadd.s32 v3, v29;
	v38 =	vor.u32 v2, v38;
	v40 =	vld.idx.msk [tilespmem:v43+s15+$0x0], $0xffff  }
0x188: {  	v26 =	vor.u32 v2, v26;
	v42 =	vadd.s32 v15, v19;
	v39 =	vor.u32 v28, v39;
	v41 =	vld.idx.msk [tilespmem:v46+s15+$0x0], $0xffff  }
0x189: {  	v22 =	vadd.s32 v15, v22;
	v19 =	vmovc v30;
	v43 =	vor.u32 v23, v45;
	v39 =	vor.u32 v2, v39  }
0x18a: {  	v42 =	vor.u32 v17, v42;
	s3 =	sadd.s32 $0x200, s3;
	v30 =	vor.u32 v2, v43;
	v43 =	vadd.s32 v5, v19;
	[tilespmem:s0+$0xE0] =	vst v36  }
0x18b: {  	v17 =	vmov v27;
	[tilespmem:s3+$0x80] =	vst v35;
	v35 =	vor.u32 v14, v42;
	v42 =	vor.u32 v18, v22;
	v36 =	vld.idx.msk [tilespmem:v37+s15+$0x0], $0xffff  }
0x18c: {  	v37 =	vadd.s32 v5, v21;
	v18 =	vmov v28;
	[tilespmem:s3+$0xFFFFFF80] =	vst v31;
	v27 =	vld.idx.msk [tilespmem:v38+s15+$0x0], $0xffff;
	v31 =	vor.u32 v14, v42  }
0x18d: {  	v28 =	vadd.s32 v5, v29;
	v22 =	vmov v29;
	v26 =	vld.idx.msk [tilespmem:v26+s15+$0x0], $0xffff;
	[tilespmem:s3+$0x0] =	vst v32;
	v32 =	vor.u32 v20, v37  }
0x18e: {  	v29 =	vor.u32 v17, v43;
	[tilespmem:s3+$0xFFFFFF00] =	vst v34;
	v34 =	vld.idx.msk [tilespmem:v39+s15+$0x0], $0xffff;
	v32 =	vor.u32 v4, v32  }
0x18f: {  	v29 =	vor.u32 v4, v29;
	v28 =	vor.u32 v18, v28;
	v30 =	vld.idx.msk [tilespmem:v30+s15+$0x0], $0xffff;
	[tilespmem:s0+$0xFFFFFFE0] =	vst v33  }
0x190: {  	v28 =	vor.u32 v4, v28;
	v33 =	vor.u32 v23, v44;
	v35 =	vld.idx.msk [tilespmem:v35+s15+$0x0], $0xffff;
	[tilespmem:s0+$0x60] =	vst v40  }
0x191: {  	v25 =	vor.u32 v16, v25;
	v16 =	vmov v23;
	v33 =	vor.u32 v4, v33;
	v31 =	vld.idx.msk [tilespmem:v31+s15+$0x0], $0xffff;
	[tilespmem:s0+$0xF0] =	vst v36  }
0x192: {  	v25 =	vor.u32 v14, v25;
	v23 =	vadd.s32 v7, v24;
	[tilespmem:s3+$0x90] =	vst v27  }
0x193: {  	v36 =	vadd.s32 v7, v21;
	v27 =	vmov s8;
	[tilespmem:s3+$0xFFFFFF90] =	vst v26;
	v26 =	vadd.s32 v7, v19;
	v32 =	vld.idx.msk [tilespmem:v32+s15+$0x0], $0xffff  }
0x194: {  	v36 =	vor.u32 v20, v36;
	v37 =	vshll.u32 v27, $0x7;
	v29 =	vld.idx.msk [tilespmem:v29+s15+$0x0], $0xffff;
	[tilespmem:s3+$0x10] =	vst v34;
	v34 =	vadd.s32 v7, v22  }
0x195: {  	s10 =	sadd.s32 $0x1, s8;
	v27 =	vshll.u32 v27, $0x9;
	v26 =	vor.u32 v17, v26;
	[tilespmem:s3+$0xFFFFFF10] =	vst v30;
	v28 =	vld.idx.msk [tilespmem:v28+s15+$0x0], $0xffff;
	v30 =	vor.u32 v6, v36  }
0x196: {  	v36 =	vmov s10;
	s10 =	sadd.s32 $0x2, s8;
	v38 =	vor.u32 v6, v26;
	v26 =	vor.u32 v18, v34;
	v33 =	vld.idx.msk [tilespmem:v33+s15+$0x0], $0xffff;
	[tilespmem:s0+$0xFFFFFF60] =	vst v41  }
0x197: {  	v39 =	vor.u32 v16, v23;
	v34 =	vmov s10;
	v40 =	vor.u32 v6, v26;
	v41 =	vld.idx.msk [tilespmem:v25+s15+$0x0], $0xffff;
	[tilespmem:s0+$0xFFFFFFF0] =	vst v35  }
0x198: {  	v23 =	vand.u32 $0x200, v37;
	v26 =	vand.u32 $0x7000, v27;
	v27 =	vor.u32 v6, v39;
	[tilespmem:s0+$0x70] =	vst v31  }
0x199: {  	v35 =	vadd.s32 v11, v24;
	v25 =	vadd.s32 v15, v24;
	v31 =	vadd.s32 v9, v24;
	[tilespmem:s3+$0xA0] =	vst v32  }
0x19a: {  	v37 =	vadd.s32 v9, v21;
	v32 =	vshll.u32 v36, $0x7;
	[tilespmem:s3+$0xFFFFFFA0] =	vst v29;
	v29 =	vadd.s32 v9, v19;
	v30 =	vld.idx.msk [tilespmem:v30+s15+$0x0], $0xffff  }
0x19b: {  	v37 =	vor.u32 v20, v37;
	v39 =	vshll.u32 v34, $0x7;
	v38 =	vld.idx.msk [tilespmem:v38+s15+$0x0], $0xffff;
	[tilespmem:s3+$0x20] =	vst v28;
	v28 =	vadd.s32 v9, v22  }
0x19c: {  	v37 =	vor.u32 v8, v37;
	v36 =	vshll.u32 v36, $0x9;
	v29 =	vor.u32 v17, v29;
	[tilespmem:s3+$0xFFFFFF20] =	vst v33;
	v42 =	vld.idx.msk [tilespmem:v40+s15+$0x0], $0xffff  }
0x19d: {  	v34 =	vshll.u32 v34, $0x9;
	v29 =	vor.u32 v8, v29;
	v43 =	vld.idx.msk [tilespmem:v27+s15+$0x0], $0xffff;
	v27 =	vor.u32 v18, v28;
	[tilespmem:s0+$0xFFFFFF70] =	vst v41;
	s0 =	smov.u32 s3  }
0x19e: {  	v31 =	vor.u32 v16, v31;
	v28 =	vadd.s32 v1, v26;
	v41 =	vor.u32 v8, v27  }
0x19f: {  	v31 =	vor.u32 v8, v31;
	v33 =	vadd.s32 v13, v19;
	v27 =	vand.u32 $0x280, v32  }
0x1a0: {  	v45 =	vadd.s32 v11, v22;
	v44 =	vadd.s32 v11, v19;
	v32 =	vor.u32 v16, v35;
	[tilespmem:s3+$0xB0] =	vst v30  }
.Ltmp2:
0x1a1: {  	v46 =	vor.u32 v23, v28;
	v30 =	vand.u32 $0x7000, v36;
	[tilespmem:s3+$0xFFFFFFB0] =	vst v38;
	v35 =	vld.idx.msk [tilespmem:v37+s15+$0x0], $0xffff;
	v37 =	vadd.s32 v11, v21;
	(pc) =	sbr.rel @p0 .LBB2_7-.Ltmp2, $4  }
0x1a2: {  	v28 =	vand.u32 $0x300, v39;
	v40 =	vadd.s32 v1, v30;
	v36 =	vld.idx.msk [tilespmem:v29+s15+$0x0], $0xffff;
	[tilespmem:s3+$0x30] =	vst v42;
	v38 =	vor.u32 v20, v37  }
0x1a3: {  	v29 =	vand.u32 $0x7000, v34;
	v34 =	vor.u32 v17, v44;
	[tilespmem:s3+$0xFFFFFF30] =	vst v43;
	v37 =	vld.idx.msk [tilespmem:v41+s15+$0x0], $0xffff;
	v41 =	vor.u32 v10, v38  }
0x1a4: {  	v44 =	vadd.s32 v1, v29;
	v42 =	vor.u32 v10, v34;
	v38 =	vld.idx.msk [tilespmem:v31+s15+$0x0], $0xffff;
	v31 =	vor.u32 v18, v45  }
0x1a5: {  	s10 =	sadd.s32 $0x3, s8;
	s8 =	sadd.s32 $0x4, s8;
	v39 =	vor.u32 v10, v32;
	v34 =	vor.u32 v0, v46;
	v43 =	vor.u32 v10, v31  }
0x1a6: {  	v32 =	vmov s10  }
0x1a7: {  	v40 =	vor.u32 v27, v40;
	v44 =	vor.u32 v28, v44;
	v31 =	vshll.u32 v32, $0x9  }
0x1a8: {  	v47 =	vadd.s32 v13, v21;
	v32 =	vshll.u32 v32, $0x7;
	v31 =	vand.u32 $0x7000, v31  }
0x1a9: {  	v33 =	vor.u32 v17, v33;
	v32 =	vand.u32 $0x380, v32;
	v45 =	vadd.s32 v1, v31  }
0x1aa: {  	v50 =	vadd.s32 v3, v30;
	v51 =	vadd.s32 v13, v22;
	v45 =	vor.u32 v32, v45  }
0x1ab: {  	[tilespmem:s3+$0xC0] =	vst v35;
	v52 =	vadd.s32 v3, v29;
	v24 =	vadd.s32 v13, v24;
	v61 =	vor.u32 v0, v45  }
0x1ac: {  	v34 =	vld.idx.msk [tilespmem:v34+s15+$0x0], $0xffff;
	v53 =	vadd.s32 v3, v26;
	v56 =	vadd.s32 v5, v30;
	v40 =	vor.u32 v0, v40  }
0x1ad: {  	v57 =	vadd.s32 v5, v26;
	[tilespmem:s3+$0xFFFFFFC0] =	vst v36;
	v62 =	vld.idx.msk [tilespmem:v41+s15+$0x0], $0xffff;
	v63 =	vor.u32 v0, v44  }
0x1ae: {  	v58 =	vadd.s32 v5, v29;
	v60 =	vadd.s32 v7, v30;
	v42 =	vld.idx.msk [tilespmem:v42+s15+$0x0], $0xffff;
	[tilespmem:s3+$0x40] =	vst v37  }
0x1af: {  	v21 =	vadd.s32 v15, v21;
	v19 =	vadd.s32 v15, v19;
	v48 =	vld.idx.msk [tilespmem:v43+s15+$0x0], $0xffff;
	v49 =	vadd.s32 v3, v31  }
0x1b0: {  	v22 =	vadd.s32 v15, v22;
	v44 =	vor.u32 v27, v50;
	v43 =	vor.u32 v32, v49;
	v35 =	vld.idx.msk [tilespmem:v61+s15+$0x0], $0xffff  }
0x1b1: {  	v36 =	vor.u32 v28, v52;
	v33 =	vor.u32 v12, v33;
	v43 =	vor.u32 v2, v43;
	v40 =	vld.idx.msk [tilespmem:v40+s15+$0x0], $0xffff  }
0x1b2: {  	v54 =	vor.u32 v18, v51;
	v24 =	vor.u32 v16, v24;
	v44 =	vor.u32 v2, v44;
	v41 =	vld.idx.msk [tilespmem:v63+s15+$0x0], $0xffff  }
0x1b3: {  	v52 =	vadd.s32 v11, v30;
	v36 =	vor.u32 v2, v36;
	[tilespmem:s3+$0xFFFFFFD0] =	vst v42;
	v42 =	vor.u32 v23, v53  }
0x1b4: {  	s8 =	sadd.s32 $0x200, s3;
	v17 =	vor.u32 v17, v19;
	v19 =	vadd.s32 v11, v26;
	v42 =	vor.u32 v2, v42  }
0x1b5: {  	v18 =	vor.u32 v18, v22;
	v16 =	vor.u32 v16, v25;
	v55 =	vadd.s32 v5, v31;
	[tilespmem:s8+$0x80] =	vst v35  }
0x1b6: {  	v37 =	vor.u32 v20, v47;
	[tilespmem:s8+$0xFFFFFF80] =	vst v40;
	v40 =	vor.u32 v32, v55;
	v43 =	vld.idx.msk [tilespmem:v43+s15+$0x0], $0xffff  }
0x1b7: {  	v45 =	vor.u32 v27, v56;
	[tilespmem:s8+$0x0] =	vst v41;
	v44 =	vld.idx.msk [tilespmem:v44+s15+$0x0], $0xffff;
	v40 =	vor.u32 v4, v40  }
0x1b8: {  	[tilespmem:s8+$0xFFFFFF00] =	vst v34;
	v34 =	vor.u32 v28, v58;
	v45 =	vor.u32 v4, v45;
	v36 =	vld.idx.msk [tilespmem:v36+s15+$0x0], $0xffff  }
0x1b9: {  	[tilespmem:s3+$0xFFFFFF40] =	vst v38;
	v34 =	vor.u32 v4, v34;
	v41 =	vor.u32 v23, v57;
	v42 =	vld.idx.msk [tilespmem:v42+s15+$0x0], $0xffff  }
0x1ba: {  	v24 =	vor.u32 v12, v24;
	v39 =	vld.idx.msk [tilespmem:v39+s15+$0x0], $0xffff;
	[tilespmem:s3+$0xD0] =	vst v62;
	v41 =	vor.u32 v4, v41  }
0x1bb: {  	v20 =	vor.u32 v20, v21;
	v59 =	vadd.s32 v7, v31;
	v62 =	vadd.s32 v7, v29;
	[tilespmem:s8+$0x90] =	vst v43  }
0x1bc: {  	v63 =	vadd.s32 v7, v26;
	[tilespmem:s8+$0xFFFFFF90] =	vst v44;
	v43 =	vor.u32 v32, v59;
	v40 =	vld.idx.msk [tilespmem:v40+s15+$0x0], $0xffff  }
0x1bd: {  	v44 =	vor.u32 v27, v60;
	[tilespmem:s8+$0x10] =	vst v36;
	v61 =	vld.idx.msk [tilespmem:v45+s15+$0x0], $0xffff;
	v43 =	vor.u32 v6, v43  }
0x1be: {  	v36 =	vor.u32 v28, v62;
	v44 =	vor.u32 v6, v44;
	v34 =	vld.idx.msk [tilespmem:v34+s15+$0x0], $0xffff;
	[tilespmem:s8+$0xFFFFFF10] =	vst v42  }
0x1bf: {  	[tilespmem:s3+$0xFFFFFF50] =	vst v39;
	v39 =	vor.u32 v23, v63;
	v36 =	vor.u32 v6, v36;
	v41 =	vld.idx.msk [tilespmem:v41+s15+$0x0], $0xffff  }
0x1c0: {  	v21 =	vadd.s32 v9, v30;
	v17 =	vor.u32 v14, v17;
	[tilespmem:s3+$0x50] =	vst v48;
	v39 =	vor.u32 v6, v39  }
0x1c1: {  	v37 =	vor.u32 v12, v37;
	v46 =	vadd.s32 v9, v31;
	v21 =	vor.u32 v27, v21;
	[tilespmem:s8+$0xA0] =	vst v40  }
0x1c2: {  	v21 =	vor.u32 v8, v21;
	[tilespmem:s8+$0xFFFFFFA0] =	vst v61;
	v40 =	vor.u32 v32, v46;
	v45 =	vld.idx.msk [tilespmem:v43+s15+$0x0], $0xffff  }
0x1c3: {  	v48 =	vadd.s32 v9, v29;
	[tilespmem:s8+$0x20] =	vst v34;
	v47 =	vld.idx.msk [tilespmem:v44+s15+$0x0], $0xffff;
	v40 =	vor.u32 v8, v40  }
0x1c4: {  	v49 =	vadd.s32 v9, v26;
	v34 =	vor.u32 v28, v48;
	v36 =	vld.idx.msk [tilespmem:v36+s15+$0x0], $0xffff;
	[tilespmem:s8+$0xFFFFFF20] =	vst v41  }
0x1c5: {  	v19 =	vor.u32 v23, v19;
	v51 =	vor.u32 v23, v49;
	v34 =	vor.u32 v8, v34;
	v50 =	vld.idx.msk [tilespmem:v39+s15+$0x0], $0xffff  }
0x1c6: {  	v18 =	vor.u32 v14, v18;
	v53 =	vadd.s32 v11, v31;
	v37 =	vld.idx.msk [tilespmem:v37+s15+$0x0], $0xffff;
	v39 =	vor.u32 v8, v51  }
0x1c7: {  	v20 =	vor.u32 v14, v20;
	v33 =	vld.idx.msk [tilespmem:v33+s15+$0x0], $0xffff;
	v38 =	vor.u32 v32, v53;
	[tilespmem:s8+$0xB0] =	vst v45  }
0x1c8: {  	v38 =	vor.u32 v10, v38;
	v55 =	vor.u32 v27, v52;
	[tilespmem:s8+$0xFFFFFFB0] =	vst v47;
	v40 =	vld.idx.msk [tilespmem:v40+s15+$0x0], $0xffff  }
0x1c9: {  	v35 =	vor.u32 v12, v54;
	v54 =	vadd.s32 v11, v29;
	[tilespmem:s8+$0x30] =	vst v36;
	v21 =	vld.idx.msk [tilespmem:v21+s15+$0x0], $0xffff  }
0x1ca: {  	v57 =	vor.u32 v10, v55;
	v58 =	vor.u32 v28, v54;
	v56 =	vld.idx.msk [tilespmem:v34+s15+$0x0], $0xffff;
	[tilespmem:s8+$0xFFFFFF30] =	vst v50  }
0x1cb: {  	v22 =	vadd.s32 v13, v31;
	[tilespmem:s0+$0xE0] =	vst v37;
	v36 =	vor.u32 v10, v58;
	v59 =	vld.idx.msk [tilespmem:v39+s15+$0x0], $0xffff  }
0x1cc: {  	v19 =	vor.u32 v10, v19;
	v22 =	vor.u32 v32, v22;
	[tilespmem:s0+$0xFFFFFFE0] =	vst v33;
	v20 =	vld.idx.msk [tilespmem:v20+s15+$0x0], $0xffff  }
0x1cd: {  	v25 =	vadd.s32 v15, v31;
	v22 =	vor.u32 v12, v22;
	v24 =	vld.idx.msk [tilespmem:v24+s15+$0x0], $0xffff;
	[tilespmem:s8+$0xC0] =	vst v40  }
0x1ce: {  	v63 =	vadd.s32 v13, v26;
	v60 =	vadd.s32 v13, v30;
	[tilespmem:s8+$0xFFFFFFC0] =	vst v21;
	v21 =	vld.idx.msk [tilespmem:v38+s15+$0x0], $0xffff  }
0x1cf: {  	v62 =	vadd.s32 v13, v29;
	v61 =	vor.u32 v27, v60;
	[tilespmem:s8+$0x40] =	vst v56;
	v34 =	vld.idx.msk [tilespmem:v57+s15+$0x0], $0xffff  }
0x1d0: {  	v37 =	vor.u32 v28, v62;
	v33 =	vld.idx.msk [tilespmem:v36+s15+$0x0], $0xffff;
	[tilespmem:s8+$0xFFFFFF40] =	vst v59;
	v36 =	vor.u32 v12, v61  }
0x1d1: {  	[tilespmem:s0+$0xF0] =	vst v20;
	v20 =	vor.u32 v23, v63;
	v19 =	vld.idx.msk [tilespmem:v19+s15+$0x0], $0xffff;
	v38 =	vor.u32 v12, v37  }
0x1d2: {  	v25 =	vor.u32 v32, v25;
	v17 =	vld.idx.msk [tilespmem:v17+s15+$0x0], $0xffff;
	[tilespmem:s0+$0xFFFFFF60] =	vst v24;
	v20 =	vor.u32 v12, v20  }
0x1d3: {  	v16 =	vor.u32 v14, v16;
	v25 =	vor.u32 v14, v25;
	v35 =	vld.idx.msk [tilespmem:v35+s15+$0x0], $0xffff;
	[tilespmem:s8+$0xD0] =	vst v21  }
0x1d4: {  	[tilespmem:s8+$0xFFFFFFD0] =	vst v34;
	v21 =	vadd.s32 v15, v26;
	v26 =	vadd.s32 v15, v30;
	v22 =	vld.idx.msk [tilespmem:v22+s15+$0x0], $0xffff  }
0x1d5: {  	v29 =	vadd.s32 v15, v29;
	[tilespmem:s8+$0x50] =	vst v33;
	v30 =	vld.idx.msk [tilespmem:v36+s15+$0x0], $0xffff;
	v26 =	vor.u32 v27, v26  }
0x1d6: {  	[tilespmem:s8+$0xFFFFFF50] =	vst v19;
	v19 =	vld.idx.msk [tilespmem:v38+s15+$0x0], $0xffff;
	v27 =	vor.u32 v28, v29;
	v26 =	vor.u32 v14, v26  }
0x1d7: {  	[tilespmem:s0+$0xFFFFFFF0] =	vst v17;
	v20 =	vld.idx.msk [tilespmem:v20+s15+$0x0], $0xffff;
	v21 =	vor.u32 v23, v21;
	v24 =	vor.u32 v14, v27  }
0x1d8: {  	v16 =	vld.idx.msk [tilespmem:v16+s15+$0x0], $0xffff;
	[tilespmem:s0+$0x60] =	vst v35;
	v17 =	vor.u32 v14, v21  }
0x1d9: {  	v18 =	vld.idx.msk [tilespmem:v18+s15+$0x0], $0xffff;
	[tilespmem:s8+$0xE0] =	vst v22  }
0x1da: {  	[tilespmem:s8+$0xFFFFFFE0] =	vst v30;
	v21 =	vld.idx.msk [tilespmem:v25+s15+$0x0], $0xffff  }
0x1db: {  	[tilespmem:s8+$0x60] =	vst v19;
	v22 =	vld.idx.msk [tilespmem:v26+s15+$0x0], $0xffff  }
0x1dc: {  	[tilespmem:s8+$0xFFFFFF60] =	vst v20;
	v19 =	vld.idx.msk [tilespmem:v24+s15+$0x0], $0xffff  }
0x1dd: {  	[tilespmem:s0+$0xFFFFFF70] =	vst v16;
	v17 =	vld.idx.msk [tilespmem:v17+s15+$0x0], $0xffff  }
0x1de: {  	[tilespmem:s0+$0x70] =	vst v18  }
0x1df: {  	s10 =	sshll.u32 s26, $0x15;
	s26 =	sshll.u32 s28, $0x7;
	[tilespmem:s8+$0xF0] =	vst v21  }
0x1e0: {  	s0 =	sadd.s32 s10, s26;
	[tilespmem:s8+$0xFFFFFFF0] =	vst v22  }
0x1e1: {  	s0 =	sshrl.u32 s0, $0x3;
	[tilespmem:s8+$0x70] =	vst v19  }
0x1e2: {  	s3 =	simm.s32 $0x0;
	s0 =	sadd.s32 s4, s0;
	[tilespmem:s8+$0xFFFFFF70] =	vst v17;
	s8 =	sadd.s32 $0x5, s25  }
0x1e3: {  	[hbm4b:s0+s3] =	stream.linear.scatter [tilespmem:s17], [sflag:$0x4], $0x2000, $0x38;
	[tilespmem:$0x1C080] =	vst v63  }
0x1e4: {  	s26 =	sshrl.u32 s8, $0x3  }
0x1e5: {  	v16 =	vmov s3;
	s0 =	sshll.u32 s8, $0x6;
	s10 =	sshll.u32 s26, $0x9  }
0x1e6: {  	v17 =	vshll.u32 v16, $0x7;
	v16 =	vshll.u32 v16, $0x9;
	s8 =	simm.s32 $0x1;
	s0 =	ssub.s32 s0, s10  }
0x1e7: {  	v24 =	vand.u32 $0x7000, v16;
	v18 =	vmov s8;
	s10 =	simm.s32 $0x2;
	s28 =	sadd.s32 s5, s0  }
0x1e8: {  	v16 =	vand.u32 $0x200, v17;
	v17 =	vshll.u32 v18, $0x7;
	v19 =	vmov s10;
	s0 =	sshll.u32 s26, $0x17;
	s10 =	simm.s32 $0x3;
	s8 =	sshll.u32 s28, $0x9  }
0x1e9: {  	v18 =	vshll.u32 v18, $0x9;
	v17 =	vand.u32 $0x280, v17;
	v20 =	vmov s10;
	s0 =	sadd.s32 s0, s8  }
0x1ea: {  	v22 =	vshll.u32 v19, $0x7;
	v23 =	vshll.u32 v19, $0x9;
	v21 =	vshll.u32 v20, $0x9;
	s0 =	sshrl.u32 s0, $0x3  }
0x1eb: {  	v19 =	vand.u32 $0x7000, v18;
	v18 =	vshll.u32 v20, $0x7;
	v21 =	vand.u32 $0x7000, v21;
	s0 =	sadd.s32 s1, s0  }
0x1ec: {  	v25 =	vadd.s32 v1, v19;
	v20 =	vand.u32 $0x380, v18;
	v26 =	vadd.s32 v1, v21;
	[tilespmem:s15], [sflag:$0x3] =	stream.linear.gather [hbm4b:s0+s3], $0x8000, $0x38;
	[tilespmem:$0x1C080] =	vst v63  }
0x1ed: {  	v18 =	vand.u32 $0x300, v22;
	v22 =	vand.u32 $0x7000, v23;
	v23 =	vor.u32 v20, v26;
	_ =	swait.ge [sflag:s16], $0x8000  }
0x1ee: {  	v25 =	vor.u32 v17, v25;
	v26 =	vadd.s32 v1, v22;
	v23 =	vor.u32 v0, v23;
	[sflag:s16] =	ssyncset.done $0x0  }
0x1ef: {  	v27 =	vadd.s32 v1, v24;
	v25 =	vor.u32 v0, v25;
	v26 =	vor.u32 v18, v26;
	[sflag:s16] =	ssyncadd.s32 $0xFFFF8000  }
0x1f0: {  	v27 =	vor.u32 v16, v27;
	v26 =	vor.u32 v0, v26;
	_ =	swait.ge [sflag:s22], $0x2000  }
0x1f1: {  	v27 =	vor.u32 v0, v27;
	[sflag:s22] =	ssyncset.done $0x0  }
0x1f2: {  	[sflag:s22] =	ssyncadd.s32 $0xFFFFE000  }
0x1f3: {  	v28 =	vadd.s32 v3, v21;
	v23 =	vld.idx.msk [tilespmem:v23+s13+$0x0], $0xffff  }
0x1f4: {  	v28 =	vor.u32 v20, v28;
	v25 =	vld.idx.msk [tilespmem:v25+s13+$0x0], $0xffff  }
0x1f5: {  	v31 =	vadd.s32 v3, v24;
	v29 =	vadd.s32 v3, v19;
	v28 =	vor.u32 v2, v28;
	v26 =	vld.idx.msk [tilespmem:v26+s13+$0x0], $0xffff  }
0x1f6: {  	v40 =	vadd.s32 v7, v24;
	v29 =	vor.u32 v17, v29;
	v30 =	vadd.s32 v3, v22;
	v27 =	vld.idx.msk [tilespmem:v27+s13+$0x0], $0xffff  }
0x1f7: {  	v49 =	vadd.s32 v9, v24;
	v29 =	vor.u32 v2, v29;
	v30 =	vor.u32 v18, v30;
	s3 =	simm.s32 $0x1A180  }
0x1f8: {  	v50 =	vadd.s32 v11, v24;
	v31 =	vor.u32 v16, v31;
	v30 =	vor.u32 v2, v30;
	[tilespmem:s3+$0x80] =	vst v23  }
0x1f9: {  	v32 =	vor.u32 v16, v40;
	v58 =	vor.u32 v16, v49;
	v31 =	vor.u32 v2, v31;
	[tilespmem:s3+$0xFFFFFF80] =	vst v25  }
0x1fa: {  	v32 =	vor.u32 v6, v32;
	[tilespmem:s3+$0x0] =	vst v26;
	v25 =	vld.idx.msk [tilespmem:v28+s13+$0x0], $0xffff;
	v28 =	vadd.s32 v5, v21  }
0x1fb: {  	v60 =	vor.u32 v8, v58;
	v39 =	vadd.s32 v5, v19;
	[tilespmem:s3+$0xFFFFFF00] =	vst v27;
	v26 =	vor.u32 v20, v28  }
0x1fc: {  	v27 =	vor.u32 v17, v39;
	v29 =	vld.idx.msk [tilespmem:v29+s13+$0x0], $0xffff;
	v28 =	vadd.s32 v5, v22;
	v26 =	vor.u32 v4, v26  }
0x1fd: {  	v23 =	vadd.s32 v5, v24;
	v30 =	vld.idx.msk [tilespmem:v30+s13+$0x0], $0xffff;
	v27 =	vor.u32 v4, v27;
	v28 =	vor.u32 v18, v28  }
0x1fe: {  	v42 =	vadd.s32 v7, v19;
	v23 =	vor.u32 v16, v23;
	v31 =	vld.idx.msk [tilespmem:v31+s13+$0x0], $0xffff;
	v28 =	vor.u32 v4, v28  }
0x1ff: {  	v51 =	vadd.s32 v9, v19;
	v61 =	vadd.s32 v11, v19;
	v23 =	vor.u32 v4, v23  }
0x200: {  	v45 =	vor.u32 v17, v42;
	v43 =	vadd.s32 v7, v21;
	v44 =	vadd.s32 v7, v22;
	[tilespmem:s3+$0x90] =	vst v25  }
0x201: {  	v33 =	vor.u32 v6, v45;
	v35 =	vor.u32 v20, v43;
	[tilespmem:s3+$0xFFFFFF90] =	vst v29;
	v29 =	vld.idx.msk [tilespmem:v26+s13+$0x0], $0xffff  }
0x202: {  	s10 =	simm.s32 $0x4;
	v52 =	vadd.s32 v9, v21;
	v46 =	vor.u32 v6, v35;
	[tilespmem:s3+$0x10] =	vst v30;
	v27 =	vld.idx.msk [tilespmem:v27+s13+$0x0], $0xffff  }
0x203: {  	v41 =	vmov s10;
	v47 =	vor.u32 v18, v44;
	v40 =	vor.u32 v20, v52;
	[tilespmem:s3+$0xFFFFFF10] =	vst v31;
	v28 =	vld.idx.msk [tilespmem:v28+s13+$0x0], $0xffff  }
0x204: {  	s8 =	simm.s32 $0x5;
	s10 =	simm.s32 $0x6;
	v35 =	vor.u32 v6, v47;
	v55 =	vor.u32 v8, v40;
	v47 =	vadd.s32 v11, v22;
	v48 =	vld.idx.msk [tilespmem:v23+s13+$0x0], $0xffff  }
0x205: {  	v25 =	vshll.u32 v41, $0x7;
	v30 =	vmov s8;
	v31 =	vmov s10  }
0x206: {  	v23 =	vand.u32 $0x200, v25;
	v25 =	vadd.s32 v15, v24;
	v53 =	vshll.u32 v31, $0x7;
	[tilespmem:s3+$0xA0] =	vst v29  }
0x207: {  	v31 =	vshll.u32 v31, $0x9;
	v26 =	vshll.u32 v41, $0x9;
	[tilespmem:s3+$0xFFFFFFA0] =	vst v27;
	v27 =	vadd.s32 v9, v22;
	v34 =	vld.idx.msk [tilespmem:v46+s13+$0x0], $0xffff  }
0x208: {  	v29 =	vshll.u32 v30, $0x7;
	v54 =	vld.idx.msk [tilespmem:v33+s13+$0x0], $0xffff;
	[tilespmem:s3+$0x20] =	vst v28;
	v28 =	vshll.u32 v30, $0x9;
	v30 =	vor.u32 v17, v51  }
0x209: {  	v26 =	vand.u32 $0x7000, v26;
	[tilespmem:s3+$0xFFFFFF20] =	vst v48;
	v27 =	vor.u32 v18, v27;
	v56 =	vld.idx.msk [tilespmem:v35+s13+$0x0], $0xffff;
	v57 =	vor.u32 v8, v30  }
0x20a: {  	v32 =	vld.idx.msk [tilespmem:v32+s13+$0x0], $0xffff;
	v33 =	vadd.s32 v13, v19;
	v59 =	vor.u32 v8, v27;
	v27 =	vand.u32 $0x280, v29  }
0x20b: {  	v46 =	vor.u32 v16, v50;
	v29 =	vadd.s32 v11, v21;
	v30 =	vadd.s32 v1, v26  }
0x20c: {  	v63 =	vor.u32 v20, v29;
	v29 =	vand.u32 $0x7000, v31;
	v31 =	vor.u32 v17, v61;
	[tilespmem:s3+$0xB0] =	vst v34  }
0x20d: {  	v39 =	vor.u32 v10, v46;
	v62 =	vor.u32 v23, v30;
	[tilespmem:s3+$0xFFFFFFB0] =	vst v54;
	v35 =	vld.idx.msk [tilespmem:v55+s13+$0x0], $0xffff  }
0x20e: {  	v30 =	vand.u32 $0x7000, v28;
	v41 =	vor.u32 v10, v63;
	v44 =	vadd.s32 v1, v29;
	[tilespmem:s3+$0x30] =	vst v56;
	v36 =	vld.idx.msk [tilespmem:v57+s13+$0x0], $0xffff  }
0x20f: {  	v28 =	vand.u32 $0x300, v53;
	v42 =	vor.u32 v10, v31;
	v31 =	vor.u32 v18, v47;
	[tilespmem:s3+$0xFFFFFF30] =	vst v32;
	v37 =	vld.idx.msk [tilespmem:v59+s13+$0x0], $0xffff  }
0x210: {  	s0 =	simm.s32 $0x1A180;
	s10 =	simm.s32 $0x7;
	s8 =	simm.s32 $0x8;
	v40 =	vadd.s32 v1, v30;
	v43 =	vor.u32 v10, v31;
	v38 =	vld.idx.msk [tilespmem:v60+s13+$0x0], $0xffff;
	v34 =	vor.u32 v0, v62  }
.LBB2_9:
0x211: {  	p0 =	slt.u32 s8, $0x3C;
	v31 =	vor.u32 v27, v40;
	v32 =	vor.u32 v28, v44;
	v40 =	vmov s10  }
0x212: {  	v31 =	vor.u32 v0, v31;
	v32 =	vor.u32 v0, v32;
	v44 =	vshll.u32 v40, $0x9;
	[tilespmem:s3+$0xC0] =	vst v35  }
0x213: {  	v40 =	vshll.u32 v40, $0x7;
	v35 =	vand.u32 $0x7000, v44;
	[tilespmem:s3+$0xFFFFFFC0] =	vst v36;
	v36 =	vld.idx.msk [tilespmem:v41+s13+$0x0], $0xffff;
	v41 =	vadd.s32 v13, v21  }
0x214: {  	v40 =	vand.u32 $0x380, v40;
	v44 =	vadd.s32 v1, v35;
	v42 =	vld.idx.msk [tilespmem:v42+s13+$0x0], $0xffff;
	[tilespmem:s3+$0x40] =	vst v37;
	v37 =	vor.u32 v20, v41  }
0x215: {  	v41 =	vor.u32 v40, v44;
	[tilespmem:s3+$0xFFFFFF40] =	vst v38;
	v38 =	vld.idx.msk [tilespmem:v43+s13+$0x0], $0xffff;
	v37 =	vor.u32 v12, v37  }
0x216: {  	v33 =	vor.u32 v17, v33;
	v43 =	vadd.s32 v13, v22;
	v41 =	vor.u32 v0, v41;
	v39 =	vld.idx.msk [tilespmem:v39+s13+$0x0], $0xffff  }
0x217: {  	v48 =	vadd.s32 v13, v24;
	v33 =	vor.u32 v12, v33;
	v43 =	vor.u32 v18, v43;
	v34 =	vld.idx.msk [tilespmem:v34+s13+$0x0], $0xffff  }
0x218: {  	v47 =	vor.u32 v16, v48;
	v44 =	vadd.s32 v5, v26;
	v43 =	vor.u32 v12, v43;
	v31 =	vld.idx.msk [tilespmem:v31+s13+$0x0], $0xffff  }
0x219: {  	v45 =	vadd.s32 v3, v26;
	v24 =	vmov v26;
	v46 =	vor.u32 v12, v47;
	v32 =	vld.idx.msk [tilespmem:v32+s13+$0x0], $0xffff;
	[tilespmem:s3+$0xD0] =	vst v36  }
0x21a: {  	v26 =	vadd.s32 v3, v30;
	[tilespmem:s3+$0xFFFFFFD0] =	vst v42;
	v36 =	vld.idx.msk [tilespmem:v37+s13+$0x0], $0xffff;
	v37 =	vadd.s32 v15, v21;
	v21 =	vmov v35  }
0x21b: {  	v35 =	vld.idx.msk [tilespmem:v41+s13+$0x0], $0xffff;
	v41 =	vadd.s32 v3, v21;
	[tilespmem:s3+$0x50] =	vst v38;
	v37 =	vor.u32 v20, v37;
	v20 =	vmov v40  }
0x21c: {  	v38 =	vor.u32 v20, v41;
	[tilespmem:s3+$0xFFFFFF50] =	vst v39;
	v33 =	vld.idx.msk [tilespmem:v33+s13+$0x0], $0xffff;
	v37 =	vor.u32 v14, v37  }
0x21d: {  	v26 =	vor.u32 v27, v26;
	v39 =	vadd.s32 v3, v29;
	v38 =	vor.u32 v2, v38;
	v40 =	vld.idx.msk [tilespmem:v43+s13+$0x0], $0xffff  }
0x21e: {  	v26 =	vor.u32 v2, v26;
	v42 =	vadd.s32 v15, v19;
	v39 =	vor.u32 v28, v39;
	v41 =	vld.idx.msk [tilespmem:v46+s13+$0x0], $0xffff  }
0x21f: {  	v22 =	vadd.s32 v15, v22;
	v19 =	vmovc v30;
	v43 =	vor.u32 v23, v45;
	v39 =	vor.u32 v2, v39  }
0x220: {  	v42 =	vor.u32 v17, v42;
	s3 =	sadd.s32 $0x200, s3;
	v30 =	vor.u32 v2, v43;
	v43 =	vadd.s32 v5, v19;
	[tilespmem:s0+$0xE0] =	vst v36  }
0x221: {  	v17 =	vmov v27;
	[tilespmem:s3+$0x80] =	vst v35;
	v35 =	vor.u32 v14, v42;
	v42 =	vor.u32 v18, v22;
	v36 =	vld.idx.msk [tilespmem:v37+s13+$0x0], $0xffff  }
0x222: {  	v37 =	vadd.s32 v5, v21;
	v18 =	vmov v28;
	[tilespmem:s3+$0xFFFFFF80] =	vst v31;
	v27 =	vld.idx.msk [tilespmem:v38+s13+$0x0], $0xffff;
	v31 =	vor.u32 v14, v42  }
0x223: {  	v28 =	vadd.s32 v5, v29;
	v22 =	vmov v29;
	v26 =	vld.idx.msk [tilespmem:v26+s13+$0x0], $0xffff;
	[tilespmem:s3+$0x0] =	vst v32;
	v32 =	vor.u32 v20, v37  }
0x224: {  	v29 =	vor.u32 v17, v43;
	[tilespmem:s3+$0xFFFFFF00] =	vst v34;
	v34 =	vld.idx.msk [tilespmem:v39+s13+$0x0], $0xffff;
	v32 =	vor.u32 v4, v32  }
0x225: {  	v29 =	vor.u32 v4, v29;
	v28 =	vor.u32 v18, v28;
	v30 =	vld.idx.msk [tilespmem:v30+s13+$0x0], $0xffff;
	[tilespmem:s0+$0xFFFFFFE0] =	vst v33  }
0x226: {  	v28 =	vor.u32 v4, v28;
	v33 =	vor.u32 v23, v44;
	v35 =	vld.idx.msk [tilespmem:v35+s13+$0x0], $0xffff;
	[tilespmem:s0+$0x60] =	vst v40  }
0x227: {  	v25 =	vor.u32 v16, v25;
	v16 =	vmov v23;
	v33 =	vor.u32 v4, v33;
	v31 =	vld.idx.msk [tilespmem:v31+s13+$0x0], $0xffff;
	[tilespmem:s0+$0xF0] =	vst v36  }
0x228: {  	v25 =	vor.u32 v14, v25;
	v23 =	vadd.s32 v7, v24;
	[tilespmem:s3+$0x90] =	vst v27  }
0x229: {  	v36 =	vadd.s32 v7, v21;
	v27 =	vmov s8;
	[tilespmem:s3+$0xFFFFFF90] =	vst v26;
	v26 =	vadd.s32 v7, v19;
	v32 =	vld.idx.msk [tilespmem:v32+s13+$0x0], $0xffff  }
0x22a: {  	v36 =	vor.u32 v20, v36;
	v37 =	vshll.u32 v27, $0x7;
	v29 =	vld.idx.msk [tilespmem:v29+s13+$0x0], $0xffff;
	[tilespmem:s3+$0x10] =	vst v34;
	v34 =	vadd.s32 v7, v22  }
0x22b: {  	s10 =	sadd.s32 $0x1, s8;
	v27 =	vshll.u32 v27, $0x9;
	v26 =	vor.u32 v17, v26;
	[tilespmem:s3+$0xFFFFFF10] =	vst v30;
	v28 =	vld.idx.msk [tilespmem:v28+s13+$0x0], $0xffff;
	v30 =	vor.u32 v6, v36  }
0x22c: {  	v36 =	vmov s10;
	s10 =	sadd.s32 $0x2, s8;
	v38 =	vor.u32 v6, v26;
	v26 =	vor.u32 v18, v34;
	v33 =	vld.idx.msk [tilespmem:v33+s13+$0x0], $0xffff;
	[tilespmem:s0+$0xFFFFFF60] =	vst v41  }
0x22d: {  	v39 =	vor.u32 v16, v23;
	v34 =	vmov s10;
	v40 =	vor.u32 v6, v26;
	v41 =	vld.idx.msk [tilespmem:v25+s13+$0x0], $0xffff;
	[tilespmem:s0+$0xFFFFFFF0] =	vst v35  }
0x22e: {  	v23 =	vand.u32 $0x200, v37;
	v26 =	vand.u32 $0x7000, v27;
	v27 =	vor.u32 v6, v39;
	[tilespmem:s0+$0x70] =	vst v31  }
0x22f: {  	v35 =	vadd.s32 v11, v24;
	v25 =	vadd.s32 v15, v24;
	v31 =	vadd.s32 v9, v24;
	[tilespmem:s3+$0xA0] =	vst v32  }
0x230: {  	v37 =	vadd.s32 v9, v21;
	v32 =	vshll.u32 v36, $0x7;
	[tilespmem:s3+$0xFFFFFFA0] =	vst v29;
	v29 =	vadd.s32 v9, v19;
	v30 =	vld.idx.msk [tilespmem:v30+s13+$0x0], $0xffff  }
0x231: {  	v37 =	vor.u32 v20, v37;
	v39 =	vshll.u32 v34, $0x7;
	v38 =	vld.idx.msk [tilespmem:v38+s13+$0x0], $0xffff;
	[tilespmem:s3+$0x20] =	vst v28;
	v28 =	vadd.s32 v9, v22  }
0x232: {  	v37 =	vor.u32 v8, v37;
	v36 =	vshll.u32 v36, $0x9;
	v29 =	vor.u32 v17, v29;
	[tilespmem:s3+$0xFFFFFF20] =	vst v33;
	v42 =	vld.idx.msk [tilespmem:v40+s13+$0x0], $0xffff  }
0x233: {  	v34 =	vshll.u32 v34, $0x9;
	v29 =	vor.u32 v8, v29;
	v43 =	vld.idx.msk [tilespmem:v27+s13+$0x0], $0xffff;
	v27 =	vor.u32 v18, v28;
	[tilespmem:s0+$0xFFFFFF70] =	vst v41;
	s0 =	smov.u32 s3  }
0x234: {  	v31 =	vor.u32 v16, v31;
	v28 =	vadd.s32 v1, v26;
	v41 =	vor.u32 v8, v27  }
0x235: {  	v31 =	vor.u32 v8, v31;
	v33 =	vadd.s32 v13, v19;
	v27 =	vand.u32 $0x280, v32  }
0x236: {  	v45 =	vadd.s32 v11, v22;
	v44 =	vadd.s32 v11, v19;
	v32 =	vor.u32 v16, v35;
	[tilespmem:s3+$0xB0] =	vst v30  }
.Ltmp3:
0x237: {  	v46 =	vor.u32 v23, v28;
	v30 =	vand.u32 $0x7000, v36;
	[tilespmem:s3+$0xFFFFFFB0] =	vst v38;
	v35 =	vld.idx.msk [tilespmem:v37+s13+$0x0], $0xffff;
	v37 =	vadd.s32 v11, v21;
	(pc) =	sbr.rel @p0 .LBB2_9-.Ltmp3, $4  }
0x238: {  	v28 =	vand.u32 $0x300, v39;
	v40 =	vadd.s32 v1, v30;
	v36 =	vld.idx.msk [tilespmem:v29+s13+$0x0], $0xffff;
	[tilespmem:s3+$0x30] =	vst v42;
	v38 =	vor.u32 v20, v37  }
0x239: {  	v29 =	vand.u32 $0x7000, v34;
	v34 =	vor.u32 v17, v44;
	[tilespmem:s3+$0xFFFFFF30] =	vst v43;
	v37 =	vld.idx.msk [tilespmem:v41+s13+$0x0], $0xffff;
	v41 =	vor.u32 v10, v38  }
0x23a: {  	v44 =	vadd.s32 v1, v29;
	v42 =	vor.u32 v10, v34;
	v38 =	vld.idx.msk [tilespmem:v31+s13+$0x0], $0xffff;
	v31 =	vor.u32 v18, v45  }
0x23b: {  	s10 =	sadd.s32 $0x3, s8;
	s8 =	sadd.s32 $0x4, s8;
	v39 =	vor.u32 v10, v32;
	v34 =	vor.u32 v0, v46;
	v43 =	vor.u32 v10, v31  }
0x23c: {  	v32 =	vmov s10  }
0x23d: {  	v40 =	vor.u32 v27, v40;
	v44 =	vor.u32 v28, v44;
	v31 =	vshll.u32 v32, $0x9  }
0x23e: {  	v47 =	vadd.s32 v13, v21;
	v32 =	vshll.u32 v32, $0x7;
	v31 =	vand.u32 $0x7000, v31  }
0x23f: {  	v33 =	vor.u32 v17, v33;
	v32 =	vand.u32 $0x380, v32;
	v45 =	vadd.s32 v1, v31  }
0x240: {  	v50 =	vadd.s32 v3, v30;
	v51 =	vadd.s32 v13, v22;
	v45 =	vor.u32 v32, v45  }
0x241: {  	[tilespmem:s3+$0xC0] =	vst v35;
	v52 =	vadd.s32 v3, v29;
	v24 =	vadd.s32 v13, v24;
	v61 =	vor.u32 v0, v45  }
0x242: {  	v34 =	vld.idx.msk [tilespmem:v34+s13+$0x0], $0xffff;
	v53 =	vadd.s32 v3, v26;
	v56 =	vadd.s32 v5, v30;
	v40 =	vor.u32 v0, v40  }
0x243: {  	v57 =	vadd.s32 v5, v26;
	[tilespmem:s3+$0xFFFFFFC0] =	vst v36;
	v62 =	vld.idx.msk [tilespmem:v41+s13+$0x0], $0xffff;
	v63 =	vor.u32 v0, v44  }
0x244: {  	v58 =	vadd.s32 v5, v29;
	v60 =	vadd.s32 v7, v30;
	v42 =	vld.idx.msk [tilespmem:v42+s13+$0x0], $0xffff;
	[tilespmem:s3+$0x40] =	vst v37  }
0x245: {  	v21 =	vadd.s32 v15, v21;
	v19 =	vadd.s32 v15, v19;
	v48 =	vld.idx.msk [tilespmem:v43+s13+$0x0], $0xffff;
	v49 =	vadd.s32 v3, v31  }
0x246: {  	v22 =	vadd.s32 v15, v22;
	v44 =	vor.u32 v27, v50;
	v43 =	vor.u32 v32, v49;
	v35 =	vld.idx.msk [tilespmem:v61+s13+$0x0], $0xffff  }
0x247: {  	v36 =	vor.u32 v28, v52;
	v33 =	vor.u32 v12, v33;
	v43 =	vor.u32 v2, v43;
	v40 =	vld.idx.msk [tilespmem:v40+s13+$0x0], $0xffff  }
0x248: {  	v54 =	vor.u32 v18, v51;
	v24 =	vor.u32 v16, v24;
	v44 =	vor.u32 v2, v44;
	v41 =	vld.idx.msk [tilespmem:v63+s13+$0x0], $0xffff  }
0x249: {  	v52 =	vadd.s32 v11, v30;
	v36 =	vor.u32 v2, v36;
	[tilespmem:s3+$0xFFFFFFD0] =	vst v42;
	v42 =	vor.u32 v23, v53  }
0x24a: {  	s8 =	sadd.s32 $0x200, s3;
	v17 =	vor.u32 v17, v19;
	v19 =	vadd.s32 v11, v26;
	v42 =	vor.u32 v2, v42  }
0x24b: {  	v18 =	vor.u32 v18, v22;
	v16 =	vor.u32 v16, v25;
	v55 =	vadd.s32 v5, v31;
	[tilespmem:s8+$0x80] =	vst v35  }
0x24c: {  	v37 =	vor.u32 v20, v47;
	[tilespmem:s8+$0xFFFFFF80] =	vst v40;
	v40 =	vor.u32 v32, v55;
	v43 =	vld.idx.msk [tilespmem:v43+s13+$0x0], $0xffff  }
0x24d: {  	v45 =	vor.u32 v27, v56;
	[tilespmem:s8+$0x0] =	vst v41;
	v44 =	vld.idx.msk [tilespmem:v44+s13+$0x0], $0xffff;
	v40 =	vor.u32 v4, v40  }
0x24e: {  	[tilespmem:s8+$0xFFFFFF00] =	vst v34;
	v34 =	vor.u32 v28, v58;
	v45 =	vor.u32 v4, v45;
	v36 =	vld.idx.msk [tilespmem:v36+s13+$0x0], $0xffff  }
0x24f: {  	[tilespmem:s3+$0xFFFFFF40] =	vst v38;
	v34 =	vor.u32 v4, v34;
	v41 =	vor.u32 v23, v57;
	v42 =	vld.idx.msk [tilespmem:v42+s13+$0x0], $0xffff  }
0x250: {  	v24 =	vor.u32 v12, v24;
	v39 =	vld.idx.msk [tilespmem:v39+s13+$0x0], $0xffff;
	[tilespmem:s3+$0xD0] =	vst v62;
	v41 =	vor.u32 v4, v41  }
0x251: {  	v20 =	vor.u32 v20, v21;
	v59 =	vadd.s32 v7, v31;
	v62 =	vadd.s32 v7, v29;
	[tilespmem:s8+$0x90] =	vst v43  }
0x252: {  	v63 =	vadd.s32 v7, v26;
	[tilespmem:s8+$0xFFFFFF90] =	vst v44;
	v43 =	vor.u32 v32, v59;
	v40 =	vld.idx.msk [tilespmem:v40+s13+$0x0], $0xffff  }
0x253: {  	v44 =	vor.u32 v27, v60;
	[tilespmem:s8+$0x10] =	vst v36;
	v61 =	vld.idx.msk [tilespmem:v45+s13+$0x0], $0xffff;
	v43 =	vor.u32 v6, v43  }
0x254: {  	v36 =	vor.u32 v28, v62;
	v44 =	vor.u32 v6, v44;
	v34 =	vld.idx.msk [tilespmem:v34+s13+$0x0], $0xffff;
	[tilespmem:s8+$0xFFFFFF10] =	vst v42  }
0x255: {  	[tilespmem:s3+$0xFFFFFF50] =	vst v39;
	v39 =	vor.u32 v23, v63;
	v36 =	vor.u32 v6, v36;
	v41 =	vld.idx.msk [tilespmem:v41+s13+$0x0], $0xffff  }
0x256: {  	v21 =	vadd.s32 v9, v30;
	v17 =	vor.u32 v14, v17;
	[tilespmem:s3+$0x50] =	vst v48;
	v39 =	vor.u32 v6, v39  }
0x257: {  	v37 =	vor.u32 v12, v37;
	v46 =	vadd.s32 v9, v31;
	v21 =	vor.u32 v27, v21;
	[tilespmem:s8+$0xA0] =	vst v40  }
0x258: {  	v21 =	vor.u32 v8, v21;
	[tilespmem:s8+$0xFFFFFFA0] =	vst v61;
	v40 =	vor.u32 v32, v46;
	v45 =	vld.idx.msk [tilespmem:v43+s13+$0x0], $0xffff  }
0x259: {  	v48 =	vadd.s32 v9, v29;
	[tilespmem:s8+$0x20] =	vst v34;
	v47 =	vld.idx.msk [tilespmem:v44+s13+$0x0], $0xffff;
	v40 =	vor.u32 v8, v40  }
0x25a: {  	v49 =	vadd.s32 v9, v26;
	v34 =	vor.u32 v28, v48;
	v36 =	vld.idx.msk [tilespmem:v36+s13+$0x0], $0xffff;
	[tilespmem:s8+$0xFFFFFF20] =	vst v41  }
0x25b: {  	v19 =	vor.u32 v23, v19;
	v51 =	vor.u32 v23, v49;
	v34 =	vor.u32 v8, v34;
	v50 =	vld.idx.msk [tilespmem:v39+s13+$0x0], $0xffff  }
0x25c: {  	v18 =	vor.u32 v14, v18;
	v53 =	vadd.s32 v11, v31;
	v37 =	vld.idx.msk [tilespmem:v37+s13+$0x0], $0xffff;
	v39 =	vor.u32 v8, v51  }
0x25d: {  	v20 =	vor.u32 v14, v20;
	v33 =	vld.idx.msk [tilespmem:v33+s13+$0x0], $0xffff;
	v38 =	vor.u32 v32, v53;
	[tilespmem:s8+$0xB0] =	vst v45  }
0x25e: {  	v38 =	vor.u32 v10, v38;
	v55 =	vor.u32 v27, v52;
	[tilespmem:s8+$0xFFFFFFB0] =	vst v47;
	v40 =	vld.idx.msk [tilespmem:v40+s13+$0x0], $0xffff  }
0x25f: {  	v35 =	vor.u32 v12, v54;
	v54 =	vadd.s32 v11, v29;
	[tilespmem:s8+$0x30] =	vst v36;
	v21 =	vld.idx.msk [tilespmem:v21+s13+$0x0], $0xffff  }
0x260: {  	v57 =	vor.u32 v10, v55;
	v58 =	vor.u32 v28, v54;
	v56 =	vld.idx.msk [tilespmem:v34+s13+$0x0], $0xffff;
	[tilespmem:s8+$0xFFFFFF30] =	vst v50  }
0x261: {  	v22 =	vadd.s32 v13, v31;
	[tilespmem:s0+$0xE0] =	vst v37;
	v36 =	vor.u32 v10, v58;
	v59 =	vld.idx.msk [tilespmem:v39+s13+$0x0], $0xffff  }
0x262: {  	v19 =	vor.u32 v10, v19;
	v22 =	vor.u32 v32, v22;
	[tilespmem:s0+$0xFFFFFFE0] =	vst v33;
	v20 =	vld.idx.msk [tilespmem:v20+s13+$0x0], $0xffff  }
0x263: {  	v25 =	vadd.s32 v15, v31;
	v22 =	vor.u32 v12, v22;
	v24 =	vld.idx.msk [tilespmem:v24+s13+$0x0], $0xffff;
	[tilespmem:s8+$0xC0] =	vst v40  }
0x264: {  	v63 =	vadd.s32 v13, v26;
	v60 =	vadd.s32 v13, v30;
	[tilespmem:s8+$0xFFFFFFC0] =	vst v21;
	v21 =	vld.idx.msk [tilespmem:v38+s13+$0x0], $0xffff  }
0x265: {  	v62 =	vadd.s32 v13, v29;
	v61 =	vor.u32 v27, v60;
	[tilespmem:s8+$0x40] =	vst v56;
	v34 =	vld.idx.msk [tilespmem:v57+s13+$0x0], $0xffff  }
0x266: {  	v37 =	vor.u32 v28, v62;
	v33 =	vld.idx.msk [tilespmem:v36+s13+$0x0], $0xffff;
	[tilespmem:s8+$0xFFFFFF40] =	vst v59;
	v36 =	vor.u32 v12, v61  }
0x267: {  	[tilespmem:s0+$0xF0] =	vst v20;
	v20 =	vor.u32 v23, v63;
	v19 =	vld.idx.msk [tilespmem:v19+s13+$0x0], $0xffff;
	v38 =	vor.u32 v12, v37  }
0x268: {  	v25 =	vor.u32 v32, v25;
	v17 =	vld.idx.msk [tilespmem:v17+s13+$0x0], $0xffff;
	[tilespmem:s0+$0xFFFFFF60] =	vst v24;
	v20 =	vor.u32 v12, v20  }
0x269: {  	v16 =	vor.u32 v14, v16;
	v25 =	vor.u32 v14, v25;
	v35 =	vld.idx.msk [tilespmem:v35+s13+$0x0], $0xffff;
	[tilespmem:s8+$0xD0] =	vst v21  }
0x26a: {  	[tilespmem:s8+$0xFFFFFFD0] =	vst v34;
	v21 =	vadd.s32 v15, v26;
	v26 =	vadd.s32 v15, v30;
	v22 =	vld.idx.msk [tilespmem:v22+s13+$0x0], $0xffff  }
0x26b: {  	v29 =	vadd.s32 v15, v29;
	[tilespmem:s8+$0x50] =	vst v33;
	v30 =	vld.idx.msk [tilespmem:v36+s13+$0x0], $0xffff;
	v26 =	vor.u32 v27, v26  }
0x26c: {  	[tilespmem:s8+$0xFFFFFF50] =	vst v19;
	v19 =	vld.idx.msk [tilespmem:v38+s13+$0x0], $0xffff;
	v27 =	vor.u32 v28, v29;
	v26 =	vor.u32 v14, v26  }
0x26d: {  	[tilespmem:s0+$0xFFFFFFF0] =	vst v17;
	v20 =	vld.idx.msk [tilespmem:v20+s13+$0x0], $0xffff;
	v21 =	vor.u32 v23, v21;
	v24 =	vor.u32 v14, v27  }
0x26e: {  	v16 =	vld.idx.msk [tilespmem:v16+s13+$0x0], $0xffff;
	[tilespmem:s0+$0x60] =	vst v35;
	v17 =	vor.u32 v14, v21  }
0x26f: {  	v18 =	vld.idx.msk [tilespmem:v18+s13+$0x0], $0xffff;
	[tilespmem:s8+$0xE0] =	vst v22  }
0x270: {  	[tilespmem:s8+$0xFFFFFFE0] =	vst v30;
	v21 =	vld.idx.msk [tilespmem:v25+s13+$0x0], $0xffff  }
0x271: {  	[tilespmem:s8+$0x60] =	vst v19;
	v22 =	vld.idx.msk [tilespmem:v26+s13+$0x0], $0xffff  }
0x272: {  	[tilespmem:s8+$0xFFFFFF60] =	vst v20;
	v19 =	vld.idx.msk [tilespmem:v24+s13+$0x0], $0xffff  }
0x273: {  	[tilespmem:s0+$0xFFFFFF70] =	vst v16;
	v17 =	vld.idx.msk [tilespmem:v17+s13+$0x0], $0xffff  }
0x274: {  	[tilespmem:s0+$0x70] =	vst v18  }
0x275: {  	s10 =	sshll.u32 s29, $0x15;
	s29 =	sshll.u32 s31, $0x7;
	[tilespmem:s8+$0xF0] =	vst v21  }
0x276: {  	s0 =	sadd.s32 s10, s29;
	[tilespmem:s8+$0xFFFFFFF0] =	vst v22  }
0x277: {  	s0 =	sshrl.u32 s0, $0x3;
	[tilespmem:s8+$0x70] =	vst v19  }
0x278: {  	p0 =	seq.s32 s24, $0x3;
	s0 =	sadd.s32 s4, s0;
	[tilespmem:s8+$0xFFFFFF70] =	vst v17  }
0x279: {  	[hbm4b:s0+s6] =	stream.linear.scatter [tilespmem:s19], [sflag:$0x5], $0x2000, $0x38;
	[tilespmem:$0x1C080] =	vst v63  }
0x27a: {  	s31 =	simm.s32 $0x0;
	s10 =	simm.s32 $0x1;
	s0 =	sadd.s32 @!p0 $0x6, s25  }
0x27b: {  	v16 =	vmov s31;
	s31 =	simm.s32 $0x2;
	v18 =	vmov s10;
	s8 =	sshrl.u32 @!p0 s0, $0x3;
	s0 =	sshll.u32 @!p0 s0, $0xF  }
0x27c: {  	v17 =	vshll.u32 v16, $0x7;
	v16 =	vshll.u32 v16, $0x9;
	v19 =	vmov s31;
	s29 =	sshll.u32 @!p0 s8, $0x12;
	s0 =	sadd.s32 @!p0 s11, s0  }
0x27d: {  	s31 =	simm.s32 $0x3;
	v24 =	vand.u32 $0x7000, v16;
	v16 =	vand.u32 $0x200, v17;
	v17 =	vshll.u32 v18, $0x7;
	s3 =	sshll.u32 @!p0 s8, $0x17;
	s0 =	ssub.s32 @!p0 s0, s29  }
0x27e: {  	v22 =	vshll.u32 v19, $0x7;
	v18 =	vshll.u32 v18, $0x9;
	v20 =	vmov s31;
	s0 =	sadd.s32 @!p0 s3, s0  }
0x27f: {  	v23 =	vshll.u32 v19, $0x9;
	v17 =	vand.u32 $0x280, v17;
	v21 =	vshll.u32 v20, $0x9;
	s0 =	sshrl.u32 @!p0 s0, $0x3  }
0x280: {  	v19 =	vand.u32 $0x7000, v18;
	v18 =	vshll.u32 v20, $0x7;
	s8 =	simm.s32 @!p0 $0x80;
	v21 =	vand.u32 $0x7000, v21;
	s3 =	simm.s32 @!p0 $0x0;
	s0 =	sadd.s32 @!p0 s1, s0  }
0x281: {  	v25 =	vadd.s32 v1, v19;
	v20 =	vand.u32 $0x380, v18;
	v26 =	vadd.s32 v1, v21;
	[tilespmem:s8], [sflag:$0x1] =	stream.linear.gather @!p0 [hbm4b:s0+s3], $0x8000, $0x38;
	[tilespmem:$0x1C080] =	vst v63  }
0x282: {  	v18 =	vand.u32 $0x300, v22;
	v22 =	vand.u32 $0x7000, v23;
	v23 =	vor.u32 v20, v26;
	_ =	swait.ge [sflag:s18], $0x8000  }
0x283: {  	v25 =	vor.u32 v17, v25;
	v26 =	vadd.s32 v1, v22;
	v23 =	vor.u32 v0, v23;
	[sflag:s18] =	ssyncset.done $0x0  }
0x284: {  	v27 =	vadd.s32 v1, v24;
	v25 =	vor.u32 v0, v25;
	v26 =	vor.u32 v18, v26;
	[sflag:s18] =	ssyncadd.s32 $0xFFFF8000  }
0x285: {  	v27 =	vor.u32 v16, v27;
	v26 =	vor.u32 v0, v26;
	_ =	swait.ge [sflag:s21], $0x2000  }
0x286: {  	v27 =	vor.u32 v0, v27;
	[sflag:s21] =	ssyncset.done $0x0  }
0x287: {  	[sflag:s21] =	ssyncadd.s32 $0xFFFFE000  }
0x288: {  	v28 =	vadd.s32 v3, v21;
	v23 =	vld.idx.msk [tilespmem:v23+s14+$0x0], $0xffff  }
0x289: {  	v28 =	vor.u32 v20, v28;
	v25 =	vld.idx.msk [tilespmem:v25+s14+$0x0], $0xffff  }
0x28a: {  	v31 =	vadd.s32 v3, v24;
	v29 =	vadd.s32 v3, v19;
	v28 =	vor.u32 v2, v28;
	v26 =	vld.idx.msk [tilespmem:v26+s14+$0x0], $0xffff  }
0x28b: {  	v40 =	vadd.s32 v7, v24;
	v29 =	vor.u32 v17, v29;
	v30 =	vadd.s32 v3, v22;
	v27 =	vld.idx.msk [tilespmem:v27+s14+$0x0], $0xffff  }
0x28c: {  	v49 =	vadd.s32 v9, v24;
	v29 =	vor.u32 v2, v29;
	v30 =	vor.u32 v18, v30;
	s3 =	simm.s32 $0x18180  }
0x28d: {  	v50 =	vadd.s32 v11, v24;
	v31 =	vor.u32 v16, v31;
	v30 =	vor.u32 v2, v30;
	[tilespmem:s3+$0x80] =	vst v23  }
0x28e: {  	v39 =	vadd.s32 v5, v19;
	v42 =	vadd.s32 v7, v19;
	v31 =	vor.u32 v2, v31;
	[tilespmem:s3+$0xFFFFFF80] =	vst v25  }
0x28f: {  	v32 =	vor.u32 v16, v40;
	[tilespmem:s3+$0x0] =	vst v26;
	v25 =	vld.idx.msk [tilespmem:v28+s14+$0x0], $0xffff;
	v28 =	vadd.s32 v5, v21  }
0x290: {  	v51 =	vadd.s32 v9, v19;
	v58 =	vor.u32 v16, v49;
	[tilespmem:s3+$0xFFFFFF00] =	vst v27;
	v26 =	vor.u32 v20, v28  }
0x291: {  	v27 =	vor.u32 v17, v39;
	v29 =	vld.idx.msk [tilespmem:v29+s14+$0x0], $0xffff;
	v28 =	vadd.s32 v5, v22;
	v26 =	vor.u32 v4, v26  }
0x292: {  	v23 =	vadd.s32 v5, v24;
	v30 =	vld.idx.msk [tilespmem:v30+s14+$0x0], $0xffff;
	v27 =	vor.u32 v4, v27;
	v28 =	vor.u32 v18, v28  }
0x293: {  	v61 =	vadd.s32 v11, v19;
	v23 =	vor.u32 v16, v23;
	v31 =	vld.idx.msk [tilespmem:v31+s14+$0x0], $0xffff;
	v28 =	vor.u32 v4, v28  }
0x294: {  	v43 =	vadd.s32 v7, v21;
	v44 =	vadd.s32 v7, v22;
	v23 =	vor.u32 v4, v23  }
0x295: {  	v45 =	vor.u32 v17, v42;
	v32 =	vor.u32 v6, v32;
	v52 =	vadd.s32 v9, v21;
	[tilespmem:s3+$0x90] =	vst v25  }
0x296: {  	v60 =	vor.u32 v8, v58;
	v35 =	vor.u32 v20, v43;
	[tilespmem:s3+$0xFFFFFF90] =	vst v29;
	v29 =	vld.idx.msk [tilespmem:v26+s14+$0x0], $0xffff  }
0x297: {  	s10 =	simm.s32 $0x4;
	v33 =	vor.u32 v6, v45;
	v46 =	vor.u32 v6, v35;
	[tilespmem:s3+$0x10] =	vst v30;
	v27 =	vld.idx.msk [tilespmem:v27+s14+$0x0], $0xffff  }
0x298: {  	v41 =	vmov s10;
	v47 =	vor.u32 v18, v44;
	v40 =	vor.u32 v20, v52;
	[tilespmem:s3+$0xFFFFFF10] =	vst v31;
	v28 =	vld.idx.msk [tilespmem:v28+s14+$0x0], $0xffff  }
0x299: {  	s31 =	simm.s32 $0x6;
	s29 =	simm.s32 $0x5;
	v35 =	vor.u32 v6, v47;
	v55 =	vor.u32 v8, v40;
	v47 =	vadd.s32 v11, v22;
	v48 =	vld.idx.msk [tilespmem:v23+s14+$0x0], $0xffff  }
0x29a: {  	v25 =	vshll.u32 v41, $0x7;
	v30 =	vmov s29;
	v31 =	vmov s31  }
0x29b: {  	v23 =	vand.u32 $0x200, v25;
	v25 =	vadd.s32 v15, v24;
	v53 =	vshll.u32 v31, $0x7;
	[tilespmem:s3+$0xA0] =	vst v29  }
0x29c: {  	v31 =	vshll.u32 v31, $0x9;
	v26 =	vshll.u32 v41, $0x9;
	[tilespmem:s3+$0xFFFFFFA0] =	vst v27;
	v27 =	vadd.s32 v9, v22;
	v34 =	vld.idx.msk [tilespmem:v46+s14+$0x0], $0xffff  }
0x29d: {  	v29 =	vshll.u32 v30, $0x7;
	v54 =	vld.idx.msk [tilespmem:v33+s14+$0x0], $0xffff;
	[tilespmem:s3+$0x20] =	vst v28;
	v28 =	vshll.u32 v30, $0x9;
	v30 =	vor.u32 v17, v51  }
0x29e: {  	v26 =	vand.u32 $0x7000, v26;
	[tilespmem:s3+$0xFFFFFF20] =	vst v48;
	v27 =	vor.u32 v18, v27;
	v56 =	vld.idx.msk [tilespmem:v35+s14+$0x0], $0xffff;
	v57 =	vor.u32 v8, v30  }
0x29f: {  	v32 =	vld.idx.msk [tilespmem:v32+s14+$0x0], $0xffff;
	v33 =	vadd.s32 v13, v19;
	v59 =	vor.u32 v8, v27;
	v27 =	vand.u32 $0x280, v29  }
0x2a0: {  	v46 =	vor.u32 v16, v50;
	v29 =	vadd.s32 v11, v21;
	v30 =	vadd.s32 v1, v26  }
0x2a1: {  	v63 =	vor.u32 v20, v29;
	v29 =	vand.u32 $0x7000, v31;
	v31 =	vor.u32 v17, v61;
	[tilespmem:s3+$0xB0] =	vst v34  }
0x2a2: {  	v39 =	vor.u32 v10, v46;
	v62 =	vor.u32 v23, v30;
	[tilespmem:s3+$0xFFFFFFB0] =	vst v54;
	v35 =	vld.idx.msk [tilespmem:v55+s14+$0x0], $0xffff  }
0x2a3: {  	v30 =	vand.u32 $0x7000, v28;
	v41 =	vor.u32 v10, v63;
	v44 =	vadd.s32 v1, v29;
	[tilespmem:s3+$0x30] =	vst v56;
	v36 =	vld.idx.msk [tilespmem:v57+s14+$0x0], $0xffff  }
0x2a4: {  	v28 =	vand.u32 $0x300, v53;
	v42 =	vor.u32 v10, v31;
	v31 =	vor.u32 v18, v47;
	[tilespmem:s3+$0xFFFFFF30] =	vst v32;
	v37 =	vld.idx.msk [tilespmem:v59+s14+$0x0], $0xffff  }
0x2a5: {  	s10 =	simm.s32 $0x7;
	s8 =	simm.s32 $0x8;
	s0 =	simm.s32 $0x18180;
	v40 =	vadd.s32 v1, v30;
	v43 =	vor.u32 v10, v31;
	v38 =	vld.idx.msk [tilespmem:v60+s14+$0x0], $0xffff;
	v34 =	vor.u32 v0, v62  }
.LBB2_11:
0x2a6: {  	p1 =	slt.u32 s8, $0x3C;
	v31 =	vor.u32 v27, v40;
	v32 =	vor.u32 v28, v44;
	v40 =	vmov s10  }
0x2a7: {  	v31 =	vor.u32 v0, v31;
	v32 =	vor.u32 v0, v32;
	v44 =	vshll.u32 v40, $0x9;
	[tilespmem:s3+$0xC0] =	vst v35  }
0x2a8: {  	v40 =	vshll.u32 v40, $0x7;
	v35 =	vand.u32 $0x7000, v44;
	[tilespmem:s3+$0xFFFFFFC0] =	vst v36;
	v36 =	vld.idx.msk [tilespmem:v41+s14+$0x0], $0xffff;
	v41 =	vadd.s32 v13, v21  }
0x2a9: {  	v40 =	vand.u32 $0x380, v40;
	v44 =	vadd.s32 v1, v35;
	v42 =	vld.idx.msk [tilespmem:v42+s14+$0x0], $0xffff;
	[tilespmem:s3+$0x40] =	vst v37;
	v37 =	vor.u32 v20, v41  }
0x2aa: {  	v41 =	vor.u32 v40, v44;
	[tilespmem:s3+$0xFFFFFF40] =	vst v38;
	v38 =	vld.idx.msk [tilespmem:v43+s14+$0x0], $0xffff;
	v37 =	vor.u32 v12, v37  }
0x2ab: {  	v33 =	vor.u32 v17, v33;
	v43 =	vadd.s32 v13, v22;
	v41 =	vor.u32 v0, v41;
	v39 =	vld.idx.msk [tilespmem:v39+s14+$0x0], $0xffff  }
0x2ac: {  	v48 =	vadd.s32 v13, v24;
	v33 =	vor.u32 v12, v33;
	v43 =	vor.u32 v18, v43;
	v34 =	vld.idx.msk [tilespmem:v34+s14+$0x0], $0xffff  }
0x2ad: {  	v47 =	vor.u32 v16, v48;
	v44 =	vadd.s32 v5, v26;
	v43 =	vor.u32 v12, v43;
	v31 =	vld.idx.msk [tilespmem:v31+s14+$0x0], $0xffff  }
0x2ae: {  	v45 =	vadd.s32 v3, v26;
	v24 =	vmov v26;
	v46 =	vor.u32 v12, v47;
	v32 =	vld.idx.msk [tilespmem:v32+s14+$0x0], $0xffff;
	[tilespmem:s3+$0xD0] =	vst v36  }
0x2af: {  	v26 =	vadd.s32 v3, v30;
	[tilespmem:s3+$0xFFFFFFD0] =	vst v42;
	v36 =	vld.idx.msk [tilespmem:v37+s14+$0x0], $0xffff;
	v37 =	vadd.s32 v15, v21;
	v21 =	vmov v35  }
0x2b0: {  	v35 =	vld.idx.msk [tilespmem:v41+s14+$0x0], $0xffff;
	v41 =	vadd.s32 v3, v21;
	[tilespmem:s3+$0x50] =	vst v38;
	v37 =	vor.u32 v20, v37;
	v20 =	vmov v40  }
0x2b1: {  	v38 =	vor.u32 v20, v41;
	[tilespmem:s3+$0xFFFFFF50] =	vst v39;
	v33 =	vld.idx.msk [tilespmem:v33+s14+$0x0], $0xffff;
	v37 =	vor.u32 v14, v37  }
0x2b2: {  	v26 =	vor.u32 v27, v26;
	v39 =	vadd.s32 v3, v29;
	v38 =	vor.u32 v2, v38;
	v40 =	vld.idx.msk [tilespmem:v43+s14+$0x0], $0xffff  }
0x2b3: {  	v26 =	vor.u32 v2, v26;
	v42 =	vadd.s32 v15, v19;
	v39 =	vor.u32 v28, v39;
	v41 =	vld.idx.msk [tilespmem:v46+s14+$0x0], $0xffff  }
0x2b4: {  	v22 =	vadd.s32 v15, v22;
	v19 =	vmovc v30;
	v43 =	vor.u32 v23, v45;
	v39 =	vor.u32 v2, v39  }
0x2b5: {  	v42 =	vor.u32 v17, v42;
	s3 =	sadd.s32 $0x200, s3;
	v30 =	vor.u32 v2, v43;
	v43 =	vadd.s32 v5, v19;
	[tilespmem:s0+$0xE0] =	vst v36  }
0x2b6: {  	v17 =	vmov v27;
	[tilespmem:s3+$0x80] =	vst v35;
	v35 =	vor.u32 v14, v42;
	v42 =	vor.u32 v18, v22;
	v36 =	vld.idx.msk [tilespmem:v37+s14+$0x0], $0xffff  }
0x2b7: {  	v37 =	vadd.s32 v5, v21;
	v18 =	vmov v28;
	[tilespmem:s3+$0xFFFFFF80] =	vst v31;
	v27 =	vld.idx.msk [tilespmem:v38+s14+$0x0], $0xffff;
	v31 =	vor.u32 v14, v42  }
0x2b8: {  	v28 =	vadd.s32 v5, v29;
	v22 =	vmov v29;
	v26 =	vld.idx.msk [tilespmem:v26+s14+$0x0], $0xffff;
	[tilespmem:s3+$0x0] =	vst v32;
	v32 =	vor.u32 v20, v37  }
0x2b9: {  	v29 =	vor.u32 v17, v43;
	[tilespmem:s3+$0xFFFFFF00] =	vst v34;
	v34 =	vld.idx.msk [tilespmem:v39+s14+$0x0], $0xffff;
	v32 =	vor.u32 v4, v32  }
0x2ba: {  	v29 =	vor.u32 v4, v29;
	v28 =	vor.u32 v18, v28;
	v30 =	vld.idx.msk [tilespmem:v30+s14+$0x0], $0xffff;
	[tilespmem:s0+$0xFFFFFFE0] =	vst v33  }
0x2bb: {  	v28 =	vor.u32 v4, v28;
	v33 =	vor.u32 v23, v44;
	v35 =	vld.idx.msk [tilespmem:v35+s14+$0x0], $0xffff;
	[tilespmem:s0+$0x60] =	vst v40  }
0x2bc: {  	v25 =	vor.u32 v16, v25;
	v16 =	vmov v23;
	v33 =	vor.u32 v4, v33;
	v31 =	vld.idx.msk [tilespmem:v31+s14+$0x0], $0xffff;
	[tilespmem:s0+$0xF0] =	vst v36  }
0x2bd: {  	v25 =	vor.u32 v14, v25;
	v23 =	vadd.s32 v7, v24;
	[tilespmem:s3+$0x90] =	vst v27  }
0x2be: {  	v36 =	vadd.s32 v7, v21;
	v27 =	vmov s8;
	[tilespmem:s3+$0xFFFFFF90] =	vst v26;
	v26 =	vadd.s32 v7, v19;
	v32 =	vld.idx.msk [tilespmem:v32+s14+$0x0], $0xffff  }
0x2bf: {  	v36 =	vor.u32 v20, v36;
	v37 =	vshll.u32 v27, $0x7;
	v29 =	vld.idx.msk [tilespmem:v29+s14+$0x0], $0xffff;
	[tilespmem:s3+$0x10] =	vst v34;
	v34 =	vadd.s32 v7, v22  }
0x2c0: {  	s10 =	sadd.s32 $0x1, s8;
	v27 =	vshll.u32 v27, $0x9;
	v26 =	vor.u32 v17, v26;
	[tilespmem:s3+$0xFFFFFF10] =	vst v30;
	v28 =	vld.idx.msk [tilespmem:v28+s14+$0x0], $0xffff;
	v30 =	vor.u32 v6, v36  }
0x2c1: {  	v36 =	vmov s10;
	s10 =	sadd.s32 $0x2, s8;
	v38 =	vor.u32 v6, v26;
	v26 =	vor.u32 v18, v34;
	v33 =	vld.idx.msk [tilespmem:v33+s14+$0x0], $0xffff;
	[tilespmem:s0+$0xFFFFFF60] =	vst v41  }
0x2c2: {  	v39 =	vor.u32 v16, v23;
	v34 =	vmov s10;
	v40 =	vor.u32 v6, v26;
	v41 =	vld.idx.msk [tilespmem:v25+s14+$0x0], $0xffff;
	[tilespmem:s0+$0xFFFFFFF0] =	vst v35  }
0x2c3: {  	v23 =	vand.u32 $0x200, v37;
	v26 =	vand.u32 $0x7000, v27;
	v27 =	vor.u32 v6, v39;
	[tilespmem:s0+$0x70] =	vst v31  }
0x2c4: {  	v35 =	vadd.s32 v11, v24;
	v25 =	vadd.s32 v15, v24;
	v31 =	vadd.s32 v9, v24;
	[tilespmem:s3+$0xA0] =	vst v32  }
0x2c5: {  	v37 =	vadd.s32 v9, v21;
	v32 =	vshll.u32 v36, $0x7;
	[tilespmem:s3+$0xFFFFFFA0] =	vst v29;
	v29 =	vadd.s32 v9, v19;
	v30 =	vld.idx.msk [tilespmem:v30+s14+$0x0], $0xffff  }
0x2c6: {  	v37 =	vor.u32 v20, v37;
	v39 =	vshll.u32 v34, $0x7;
	v38 =	vld.idx.msk [tilespmem:v38+s14+$0x0], $0xffff;
	[tilespmem:s3+$0x20] =	vst v28;
	v28 =	vadd.s32 v9, v22  }
0x2c7: {  	v37 =	vor.u32 v8, v37;
	v36 =	vshll.u32 v36, $0x9;
	v29 =	vor.u32 v17, v29;
	[tilespmem:s3+$0xFFFFFF20] =	vst v33;
	v42 =	vld.idx.msk [tilespmem:v40+s14+$0x0], $0xffff  }
0x2c8: {  	v34 =	vshll.u32 v34, $0x9;
	v29 =	vor.u32 v8, v29;
	v43 =	vld.idx.msk [tilespmem:v27+s14+$0x0], $0xffff;
	v27 =	vor.u32 v18, v28;
	[tilespmem:s0+$0xFFFFFF70] =	vst v41;
	s0 =	smov.u32 s3  }
0x2c9: {  	v31 =	vor.u32 v16, v31;
	v28 =	vadd.s32 v1, v26;
	v41 =	vor.u32 v8, v27  }
0x2ca: {  	v31 =	vor.u32 v8, v31;
	v33 =	vadd.s32 v13, v19;
	v27 =	vand.u32 $0x280, v32  }
0x2cb: {  	v45 =	vadd.s32 v11, v22;
	v44 =	vadd.s32 v11, v19;
	v32 =	vor.u32 v16, v35;
	[tilespmem:s3+$0xB0] =	vst v30  }
.Ltmp4:
0x2cc: {  	v46 =	vor.u32 v23, v28;
	v30 =	vand.u32 $0x7000, v36;
	[tilespmem:s3+$0xFFFFFFB0] =	vst v38;
	v35 =	vld.idx.msk [tilespmem:v37+s14+$0x0], $0xffff;
	v37 =	vadd.s32 v11, v21;
	(pc) =	sbr.rel @p1 .LBB2_11-.Ltmp4, $4  }
0x2cd: {  	v28 =	vand.u32 $0x300, v39;
	v40 =	vadd.s32 v1, v30;
	v36 =	vld.idx.msk [tilespmem:v29+s14+$0x0], $0xffff;
	[tilespmem:s3+$0x30] =	vst v42;
	v38 =	vor.u32 v20, v37  }
0x2ce: {  	v29 =	vand.u32 $0x7000, v34;
	v34 =	vor.u32 v17, v44;
	[tilespmem:s3+$0xFFFFFF30] =	vst v43;
	v37 =	vld.idx.msk [tilespmem:v41+s14+$0x0], $0xffff;
	v41 =	vor.u32 v10, v38  }
0x2cf: {  	v44 =	vadd.s32 v1, v29;
	v42 =	vor.u32 v10, v34;
	v38 =	vld.idx.msk [tilespmem:v31+s14+$0x0], $0xffff;
	v31 =	vor.u32 v18, v45  }
0x2d0: {  	s10 =	sadd.s32 $0x3, s8;
	s8 =	sadd.s32 $0x4, s8;
	v39 =	vor.u32 v10, v32;
	v34 =	vor.u32 v0, v46;
	v43 =	vor.u32 v10, v31  }
0x2d1: {  	v32 =	vmov s10  }
0x2d2: {  	v40 =	vor.u32 v27, v40;
	v44 =	vor.u32 v28, v44;
	v31 =	vshll.u32 v32, $0x9  }
0x2d3: {  	v47 =	vadd.s32 v13, v21;
	v32 =	vshll.u32 v32, $0x7;
	v31 =	vand.u32 $0x7000, v31  }
0x2d4: {  	v33 =	vor.u32 v17, v33;
	v32 =	vand.u32 $0x380, v32;
	v45 =	vadd.s32 v1, v31  }
0x2d5: {  	v50 =	vadd.s32 v3, v30;
	v51 =	vadd.s32 v13, v22;
	v45 =	vor.u32 v32, v45  }
0x2d6: {  	[tilespmem:s3+$0xC0] =	vst v35;
	v52 =	vadd.s32 v3, v29;
	v24 =	vadd.s32 v13, v24;
	v61 =	vor.u32 v0, v45  }
0x2d7: {  	v34 =	vld.idx.msk [tilespmem:v34+s14+$0x0], $0xffff;
	v53 =	vadd.s32 v3, v26;
	v56 =	vadd.s32 v5, v30;
	v40 =	vor.u32 v0, v40  }
0x2d8: {  	v57 =	vadd.s32 v5, v26;
	[tilespmem:s3+$0xFFFFFFC0] =	vst v36;
	v62 =	vld.idx.msk [tilespmem:v41+s14+$0x0], $0xffff;
	v63 =	vor.u32 v0, v44  }
0x2d9: {  	v58 =	vadd.s32 v5, v29;
	v60 =	vadd.s32 v7, v30;
	v42 =	vld.idx.msk [tilespmem:v42+s14+$0x0], $0xffff;
	[tilespmem:s3+$0x40] =	vst v37  }
0x2da: {  	v21 =	vadd.s32 v15, v21;
	v19 =	vadd.s32 v15, v19;
	v48 =	vld.idx.msk [tilespmem:v43+s14+$0x0], $0xffff;
	v49 =	vadd.s32 v3, v31  }
0x2db: {  	v22 =	vadd.s32 v15, v22;
	v44 =	vor.u32 v27, v50;
	v43 =	vor.u32 v32, v49;
	v35 =	vld.idx.msk [tilespmem:v61+s14+$0x0], $0xffff  }
0x2dc: {  	v36 =	vor.u32 v28, v52;
	v33 =	vor.u32 v12, v33;
	v43 =	vor.u32 v2, v43;
	v40 =	vld.idx.msk [tilespmem:v40+s14+$0x0], $0xffff  }
0x2dd: {  	v54 =	vor.u32 v18, v51;
	v24 =	vor.u32 v16, v24;
	v44 =	vor.u32 v2, v44;
	v41 =	vld.idx.msk [tilespmem:v63+s14+$0x0], $0xffff  }
0x2de: {  	v52 =	vadd.s32 v11, v30;
	v36 =	vor.u32 v2, v36;
	[tilespmem:s3+$0xFFFFFFD0] =	vst v42;
	v42 =	vor.u32 v23, v53  }
0x2df: {  	s8 =	sadd.s32 $0x200, s3;
	v17 =	vor.u32 v17, v19;
	v19 =	vadd.s32 v11, v26;
	v42 =	vor.u32 v2, v42  }
0x2e0: {  	v18 =	vor.u32 v18, v22;
	v16 =	vor.u32 v16, v25;
	v55 =	vadd.s32 v5, v31;
	[tilespmem:s8+$0x80] =	vst v35  }
0x2e1: {  	v37 =	vor.u32 v20, v47;
	[tilespmem:s8+$0xFFFFFF80] =	vst v40;
	v40 =	vor.u32 v32, v55;
	v43 =	vld.idx.msk [tilespmem:v43+s14+$0x0], $0xffff  }
0x2e2: {  	v45 =	vor.u32 v27, v56;
	[tilespmem:s8+$0x0] =	vst v41;
	v44 =	vld.idx.msk [tilespmem:v44+s14+$0x0], $0xffff;
	v40 =	vor.u32 v4, v40  }
0x2e3: {  	[tilespmem:s8+$0xFFFFFF00] =	vst v34;
	v34 =	vor.u32 v28, v58;
	v45 =	vor.u32 v4, v45;
	v36 =	vld.idx.msk [tilespmem:v36+s14+$0x0], $0xffff  }
0x2e4: {  	[tilespmem:s3+$0xFFFFFF40] =	vst v38;
	v34 =	vor.u32 v4, v34;
	v41 =	vor.u32 v23, v57;
	v42 =	vld.idx.msk [tilespmem:v42+s14+$0x0], $0xffff  }
0x2e5: {  	v24 =	vor.u32 v12, v24;
	v39 =	vld.idx.msk [tilespmem:v39+s14+$0x0], $0xffff;
	[tilespmem:s3+$0xD0] =	vst v62;
	v41 =	vor.u32 v4, v41  }
0x2e6: {  	v20 =	vor.u32 v20, v21;
	v59 =	vadd.s32 v7, v31;
	v62 =	vadd.s32 v7, v29;
	[tilespmem:s8+$0x90] =	vst v43  }
0x2e7: {  	v63 =	vadd.s32 v7, v26;
	[tilespmem:s8+$0xFFFFFF90] =	vst v44;
	v43 =	vor.u32 v32, v59;
	v40 =	vld.idx.msk [tilespmem:v40+s14+$0x0], $0xffff  }
0x2e8: {  	v44 =	vor.u32 v27, v60;
	[tilespmem:s8+$0x10] =	vst v36;
	v61 =	vld.idx.msk [tilespmem:v45+s14+$0x0], $0xffff;
	v43 =	vor.u32 v6, v43  }
0x2e9: {  	v36 =	vor.u32 v28, v62;
	v44 =	vor.u32 v6, v44;
	v34 =	vld.idx.msk [tilespmem:v34+s14+$0x0], $0xffff;
	[tilespmem:s8+$0xFFFFFF10] =	vst v42  }
0x2ea: {  	[tilespmem:s3+$0xFFFFFF50] =	vst v39;
	v39 =	vor.u32 v23, v63;
	v36 =	vor.u32 v6, v36;
	v41 =	vld.idx.msk [tilespmem:v41+s14+$0x0], $0xffff  }
0x2eb: {  	v21 =	vadd.s32 v9, v30;
	v17 =	vor.u32 v14, v17;
	[tilespmem:s3+$0x50] =	vst v48;
	v39 =	vor.u32 v6, v39  }
0x2ec: {  	v37 =	vor.u32 v12, v37;
	v46 =	vadd.s32 v9, v31;
	v21 =	vor.u32 v27, v21;
	[tilespmem:s8+$0xA0] =	vst v40  }
0x2ed: {  	v21 =	vor.u32 v8, v21;
	[tilespmem:s8+$0xFFFFFFA0] =	vst v61;
	v40 =	vor.u32 v32, v46;
	v45 =	vld.idx.msk [tilespmem:v43+s14+$0x0], $0xffff  }
0x2ee: {  	v48 =	vadd.s32 v9, v29;
	[tilespmem:s8+$0x20] =	vst v34;
	v47 =	vld.idx.msk [tilespmem:v44+s14+$0x0], $0xffff;
	v40 =	vor.u32 v8, v40  }
0x2ef: {  	v49 =	vadd.s32 v9, v26;
	v34 =	vor.u32 v28, v48;
	v36 =	vld.idx.msk [tilespmem:v36+s14+$0x0], $0xffff;
	[tilespmem:s8+$0xFFFFFF20] =	vst v41  }
0x2f0: {  	v19 =	vor.u32 v23, v19;
	v51 =	vor.u32 v23, v49;
	v34 =	vor.u32 v8, v34;
	v50 =	vld.idx.msk [tilespmem:v39+s14+$0x0], $0xffff  }
0x2f1: {  	v18 =	vor.u32 v14, v18;
	v53 =	vadd.s32 v11, v31;
	v37 =	vld.idx.msk [tilespmem:v37+s14+$0x0], $0xffff;
	v39 =	vor.u32 v8, v51  }
0x2f2: {  	v20 =	vor.u32 v14, v20;
	v33 =	vld.idx.msk [tilespmem:v33+s14+$0x0], $0xffff;
	v38 =	vor.u32 v32, v53;
	[tilespmem:s8+$0xB0] =	vst v45  }
0x2f3: {  	v38 =	vor.u32 v10, v38;
	v55 =	vor.u32 v27, v52;
	[tilespmem:s8+$0xFFFFFFB0] =	vst v47;
	v40 =	vld.idx.msk [tilespmem:v40+s14+$0x0], $0xffff  }
0x2f4: {  	v35 =	vor.u32 v12, v54;
	v54 =	vadd.s32 v11, v29;
	[tilespmem:s8+$0x30] =	vst v36;
	v21 =	vld.idx.msk [tilespmem:v21+s14+$0x0], $0xffff  }
0x2f5: {  	v57 =	vor.u32 v10, v55;
	v58 =	vor.u32 v28, v54;
	v56 =	vld.idx.msk [tilespmem:v34+s14+$0x0], $0xffff;
	[tilespmem:s8+$0xFFFFFF30] =	vst v50  }
0x2f6: {  	v22 =	vadd.s32 v13, v31;
	[tilespmem:s0+$0xE0] =	vst v37;
	v36 =	vor.u32 v10, v58;
	v59 =	vld.idx.msk [tilespmem:v39+s14+$0x0], $0xffff  }
0x2f7: {  	v19 =	vor.u32 v10, v19;
	v22 =	vor.u32 v32, v22;
	[tilespmem:s0+$0xFFFFFFE0] =	vst v33;
	v20 =	vld.idx.msk [tilespmem:v20+s14+$0x0], $0xffff  }
0x2f8: {  	v25 =	vadd.s32 v15, v31;
	v22 =	vor.u32 v12, v22;
	v24 =	vld.idx.msk [tilespmem:v24+s14+$0x0], $0xffff;
	[tilespmem:s8+$0xC0] =	vst v40  }
0x2f9: {  	v63 =	vadd.s32 v13, v26;
	v60 =	vadd.s32 v13, v30;
	[tilespmem:s8+$0xFFFFFFC0] =	vst v21;
	v21 =	vld.idx.msk [tilespmem:v38+s14+$0x0], $0xffff  }
0x2fa: {  	v62 =	vadd.s32 v13, v29;
	v61 =	vor.u32 v27, v60;
	[tilespmem:s8+$0x40] =	vst v56;
	v34 =	vld.idx.msk [tilespmem:v57+s14+$0x0], $0xffff  }
0x2fb: {  	v37 =	vor.u32 v28, v62;
	v33 =	vld.idx.msk [tilespmem:v36+s14+$0x0], $0xffff;
	[tilespmem:s8+$0xFFFFFF40] =	vst v59;
	v36 =	vor.u32 v12, v61  }
0x2fc: {  	[tilespmem:s0+$0xF0] =	vst v20;
	v20 =	vor.u32 v23, v63;
	v19 =	vld.idx.msk [tilespmem:v19+s14+$0x0], $0xffff;
	v38 =	vor.u32 v12, v37  }
0x2fd: {  	v25 =	vor.u32 v32, v25;
	v17 =	vld.idx.msk [tilespmem:v17+s14+$0x0], $0xffff;
	[tilespmem:s0+$0xFFFFFF60] =	vst v24;
	v20 =	vor.u32 v12, v20  }
0x2fe: {  	v16 =	vor.u32 v14, v16;
	v25 =	vor.u32 v14, v25;
	v35 =	vld.idx.msk [tilespmem:v35+s14+$0x0], $0xffff;
	[tilespmem:s8+$0xD0] =	vst v21  }
0x2ff: {  	[tilespmem:s8+$0xFFFFFFD0] =	vst v34;
	v21 =	vadd.s32 v15, v26;
	v26 =	vadd.s32 v15, v30;
	v22 =	vld.idx.msk [tilespmem:v22+s14+$0x0], $0xffff  }
0x300: {  	v29 =	vadd.s32 v15, v29;
	[tilespmem:s8+$0x50] =	vst v33;
	v30 =	vld.idx.msk [tilespmem:v36+s14+$0x0], $0xffff;
	v26 =	vor.u32 v27, v26  }
0x301: {  	[tilespmem:s8+$0xFFFFFF50] =	vst v19;
	v19 =	vld.idx.msk [tilespmem:v38+s14+$0x0], $0xffff;
	v27 =	vor.u32 v28, v29;
	v26 =	vor.u32 v14, v26  }
0x302: {  	[tilespmem:s0+$0xFFFFFFF0] =	vst v17;
	v20 =	vld.idx.msk [tilespmem:v20+s14+$0x0], $0xffff;
	v21 =	vor.u32 v23, v21;
	v24 =	vor.u32 v14, v27  }
0x303: {  	v16 =	vld.idx.msk [tilespmem:v16+s14+$0x0], $0xffff;
	[tilespmem:s0+$0x60] =	vst v35;
	v17 =	vor.u32 v14, v21  }
0x304: {  	v18 =	vld.idx.msk [tilespmem:v18+s14+$0x0], $0xffff;
	[tilespmem:s8+$0xE0] =	vst v22  }
0x305: {  	[tilespmem:s8+$0xFFFFFFE0] =	vst v30;
	v21 =	vld.idx.msk [tilespmem:v25+s14+$0x0], $0xffff  }
0x306: {  	[tilespmem:s8+$0x60] =	vst v19;
	v22 =	vld.idx.msk [tilespmem:v26+s14+$0x0], $0xffff  }
0x307: {  	[tilespmem:s8+$0xFFFFFF60] =	vst v20;
	v19 =	vld.idx.msk [tilespmem:v24+s14+$0x0], $0xffff  }
0x308: {  	[tilespmem:s0+$0xFFFFFF70] =	vst v16;
	v17 =	vld.idx.msk [tilespmem:v17+s14+$0x0], $0xffff  }
0x309: {  	[tilespmem:s0+$0x70] =	vst v18  }
0x30a: {  	s10 =	sshll.u32 s30, $0x15;
	s2 =	sshll.u32 s2, $0x7;
	[tilespmem:s8+$0xF0] =	vst v21  }
0x30b: {  	s0 =	sadd.s32 s10, s2;
	[tilespmem:s8+$0xFFFFFFF0] =	vst v22  }
0x30c: {  	s0 =	sshrl.u32 s0, $0x3;
	[tilespmem:s8+$0x70] =	vst v19  }
0x30d: {  	s0 =	sadd.s32 s4, s0;
	[tilespmem:s8+$0xFFFFFF70] =	vst v17  }
0x30e: {  	[hbm4b:s0+s6] =	stream.linear.scatter [tilespmem:s17], [sflag:$0x4], $0x2000, $0x38;
	[tilespmem:$0x1C080] =	vst v63  }
0x30f: {  	s29 =	simm.s32 $0x0;
	s30 =	simm.s32 $0x1;
	s0 =	sadd.s32 @!p0 $0x7, s25  }
0x310: {  	s31 =	simm.s32 $0x2;
	v16 =	vmov s29;
	v18 =	vmov s30;
	s3 =	sshrl.u32 @!p0 s0, $0x3;
	s0 =	sshll.u32 @!p0 s0, $0xF  }
0x311: {  	v17 =	vshll.u32 v16, $0x7;
	v16 =	vshll.u32 v16, $0x9;
	v19 =	vmov s31;
	s10 =	sshll.u32 @!p0 s3, $0x12;
	s0 =	sadd.s32 @!p0 s11, s0  }
0x312: {  	v24 =	vand.u32 $0x7000, v16;
	v16 =	vand.u32 $0x200, v17;
	v17 =	vshll.u32 v18, $0x7;
	s25 =	simm.s32 $0x3;
	s2 =	sshll.u32 @!p0 s3, $0x17;
	s0 =	ssub.s32 @!p0 s0, s10  }
0x313: {  	v22 =	vshll.u32 v19, $0x7;
	v18 =	vshll.u32 v18, $0x9;
	v20 =	vmov s25;
	s0 =	sadd.s32 @!p0 s2, s0  }
0x314: {  	v23 =	vshll.u32 v19, $0x9;
	v17 =	vand.u32 $0x280, v17;
	v21 =	vshll.u32 v20, $0x9;
	s0 =	sshrl.u32 @!p0 s0, $0x3  }
0x315: {  	v19 =	vand.u32 $0x7000, v18;
	s3 =	simm.s32 @!p0 $0x8080;
	v18 =	vshll.u32 v20, $0x7;
	v21 =	vand.u32 $0x7000, v21;
	s2 =	simm.s32 @!p0 $0x0;
	s0 =	sadd.s32 @!p0 s1, s0  }
0x316: {  	v25 =	vadd.s32 v1, v19;
	v20 =	vand.u32 $0x380, v18;
	v26 =	vadd.s32 v1, v21;
	[tilespmem:s3], [sflag:$0x2] =	stream.linear.gather @!p0 [hbm4b:s0+s2], $0x8000, $0x38;
	[tilespmem:$0x1C080] =	vst v63  }
0x317: {  	v18 =	vand.u32 $0x300, v22;
	v22 =	vand.u32 $0x7000, v23;
	v23 =	vor.u32 v20, v26;
	_ =	swait.ge [sflag:s20], $0x8000  }
0x318: {  	v25 =	vor.u32 v17, v25;
	v26 =	vadd.s32 v1, v22;
	v23 =	vor.u32 v0, v23;
	[sflag:s20] =	ssyncset.done $0x0  }
0x319: {  	v27 =	vadd.s32 v1, v24;
	v25 =	vor.u32 v0, v25;
	v26 =	vor.u32 v18, v26;
	[sflag:s20] =	ssyncadd.s32 $0xFFFF8000  }
0x31a: {  	v27 =	vor.u32 v16, v27;
	v26 =	vor.u32 v0, v26;
	_ =	swait.ge [sflag:s22], $0x2000  }
0x31b: {  	v27 =	vor.u32 v0, v27;
	[sflag:s22] =	ssyncset.done $0x0  }
0x31c: {  	[sflag:s22] =	ssyncadd.s32 $0xFFFFE000  }
0x31d: {  	v28 =	vadd.s32 v3, v21;
	v23 =	vld.idx.msk [tilespmem:v23+s15+$0x0], $0xffff  }
0x31e: {  	v28 =	vor.u32 v20, v28;
	v25 =	vld.idx.msk [tilespmem:v25+s15+$0x0], $0xffff  }
0x31f: {  	v31 =	vadd.s32 v3, v24;
	v29 =	vadd.s32 v3, v19;
	v28 =	vor.u32 v2, v28;
	v26 =	vld.idx.msk [tilespmem:v26+s15+$0x0], $0xffff  }
0x320: {  	v40 =	vadd.s32 v7, v24;
	v29 =	vor.u32 v17, v29;
	v30 =	vadd.s32 v3, v22;
	v27 =	vld.idx.msk [tilespmem:v27+s15+$0x0], $0xffff  }
0x321: {  	v49 =	vadd.s32 v9, v24;
	v29 =	vor.u32 v2, v29;
	v30 =	vor.u32 v18, v30;
	s2 =	simm.s32 $0x1A180  }
0x322: {  	v50 =	vadd.s32 v11, v24;
	v31 =	vor.u32 v16, v31;
	v30 =	vor.u32 v2, v30;
	[tilespmem:s2+$0x80] =	vst v23  }
0x323: {  	v39 =	vadd.s32 v5, v19;
	v42 =	vadd.s32 v7, v19;
	v31 =	vor.u32 v2, v31;
	[tilespmem:s2+$0xFFFFFF80] =	vst v25  }
0x324: {  	v32 =	vor.u32 v16, v40;
	[tilespmem:s2+$0x0] =	vst v26;
	v25 =	vld.idx.msk [tilespmem:v28+s15+$0x0], $0xffff;
	v28 =	vadd.s32 v5, v21  }
0x325: {  	v51 =	vadd.s32 v9, v19;
	v58 =	vor.u32 v16, v49;
	[tilespmem:s2+$0xFFFFFF00] =	vst v27;
	v26 =	vor.u32 v20, v28  }
0x326: {  	v27 =	vor.u32 v17, v39;
	v29 =	vld.idx.msk [tilespmem:v29+s15+$0x0], $0xffff;
	v28 =	vadd.s32 v5, v22;
	v26 =	vor.u32 v4, v26  }
0x327: {  	v23 =	vadd.s32 v5, v24;
	v30 =	vld.idx.msk [tilespmem:v30+s15+$0x0], $0xffff;
	v27 =	vor.u32 v4, v27;
	v28 =	vor.u32 v18, v28  }
0x328: {  	v61 =	vadd.s32 v11, v19;
	v23 =	vor.u32 v16, v23;
	v31 =	vld.idx.msk [tilespmem:v31+s15+$0x0], $0xffff;
	v28 =	vor.u32 v4, v28  }
0x329: {  	v45 =	vor.u32 v17, v42;
	v32 =	vor.u32 v6, v32;
	v23 =	vor.u32 v4, v23  }
0x32a: {  	v60 =	vor.u32 v8, v58;
	v43 =	vadd.s32 v7, v21;
	v44 =	vadd.s32 v7, v22;
	[tilespmem:s2+$0x90] =	vst v25  }
0x32b: {  	v33 =	vor.u32 v6, v45;
	v35 =	vor.u32 v20, v43;
	[tilespmem:s2+$0xFFFFFF90] =	vst v29;
	v29 =	vld.idx.msk [tilespmem:v26+s15+$0x0], $0xffff  }
0x32c: {  	s29 =	simm.s32 $0x4;
	v52 =	vadd.s32 v9, v21;
	v46 =	vor.u32 v6, v35;
	[tilespmem:s2+$0x10] =	vst v30;
	v27 =	vld.idx.msk [tilespmem:v27+s15+$0x0], $0xffff  }
0x32d: {  	v41 =	vmov s29;
	v47 =	vor.u32 v18, v44;
	v40 =	vor.u32 v20, v52;
	[tilespmem:s2+$0xFFFFFF10] =	vst v31;
	v28 =	vld.idx.msk [tilespmem:v28+s15+$0x0], $0xffff  }
0x32e: {  	s30 =	simm.s32 $0x5;
	s31 =	simm.s32 $0x6;
	v35 =	vor.u32 v6, v47;
	v55 =	vor.u32 v8, v40;
	v47 =	vadd.s32 v11, v22;
	v48 =	vld.idx.msk [tilespmem:v23+s15+$0x0], $0xffff  }
0x32f: {  	v25 =	vshll.u32 v41, $0x7;
	v30 =	vmov s30;
	v31 =	vmov s31  }
0x330: {  	v23 =	vand.u32 $0x200, v25;
	v25 =	vadd.s32 v15, v24;
	v53 =	vshll.u32 v31, $0x7;
	[tilespmem:s2+$0xA0] =	vst v29  }
0x331: {  	v31 =	vshll.u32 v31, $0x9;
	v26 =	vshll.u32 v41, $0x9;
	[tilespmem:s2+$0xFFFFFFA0] =	vst v27;
	v27 =	vadd.s32 v9, v22;
	v34 =	vld.idx.msk [tilespmem:v46+s15+$0x0], $0xffff  }
0x332: {  	v29 =	vshll.u32 v30, $0x7;
	v54 =	vld.idx.msk [tilespmem:v33+s15+$0x0], $0xffff;
	[tilespmem:s2+$0x20] =	vst v28;
	v28 =	vshll.u32 v30, $0x9;
	v30 =	vor.u32 v17, v51  }
0x333: {  	v26 =	vand.u32 $0x7000, v26;
	[tilespmem:s2+$0xFFFFFF20] =	vst v48;
	v27 =	vor.u32 v18, v27;
	v56 =	vld.idx.msk [tilespmem:v35+s15+$0x0], $0xffff;
	v57 =	vor.u32 v8, v30  }
0x334: {  	v32 =	vld.idx.msk [tilespmem:v32+s15+$0x0], $0xffff;
	v33 =	vadd.s32 v13, v19;
	v59 =	vor.u32 v8, v27;
	v27 =	vand.u32 $0x280, v29  }
0x335: {  	v46 =	vor.u32 v16, v50;
	v29 =	vadd.s32 v11, v21;
	v30 =	vadd.s32 v1, v26  }
0x336: {  	v63 =	vor.u32 v20, v29;
	v29 =	vand.u32 $0x7000, v31;
	v31 =	vor.u32 v17, v61;
	[tilespmem:s2+$0xB0] =	vst v34  }
0x337: {  	v39 =	vor.u32 v10, v46;
	v62 =	vor.u32 v23, v30;
	[tilespmem:s2+$0xFFFFFFB0] =	vst v54;
	v35 =	vld.idx.msk [tilespmem:v55+s15+$0x0], $0xffff  }
0x338: {  	v30 =	vand.u32 $0x7000, v28;
	v41 =	vor.u32 v10, v63;
	v44 =	vadd.s32 v1, v29;
	[tilespmem:s2+$0x30] =	vst v56;
	v36 =	vld.idx.msk [tilespmem:v57+s15+$0x0], $0xffff  }
0x339: {  	v28 =	vand.u32 $0x300, v53;
	v42 =	vor.u32 v10, v31;
	v31 =	vor.u32 v18, v47;
	[tilespmem:s2+$0xFFFFFF30] =	vst v32;
	v37 =	vld.idx.msk [tilespmem:v59+s15+$0x0], $0xffff  }
0x33a: {  	s8 =	simm.s32 $0x7;
	s3 =	simm.s32 $0x8;
	s0 =	simm.s32 $0x1A180;
	v40 =	vadd.s32 v1, v30;
	v43 =	vor.u32 v10, v31;
	v38 =	vld.idx.msk [tilespmem:v60+s15+$0x0], $0xffff;
	v34 =	vor.u32 v0, v62  }
.LBB2_13:
0x33b: {  	p0 =	slt.u32 s3, $0x3C;
	v31 =	vor.u32 v27, v40;
	v32 =	vor.u32 v28, v44;
	v40 =	vmov s8  }
0x33c: {  	v31 =	vor.u32 v0, v31;
	v32 =	vor.u32 v0, v32;
	v44 =	vshll.u32 v40, $0x9;
	[tilespmem:s2+$0xC0] =	vst v35  }
0x33d: {  	v40 =	vshll.u32 v40, $0x7;
	v35 =	vand.u32 $0x7000, v44;
	[tilespmem:s2+$0xFFFFFFC0] =	vst v36;
	v36 =	vld.idx.msk [tilespmem:v41+s15+$0x0], $0xffff;
	v41 =	vadd.s32 v13, v21  }
0x33e: {  	v40 =	vand.u32 $0x380, v40;
	v44 =	vadd.s32 v1, v35;
	v42 =	vld.idx.msk [tilespmem:v42+s15+$0x0], $0xffff;
	[tilespmem:s2+$0x40] =	vst v37;
	v37 =	vor.u32 v20, v41  }
0x33f: {  	v41 =	vor.u32 v40, v44;
	[tilespmem:s2+$0xFFFFFF40] =	vst v38;
	v38 =	vld.idx.msk [tilespmem:v43+s15+$0x0], $0xffff;
	v37 =	vor.u32 v12, v37  }
0x340: {  	v33 =	vor.u32 v17, v33;
	v43 =	vadd.s32 v13, v22;
	v41 =	vor.u32 v0, v41;
	v39 =	vld.idx.msk [tilespmem:v39+s15+$0x0], $0xffff  }
0x341: {  	v48 =	vadd.s32 v13, v24;
	v33 =	vor.u32 v12, v33;
	v43 =	vor.u32 v18, v43;
	v34 =	vld.idx.msk [tilespmem:v34+s15+$0x0], $0xffff  }
0x342: {  	v47 =	vor.u32 v16, v48;
	v44 =	vadd.s32 v5, v26;
	v43 =	vor.u32 v12, v43;
	v31 =	vld.idx.msk [tilespmem:v31+s15+$0x0], $0xffff  }
0x343: {  	v45 =	vadd.s32 v3, v26;
	v24 =	vmov v26;
	v46 =	vor.u32 v12, v47;
	v32 =	vld.idx.msk [tilespmem:v32+s15+$0x0], $0xffff;
	[tilespmem:s2+$0xD0] =	vst v36  }
0x344: {  	v26 =	vadd.s32 v3, v30;
	[tilespmem:s2+$0xFFFFFFD0] =	vst v42;
	v36 =	vld.idx.msk [tilespmem:v37+s15+$0x0], $0xffff;
	v37 =	vadd.s32 v15, v21;
	v21 =	vmov v35  }
0x345: {  	v35 =	vld.idx.msk [tilespmem:v41+s15+$0x0], $0xffff;
	v41 =	vadd.s32 v3, v21;
	[tilespmem:s2+$0x50] =	vst v38;
	v37 =	vor.u32 v20, v37;
	v20 =	vmov v40  }
0x346: {  	v38 =	vor.u32 v20, v41;
	[tilespmem:s2+$0xFFFFFF50] =	vst v39;
	v33 =	vld.idx.msk [tilespmem:v33+s15+$0x0], $0xffff;
	v37 =	vor.u32 v14, v37  }
0x347: {  	v26 =	vor.u32 v27, v26;
	v39 =	vadd.s32 v3, v29;
	v38 =	vor.u32 v2, v38;
	v40 =	vld.idx.msk [tilespmem:v43+s15+$0x0], $0xffff  }
0x348: {  	v26 =	vor.u32 v2, v26;
	v42 =	vadd.s32 v15, v19;
	v39 =	vor.u32 v28, v39;
	v41 =	vld.idx.msk [tilespmem:v46+s15+$0x0], $0xffff  }
0x349: {  	v22 =	vadd.s32 v15, v22;
	v19 =	vmovc v30;
	v43 =	vor.u32 v23, v45;
	v39 =	vor.u32 v2, v39  }
0x34a: {  	v42 =	vor.u32 v17, v42;
	s2 =	sadd.s32 $0x200, s2;
	v30 =	vor.u32 v2, v43;
	v43 =	vadd.s32 v5, v19;
	[tilespmem:s0+$0xE0] =	vst v36  }
0x34b: {  	v17 =	vmov v27;
	[tilespmem:s2+$0x80] =	vst v35;
	v35 =	vor.u32 v14, v42;
	v42 =	vor.u32 v18, v22;
	v36 =	vld.idx.msk [tilespmem:v37+s15+$0x0], $0xffff  }
0x34c: {  	v37 =	vadd.s32 v5, v21;
	v18 =	vmov v28;
	[tilespmem:s2+$0xFFFFFF80] =	vst v31;
	v27 =	vld.idx.msk [tilespmem:v38+s15+$0x0], $0xffff;
	v31 =	vor.u32 v14, v42  }
0x34d: {  	v28 =	vadd.s32 v5, v29;
	v22 =	vmov v29;
	v26 =	vld.idx.msk [tilespmem:v26+s15+$0x0], $0xffff;
	[tilespmem:s2+$0x0] =	vst v32;
	v32 =	vor.u32 v20, v37  }
0x34e: {  	v29 =	vor.u32 v17, v43;
	[tilespmem:s2+$0xFFFFFF00] =	vst v34;
	v34 =	vld.idx.msk [tilespmem:v39+s15+$0x0], $0xffff;
	v32 =	vor.u32 v4, v32  }
0x34f: {  	v29 =	vor.u32 v4, v29;
	v28 =	vor.u32 v18, v28;
	v30 =	vld.idx.msk [tilespmem:v30+s15+$0x0], $0xffff;
	[tilespmem:s0+$0xFFFFFFE0] =	vst v33  }
0x350: {  	v28 =	vor.u32 v4, v28;
	v33 =	vor.u32 v23, v44;
	v35 =	vld.idx.msk [tilespmem:v35+s15+$0x0], $0xffff;
	[tilespmem:s0+$0x60] =	vst v40  }
0x351: {  	v25 =	vor.u32 v16, v25;
	v16 =	vmov v23;
	v33 =	vor.u32 v4, v33;
	v31 =	vld.idx.msk [tilespmem:v31+s15+$0x0], $0xffff;
	[tilespmem:s0+$0xF0] =	vst v36  }
0x352: {  	v25 =	vor.u32 v14, v25;
	v23 =	vadd.s32 v7, v24;
	[tilespmem:s2+$0x90] =	vst v27  }
0x353: {  	v36 =	vadd.s32 v7, v21;
	v27 =	vmov s3;
	[tilespmem:s2+$0xFFFFFF90] =	vst v26;
	v26 =	vadd.s32 v7, v19;
	v32 =	vld.idx.msk [tilespmem:v32+s15+$0x0], $0xffff  }
0x354: {  	v36 =	vor.u32 v20, v36;
	v37 =	vshll.u32 v27, $0x7;
	v29 =	vld.idx.msk [tilespmem:v29+s15+$0x0], $0xffff;
	[tilespmem:s2+$0x10] =	vst v34;
	v34 =	vadd.s32 v7, v22  }
0x355: {  	s8 =	sadd.s32 $0x1, s3;
	v27 =	vshll.u32 v27, $0x9;
	v26 =	vor.u32 v17, v26;
	[tilespmem:s2+$0xFFFFFF10] =	vst v30;
	v28 =	vld.idx.msk [tilespmem:v28+s15+$0x0], $0xffff;
	v30 =	vor.u32 v6, v36  }
0x356: {  	v36 =	vmov s8;
	s8 =	sadd.s32 $0x2, s3;
	v38 =	vor.u32 v6, v26;
	v26 =	vor.u32 v18, v34;
	v33 =	vld.idx.msk [tilespmem:v33+s15+$0x0], $0xffff;
	[tilespmem:s0+$0xFFFFFF60] =	vst v41  }
0x357: {  	v39 =	vor.u32 v16, v23;
	v34 =	vmov s8;
	v40 =	vor.u32 v6, v26;
	v41 =	vld.idx.msk [tilespmem:v25+s15+$0x0], $0xffff;
	[tilespmem:s0+$0xFFFFFFF0] =	vst v35  }
0x358: {  	v23 =	vand.u32 $0x200, v37;
	v26 =	vand.u32 $0x7000, v27;
	v27 =	vor.u32 v6, v39;
	[tilespmem:s0+$0x70] =	vst v31  }
0x359: {  	v35 =	vadd.s32 v11, v24;
	v25 =	vadd.s32 v15, v24;
	v31 =	vadd.s32 v9, v24;
	[tilespmem:s2+$0xA0] =	vst v32  }
0x35a: {  	v37 =	vadd.s32 v9, v21;
	v32 =	vshll.u32 v36, $0x7;
	[tilespmem:s2+$0xFFFFFFA0] =	vst v29;
	v29 =	vadd.s32 v9, v19;
	v30 =	vld.idx.msk [tilespmem:v30+s15+$0x0], $0xffff  }
0x35b: {  	v37 =	vor.u32 v20, v37;
	v39 =	vshll.u32 v34, $0x7;
	v38 =	vld.idx.msk [tilespmem:v38+s15+$0x0], $0xffff;
	[tilespmem:s2+$0x20] =	vst v28;
	v28 =	vadd.s32 v9, v22  }
0x35c: {  	v37 =	vor.u32 v8, v37;
	v36 =	vshll.u32 v36, $0x9;
	v29 =	vor.u32 v17, v29;
	[tilespmem:s2+$0xFFFFFF20] =	vst v33;
	v42 =	vld.idx.msk [tilespmem:v40+s15+$0x0], $0xffff  }
0x35d: {  	v34 =	vshll.u32 v34, $0x9;
	v29 =	vor.u32 v8, v29;
	v43 =	vld.idx.msk [tilespmem:v27+s15+$0x0], $0xffff;
	v27 =	vor.u32 v18, v28;
	[tilespmem:s0+$0xFFFFFF70] =	vst v41;
	s0 =	smov.u32 s2  }
0x35e: {  	v31 =	vor.u32 v16, v31;
	v28 =	vadd.s32 v1, v26;
	v41 =	vor.u32 v8, v27  }
0x35f: {  	v31 =	vor.u32 v8, v31;
	v33 =	vadd.s32 v13, v19;
	v27 =	vand.u32 $0x280, v32  }
0x360: {  	v45 =	vadd.s32 v11, v22;
	v44 =	vadd.s32 v11, v19;
	v32 =	vor.u32 v16, v35;
	[tilespmem:s2+$0xB0] =	vst v30  }
.Ltmp5:
0x361: {  	v46 =	vor.u32 v23, v28;
	v30 =	vand.u32 $0x7000, v36;
	[tilespmem:s2+$0xFFFFFFB0] =	vst v38;
	v35 =	vld.idx.msk [tilespmem:v37+s15+$0x0], $0xffff;
	v37 =	vadd.s32 v11, v21;
	(pc) =	sbr.rel @p0 .LBB2_13-.Ltmp5, $4  }
0x362: {  	v28 =	vand.u32 $0x300, v39;
	v40 =	vadd.s32 v1, v30;
	v36 =	vld.idx.msk [tilespmem:v29+s15+$0x0], $0xffff;
	[tilespmem:s2+$0x30] =	vst v42;
	v38 =	vor.u32 v20, v37  }
0x363: {  	v29 =	vand.u32 $0x7000, v34;
	v34 =	vor.u32 v17, v44;
	[tilespmem:s2+$0xFFFFFF30] =	vst v43;
	v37 =	vld.idx.msk [tilespmem:v41+s15+$0x0], $0xffff;
	v41 =	vor.u32 v10, v38  }
0x364: {  	v44 =	vadd.s32 v1, v29;
	v42 =	vor.u32 v10, v34;
	v38 =	vld.idx.msk [tilespmem:v31+s15+$0x0], $0xffff;
	v31 =	vor.u32 v18, v45  }
0x365: {  	s8 =	sadd.s32 $0x3, s3;
	s3 =	sadd.s32 $0x4, s3;
	v39 =	vor.u32 v10, v32;
	v34 =	vor.u32 v0, v46;
	v43 =	vor.u32 v10, v31  }
0x366: {  	v32 =	vmov s8  }
0x367: {  	v40 =	vor.u32 v27, v40;
	v44 =	vor.u32 v28, v44;
	v48 =	vadd.s32 v13, v21  }
0x368: {  	v33 =	vor.u32 v17, v33;
	v51 =	vadd.s32 v3, v30;
	v52 =	vadd.s32 v13, v22  }
0x369: {  	v53 =	vadd.s32 v3, v29;
	v24 =	vadd.s32 v13, v24;
	v54 =	vadd.s32 v3, v26  }
0x36a: {  	v57 =	vadd.s32 v5, v30;
	v58 =	vadd.s32 v5, v26;
	v31 =	vshll.u32 v32, $0x9  }
0x36b: {  	[tilespmem:s2+$0xC0] =	vst v35;
	v32 =	vshll.u32 v32, $0x7;
	v40 =	vor.u32 v0, v40;
	v31 =	vand.u32 $0x7000, v31  }
0x36c: {  	[tilespmem:s2+$0xFFFFFFC0] =	vst v36;
	v63 =	vor.u32 v0, v44;
	v32 =	vand.u32 $0x380, v32;
	v45 =	vadd.s32 v1, v31  }
0x36d: {  	v59 =	vadd.s32 v5, v29;
	v47 =	vadd.s32 v7, v26;
	v42 =	vld.idx.msk [tilespmem:v42+s15+$0x0], $0xffff;
	v45 =	vor.u32 v32, v45  }
0x36e: {  	v34 =	vld.idx.msk [tilespmem:v34+s15+$0x0], $0xffff;
	v19 =	vadd.s32 v15, v19;
	v44 =	vor.u32 v27, v51;
	v61 =	vor.u32 v0, v45  }
0x36f: {  	v62 =	vld.idx.msk [tilespmem:v41+s15+$0x0], $0xffff;
	v36 =	vor.u32 v28, v53;
	v33 =	vor.u32 v12, v33;
	v55 =	vor.u32 v18, v52  }
0x370: {  	v24 =	vor.u32 v16, v24;
	v52 =	vadd.s32 v9, v30;
	v17 =	vor.u32 v17, v19;
	v40 =	vld.idx.msk [tilespmem:v40+s15+$0x0], $0xffff  }
0x371: {  	[tilespmem:s2+$0x40] =	vst v37;
	v44 =	vor.u32 v2, v44;
	v36 =	vor.u32 v2, v36;
	v41 =	vld.idx.msk [tilespmem:v63+s15+$0x0], $0xffff  }
0x372: {  	v49 =	vld.idx.msk [tilespmem:v43+s15+$0x0], $0xffff;
	v50 =	vadd.s32 v3, v31;
	[tilespmem:s2+$0xFFFFFFD0] =	vst v42;
	v42 =	vor.u32 v23, v54  }
0x373: {  	v16 =	vor.u32 v16, v25;
	v43 =	vor.u32 v32, v50;
	v42 =	vor.u32 v2, v42;
	v35 =	vld.idx.msk [tilespmem:v61+s15+$0x0], $0xffff  }
0x374: {  	s3 =	sadd.s32 $0x200, s2;
	v37 =	vor.u32 v20, v48;
	v24 =	vor.u32 v12, v24;
	[tilespmem:s2+$0xFFFFFF40] =	vst v38;
	v43 =	vor.u32 v2, v43  }
0x375: {  	v48 =	vadd.s32 v15, v21;
	v21 =	vor.u32 v27, v52;
	v39 =	vld.idx.msk [tilespmem:v39+s15+$0x0], $0xffff;
	[tilespmem:s3+$0xFFFFFF80] =	vst v40  }
0x376: {  	v56 =	vadd.s32 v5, v31;
	v45 =	vor.u32 v27, v57;
	[tilespmem:s3+$0x0] =	vst v41;
	v44 =	vld.idx.msk [tilespmem:v44+s15+$0x0], $0xffff  }
0x377: {  	[tilespmem:s3+$0xFFFFFF00] =	vst v34;
	v34 =	vor.u32 v28, v59;
	v45 =	vor.u32 v4, v45;
	v36 =	vld.idx.msk [tilespmem:v36+s15+$0x0], $0xffff  }
0x378: {  	v34 =	vor.u32 v4, v34;
	v41 =	vor.u32 v23, v58;
	v42 =	vld.idx.msk [tilespmem:v42+s15+$0x0], $0xffff;
	[tilespmem:s3+$0x80] =	vst v35  }
0x379: {  	[tilespmem:s2+$0xD0] =	vst v62;
	v40 =	vor.u32 v32, v56;
	v41 =	vor.u32 v4, v41;
	v43 =	vld.idx.msk [tilespmem:v43+s15+$0x0], $0xffff  }
0x37a: {  	v17 =	vor.u32 v14, v17;
	v16 =	vor.u32 v14, v16;
	[tilespmem:s2+$0xFFFFFF50] =	vst v39;
	v40 =	vor.u32 v4, v40  }
0x37b: {  	v37 =	vor.u32 v12, v37;
	v60 =	vadd.s32 v7, v31;
	v61 =	vadd.s32 v7, v30;
	[tilespmem:s3+$0xFFFFFF90] =	vst v44  }
0x37c: {  	v63 =	vadd.s32 v7, v29;
	v44 =	vor.u32 v27, v61;
	[tilespmem:s3+$0x10] =	vst v36;
	v62 =	vld.idx.msk [tilespmem:v45+s15+$0x0], $0xffff  }
0x37d: {  	v36 =	vor.u32 v28, v63;
	v44 =	vor.u32 v6, v44;
	v34 =	vld.idx.msk [tilespmem:v34+s15+$0x0], $0xffff;
	[tilespmem:s3+$0xFFFFFF10] =	vst v42  }
0x37e: {  	v39 =	vor.u32 v23, v47;
	v36 =	vor.u32 v6, v36;
	v41 =	vld.idx.msk [tilespmem:v41+s15+$0x0], $0xffff;
	[tilespmem:s3+$0x90] =	vst v43  }
0x37f: {  	v51 =	vor.u32 v20, v48;
	v39 =	vor.u32 v6, v39;
	v43 =	vor.u32 v32, v60;
	v40 =	vld.idx.msk [tilespmem:v40+s15+$0x0], $0xffff  }
0x380: {  	v21 =	vor.u32 v8, v21;
	v48 =	vadd.s32 v13, v30;
	v43 =	vor.u32 v6, v43  }
0x381: {  	v50 =	vadd.s32 v9, v31;
	v20 =	vor.u32 v14, v51;
	v37 =	vld.idx.msk [tilespmem:v37+s15+$0x0], $0xffff;
	[tilespmem:s3+$0xFFFFFFA0] =	vst v62  }
0x382: {  	v54 =	vadd.s32 v9, v29;
	v35 =	vor.u32 v12, v55;
	[tilespmem:s3+$0x20] =	vst v34;
	v53 =	vld.idx.msk [tilespmem:v44+s15+$0x0], $0xffff  }
0x383: {  	v55 =	vadd.s32 v9, v26;
	v34 =	vor.u32 v28, v54;
	v36 =	vld.idx.msk [tilespmem:v36+s15+$0x0], $0xffff;
	[tilespmem:s3+$0xFFFFFF20] =	vst v41  }
0x384: {  	v58 =	vor.u32 v23, v55;
	v34 =	vor.u32 v8, v34;
	v57 =	vld.idx.msk [tilespmem:v39+s15+$0x0], $0xffff;
	[tilespmem:s3+$0xA0] =	vst v40  }
0x385: {  	[tilespmem:s2+$0x50] =	vst v49;
	v39 =	vor.u32 v8, v58;
	v40 =	vor.u32 v32, v50;
	v49 =	vld.idx.msk [tilespmem:v43+s15+$0x0], $0xffff  }
0x386: {  	v51 =	vadd.s32 v13, v26;
	v33 =	vld.idx.msk [tilespmem:v33+s15+$0x0], $0xffff;
	v61 =	vadd.s32 v11, v29;
	v40 =	vor.u32 v8, v40  }
0x387: {  	v59 =	vadd.s32 v11, v30;
	v24 =	vld.idx.msk [tilespmem:v24+s15+$0x0], $0xffff;
	v42 =	vor.u32 v28, v61;
	[tilespmem:s3+$0xFFFFFFB0] =	vst v53  }
0x388: {  	v60 =	vadd.s32 v11, v31;
	v62 =	vor.u32 v27, v59;
	[tilespmem:s3+$0x30] =	vst v36;
	v21 =	vld.idx.msk [tilespmem:v21+s15+$0x0], $0xffff  }
0x389: {  	v41 =	vor.u32 v10, v62;
	v43 =	vadd.s32 v11, v26;
	v63 =	vld.idx.msk [tilespmem:v34+s15+$0x0], $0xffff;
	[tilespmem:s3+$0xFFFFFF30] =	vst v57  }
0x38a: {  	v36 =	vor.u32 v10, v42;
	v19 =	vor.u32 v23, v43;
	v44 =	vld.idx.msk [tilespmem:v39+s15+$0x0], $0xffff;
	[tilespmem:s3+$0xB0] =	vst v49  }
0x38b: {  	[tilespmem:s0+$0xE0] =	vst v37;
	v38 =	vor.u32 v32, v60;
	v19 =	vor.u32 v10, v19;
	v40 =	vld.idx.msk [tilespmem:v40+s15+$0x0], $0xffff  }
0x38c: {  	v52 =	vor.u32 v23, v51;
	[tilespmem:s0+$0xFFFFFFE0] =	vst v33;
	v20 =	vld.idx.msk [tilespmem:v20+s15+$0x0], $0xffff;
	v38 =	vor.u32 v10, v38  }
0x38d: {  	v47 =	vadd.s32 v13, v31;
	v56 =	vadd.s32 v15, v22;
	v17 =	vld.idx.msk [tilespmem:v17+s15+$0x0], $0xffff;
	[tilespmem:s3+$0xFFFFFFC0] =	vst v21  }
0x38e: {  	v50 =	vadd.s32 v13, v29;
	v49 =	vor.u32 v27, v48;
	[tilespmem:s3+$0x40] =	vst v63;
	v34 =	vld.idx.msk [tilespmem:v41+s15+$0x0], $0xffff  }
0x38f: {  	v37 =	vor.u32 v28, v50;
	v33 =	vld.idx.msk [tilespmem:v36+s15+$0x0], $0xffff;
	[tilespmem:s3+$0xFFFFFF40] =	vst v44;
	v36 =	vor.u32 v12, v49  }
0x390: {  	v22 =	vor.u32 v32, v47;
	v53 =	vor.u32 v12, v37;
	v19 =	vld.idx.msk [tilespmem:v19+s15+$0x0], $0xffff;
	[tilespmem:s3+$0xC0] =	vst v40  }
0x391: {  	v22 =	vor.u32 v12, v22;
	[tilespmem:s0+$0xF0] =	vst v20;
	v20 =	vor.u32 v12, v52;
	v46 =	vld.idx.msk [tilespmem:v38+s15+$0x0], $0xffff  }
0x392: {  	[tilespmem:s0+$0xFFFFFF60] =	vst v24;
	v55 =	vadd.s32 v15, v31;
	v45 =	vor.u32 v18, v56;
	v56 =	vadd.s32 v15, v30  }
0x393: {  	v18 =	vor.u32 v14, v45;
	v35 =	vld.idx.msk [tilespmem:v35+s15+$0x0], $0xffff;
	v54 =	vadd.s32 v15, v26;
	[tilespmem:s3+$0xFFFFFFD0] =	vst v34  }
0x394: {  	v58 =	vadd.s32 v15, v29;
	v26 =	vor.u32 v27, v56;
	[tilespmem:s3+$0x50] =	vst v33;
	v57 =	vld.idx.msk [tilespmem:v36+s15+$0x0], $0xffff  }
0x395: {  	v60 =	vor.u32 v28, v58;
	v26 =	vor.u32 v14, v26;
	[tilespmem:s3+$0xFFFFFF50] =	vst v19;
	v59 =	vld.idx.msk [tilespmem:v53+s15+$0x0], $0xffff  }
0x396: {  	v61 =	vor.u32 v14, v60;
	v21 =	vor.u32 v23, v54;
	v20 =	vld.idx.msk [tilespmem:v20+s15+$0x0], $0xffff;
	[tilespmem:s3+$0xD0] =	vst v46  }
0x397: {  	v25 =	vor.u32 v32, v55;
	[tilespmem:s0+$0xFFFFFFF0] =	vst v17;
	v17 =	vor.u32 v14, v21;
	v22 =	vld.idx.msk [tilespmem:v22+s15+$0x0], $0xffff  }
0x398: {  	v16 =	vld.idx.msk [tilespmem:v16+s15+$0x0], $0xffff;
	v25 =	vor.u32 v14, v25;
	[tilespmem:s0+$0x60] =	vst v35  }
0x399: {  	v18 =	vld.idx.msk [tilespmem:v18+s15+$0x0], $0xffff;
	[tilespmem:s3+$0xFFFFFFE0] =	vst v57  }
0x39a: {  	[tilespmem:s3+$0x60] =	vst v59;
	v63 =	vld.idx.msk [tilespmem:v26+s15+$0x0], $0xffff  }
0x39b: {  	v19 =	vld.idx.msk [tilespmem:v61+s15+$0x0], $0xffff;
	[tilespmem:s3+$0xFFFFFF60] =	vst v20  }
0x39c: {  	v17 =	vld.idx.msk [tilespmem:v17+s15+$0x0], $0xffff;
	[tilespmem:s3+$0xE0] =	vst v22  }
0x39d: {  	s24 =	sadd.s32 $0x1, s24;
	[tilespmem:s0+$0xFFFFFF70] =	vst v16;
	v62 =	vld.idx.msk [tilespmem:v25+s15+$0x0], $0xffff  }
0x39e: {  	p0 =	sne.s32 s24, $0x4;
	[tilespmem:s0+$0x70] =	vst v18  }
.Ltmp6:
0x39f: {  	s30 =	sshll.u32 s26, $0x15;
	s31 =	sshll.u32 s28, $0x7;
	[tilespmem:s3+$0xFFFFFFF0] =	vst v63;
	(pc) =	sbr.rel @p0 .LBB2_2-.Ltmp6, $4  }
0x3a0: {  	s0 =	sadd.s32 s30, s31;
	[tilespmem:s3+$0x70] =	vst v19  }
0x3a1: {  	s0 =	sshrl.u32 s0, $0x3;
	[tilespmem:s3+$0xFFFFFF70] =	vst v17  }
0x3a2: {  	s0 =	sadd.s32 s4, s0;
	[tilespmem:s3+$0xF0] =	vst v62  }
0x3a3: {  	[hbm4b:s0+s6] =	stream.linear.scatter [tilespmem:s19], [sflag:$0x5], $0x2000, $0x38;
	[tilespmem:$0x1C080] =	vst v63  }
0x3a4: {  	_ =	swait.ge [sflag:s21], $0x2000  }
0x3a5: {  	[sflag:s21] =	ssyncset.done $0x0  }
0x3a6: {  	[sflag:s21] =	ssyncadd.s32 $0xFFFFE000  }
0x3a7: {  	_ =	swait.ge [sflag:s22], $0x2000  }
0x3a8: {  	s23 =	sadd.s32 $0x1, s23;
	s0 =	rddreg [dreg:$0x5]  }
0x3a9: {  	p0 =	sne.s32 s23, s0  }
.Ltmp7:
0x3aa: {  	_ = 	snop;
	(pc) =	sbr.rel @p0 .LBB2_1-.Ltmp7, $3  }
0x3ab: {  	_ =	sdelay $0x1  }
0x3ac: {  	[sflag:s22] =	ssyncset.done $0x0  }
0x3ad: {  	[sflag:s22] =	ssyncadd.s32 $0xFFFFE000  }
0x3ae: {  	_ =	sfence.sel $0x180000  }
0x3af: {  	[bflag:$0x0] =	sbarrier.arrive $0xFFFF  }
0x3b0: {  	_ =	strace $0x90000047  }
0x3b1: {  	s0 =	stileid.u32;
	[bflag:$0x2] =	sbarrier.arrive $0xFFFF  }
0x3b2: {  	p0 =	sne.s32 s0, $0x0;
	s0 =	rddreg [dreg:$0x3]  }
0x3b3: {  	s0 =	sadd.s32 @!p0 $0x100000, s0  }
0x3b4: {  	[sflag:s0] =	ssyncadd.tile.s32 @!p0 $0x1;
	_ =	shalt  }
.Lfunc_end2:
_tile_overlayer_lowered:
.L_overlay_start_2:
0x3b5: {  	(tag) =	ssettag $0x2  }
0x3b6: {  	s0 =	rddreg [dreg:$0x0];
	s2 =	stileid.u32  }
0x3b7: {  	s1 =	rddreg [dreg:$0x1];
	p0 =	sne.s32 s2, $0x0  }
0x3b8: {  	s3 =	rddreg [dreg:$0x2];
	[bflag:$0x3] =	sbarrier.arrive $0xFFFF;
	s2 =	simm.s32 @!p0 $0x1C06  }
0x3b9: {  	[timem:s3], [sflag:s2] =	dma.local @!p0 [hbm:s0], s1  }
0x3ba: {  	s0 =	simm.s32 @!p0 $0x6  }
0x3bb: {  	_ =	swait.ge @!p0 [sflag:s0], s1  }
0x3bc: {  	s1 =	ssub.s32 @!p0 $0x0, s1;
	[sflag:s0] =	ssyncset.done @!p0 $0x0  }
0x3bd: {  	[sflag:s0] =	ssyncadd.s32 @!p0 s1  }
0x3be: {  	[bflag:$0x3] =	sbarrier.arrive $0xFFFF  }
0x3bf: {  	_ =	shalt  }

</sc_bundles>
